<compile_context>
chip_gen: v7x
topology: tpu7x:2x2x1
jax: 0.10.2.dev20260603
libtpu: 0.0.44.dev20260713+nightly
codegen_flags: <defaults>
</compile_context>

<pallas_src>
import functools

import jax
import jax.numpy as jnp
from jax import lax
from jax.experimental import pallas as pl
from jax.experimental.pallas import tpu as pltpu
from jax.experimental.pallas import tpu_sc as plsc

B, T, V = 16, 256, 96
W = 16
BLANK = V - 1
NV = V // 16


VP = 128


def _ls_body(x_ref, o_ref):
    x = x_ref[...]
    m = jnp.max(x, axis=-1, keepdims=True)
    s = x - m
    lp = s - jnp.log(jnp.sum(jnp.exp(s), axis=-1, keepdims=True))
    o_ref[...] = jnp.pad(lp, ((0, 0), (0, VP - V)))


_LS_GRID = 2


def _log_softmax_tc(x):
    rows = B * T // _LS_GRID
    return pl.pallas_call(
        _ls_body,
        grid=(_LS_GRID,),
        in_specs=[pl.BlockSpec((rows, V), lambda i: (i, 0))],
        out_specs=pl.BlockSpec((rows, VP), lambda i: (i, 0)),
        out_shape=jax.ShapeDtypeStruct((B * T, VP), jnp.float32),
    )(x)


def _take16(v, idx):
    return jnp.take_along_axis(v, idx, axis=0, mode="promise_in_bounds")


def _merge_ad(a, b):
    av, ap = a
    bv, bp = b
    cm = (av > bv) | ((av == bv) & (ap < bp))
    return jnp.where(cm, av, bv), jnp.where(cm, ap, bp)


def _sc_body(logp_hbm, dec_hbm, prob_hbm, logp_v, path_v, rec_v, dec_v, prob_v):
    cid = lax.axis_index("c")
    sid = lax.axis_index("s")

    @pl.when(sid < 8)
    def _():
        b = cid * 8 + sid
        pltpu.sync_copy(logp_hbm.at[pl.ds(b * T * VP, T * VP)], logp_v)
        iota = lax.iota(jnp.int32, 16)
        riota = 15 - iota
        pidx = jnp.maximum(iota - 1, 0)

        def xsortd(a):
            sv, sp = plsc.sort_key_val(a[0], a[1], descending=True)
            prev = _take16(sv, pidx)
            strict = jnp.where((prev > sv) & (iota > 0), 1, 0).astype(jnp.int32)
            key2 = (plsc.cumsum(strict) << 11) | sp
            _, sp2 = plsc.sort_key_val(key2, sp, descending=False)
            return sv, sp2

        def xsorta(a):
            sv, sp = plsc.sort_key_val(a[0], a[1], descending=False)
            prev = _take16(sv, pidx)
            strict = jnp.where((prev < sv) & (iota > 0), 1, 0).astype(jnp.int32)
            key2 = (plsc.cumsum(strict) << 11) | (2047 - sp)
            _, sp2 = plsc.sort_key_val(key2, sp, descending=False)
            return sv, sp2

        def top16x(t):
            parts = []
            for i in range(NV):
                v = logp_v[pl.ds(t * VP + 16 * i, 16)]
                p = iota + 16 * i
                parts.append((v, p))
            s0, s1 = xsortd(parts[0]), xsorta(parts[1])
            s2, s3 = xsortd(parts[2]), xsorta(parts[3])
            s4, s5 = xsortd(parts[4]), xsorta(parts[5])
            m01 = xsortd(_merge_ad(s0, s1))
            m23 = xsorta(_merge_ad(s2, s3))
            m45 = xsorta(_merge_ad(s4, s5))
            m0123 = xsortd(_merge_ad(m01, m23))
            lptv, lpti = xsortd(_merge_ad(m0123, m45))
            return lptv, _take16(lptv, riota), lpti, _take16(lpti, riota)

        def beam_update(t, scores, abc):
            lptv, lptva, lpti, lptia = abc
            lvl = []
            for k in range(8):
                we, wo = 2 * k, 2 * k + 1
                se = _take16(scores, jnp.full((16,), we, jnp.int32))
                so = _take16(scores, jnp.full((16,), wo, jnp.int32))
                m = _merge_ad((se + lptv, (we << 7) | lpti),
                              (so + lptva, (wo << 7) | lptia))
                lvl.append(xsortd(m) if k % 2 == 0 else xsorta(m))
            lvl = [_merge_ad(lvl[2 * k], lvl[2 * k + 1]) for k in range(4)]
            lvl = [xsortd(m) if k % 2 == 0 else xsorta(m)
                   for k, m in enumerate(lvl)]
            lvl = [_merge_ad(lvl[0], lvl[1]), _merge_ad(lvl[2], lvl[3])]
            rv, rp = xsortd(_merge_ad(xsortd(lvl[0]), xsorta(lvl[1])))
            rec_v[pl.ds(t * 16, 16)] = rp
            return rv

        lptv0, _, lpti0, _ = top16x(0)
        rec_v[pl.ds(0, 16)] = lpti0

        def step(t, carry):
            scores, abc = carry
            nxt = top16x(jnp.minimum(t + 1, T - 1))
            rv = beam_update(t, scores, abc)
            return rv, nxt

        scores, abc = lax.fori_loop(1, T, step, (lptv0, top16x(1)))

        lane0 = iota == 0

        def bstep(k, wv):
            t = T - 1 - k
            r = plsc.load_gather(rec_v, [jnp.full((16,), t * 16, jnp.int32) + wv])
            plsc.store_scatter(path_v, [jnp.full((16,), t, jnp.int32)],
                               r & 127, mask=lane0)
            return r >> 7

        wv = lax.fori_loop(0, T - 1, bstep, jnp.zeros((16,), jnp.int32))
        r0 = plsc.load_gather(rec_v, [wv])
        plsc.store_scatter(path_v, [jnp.zeros((16,), jnp.int32)],
                           r0 & 127, mask=lane0)

        for i in range(T // 16):
            dec_v[pl.ds(16 * i, 16)] = jnp.full((16,), -1, jnp.int32)
        running = jnp.int32(0)
        for i in range(T // 16):
            cur = path_v[pl.ds(16 * i, 16)]
            if i == 0:
                prev = plsc.load_gather(path_v, [jnp.maximum(iota - 1, 0)])
                prev = jnp.where(lane0, -1, prev)
            else:
                prev = plsc.load_gather(path_v, [iota + (16 * i - 1)])
            keep = (cur != prev) & (cur != BLANK)
            kint = jnp.where(keep, 1, 0).astype(jnp.int32)
            pos = plsc.cumsum(kint) + running - 1
            plsc.store_scatter(dec_v, [pos], cur, mask=keep)
            running = running + jnp.sum(kint)

        prob_v[...] = jnp.exp(scores)
        pltpu.sync_copy(dec_v, dec_hbm.at[pl.ds(b * T, T)])
        pltpu.sync_copy(prob_v, prob_hbm.at[pl.ds(b * 16, 16)])


@functools.cache
def _sc_decode():
    return pl.kernel(
        _sc_body,
        out_type=[
            jax.ShapeDtypeStruct((B * T,), jnp.int32),
            jax.ShapeDtypeStruct((B * 16,), jnp.float32),
        ],
        mesh=plsc.VectorSubcoreMesh(core_axis_name="c", subcore_axis_name="s"),
        compiler_params=pltpu.CompilerParams(needs_layout_passes=False),
        scratch_types=[
            pltpu.VMEM((T * VP,), jnp.float32),
            pltpu.VMEM((T,), jnp.int32),
            pltpu.VMEM((T * 16,), jnp.int32),
            pltpu.VMEM((T,), jnp.int32),
            pltpu.VMEM((16,), jnp.float32),
        ],
    )


def kernel(inputs):
    logp = _log_softmax_tc(inputs.reshape(B * T, V))
    dec, prob = _sc_decode()(logp.reshape(B * T * VP))
    decoded = dec.reshape(B, 1, T)
    probability = prob.reshape(B, 16)[:, :1]
    return decoded, probability

# --- scband reference (transcript-rebuilt; emitter-appended) ---
"""Pipeline reference for scband-ctcbeam-search-decoder-54434415509589 (READ-ONLY COPY).

The authoritative reference and input builder live on the scoring server;
editing this copy changes nothing except your own understanding.
"""

import jax, jax.numpy as jnp
import numpy as np

B, T, V = 16, 256, 96
W = 16          # beam_width
TOP_PATHS = 1
BLANK = V - 1   # tf.nn.ctc_beam_search_decoder uses blank = num_classes - 1


def setup_inputs(seed: int = 0) -> dict:
    key = jax.random.key(seed)
    logits = jax.random.normal(key, (B, T, V), dtype=jnp.float32)
    return {"inputs": logits}


def _collapse(top_paths_arr, T_len):
    # top_paths_arr: [B, P, T] int32 alignment paths -> CTC collapse
    Bp, P, Tt = top_paths_arr.shape
    prev = jnp.concatenate(
        [jnp.full((Bp, P, 1), -1, dtype=jnp.int32), top_paths_arr[:, :, :-1]], axis=2
    )
    keep = (top_paths_arr != prev) & (top_paths_arr != BLANK)
    ar = jnp.broadcast_to(jnp.arange(Tt)[None, None, :], keep.shape)
    # stable keep-first ordering without relying on stable-sort kwarg
    keys = jnp.where(keep, ar, ar + Tt)
    order = jnp.argsort(keys, axis=2)
    compacted = jnp.take_along_axis(top_paths_arr, order, axis=2)
    lengths = keep.sum(axis=2)
    mask = jnp.arange(Tt)[None, None, :] < lengths[:, :, None]
    decoded = jnp.where(mask, compacted, -1)  # -1 pads (stands in for string padding)
    return decoded


def reference(inputs):
    # Faithful jnp translation of CTCBeamSearchDecoder.call:
    #  - beam search decode over time-major log-probs (here computed from [B,T,V])
    #  - returns decoded label sequences (detokenization to strings is not
    #    expressible in jnp; decoded int ids are returned, padded with -1)
    #  - probability = exp(log_probability) of each returned path
    logp = jax.nn.log_softmax(inputs, axis=-1)  # [B, T, V]

    # init beams from t=0 via top-k (topk_masking core op)
    init_scores, init_tok = jax.lax.top_k(logp[:, 0, :], W)  # [B, W]
    paths0 = jnp.full((B, W, T), BLANK, dtype=jnp.int32)
    paths0 = paths0.at[:, :, 0].set(init_tok.astype(jnp.int32))

    def step(carry, t):
        paths, scores = carry
        lp_t = logp[:, t, :]                              # [B, V]
        cand = scores[:, :, None] + lp_t[:, None, :]      # [B, W, V]
        flat = cand.reshape(B, W * V)
        new_scores, idx = jax.lax.top_k(flat, W)          # prune to beam_width
        beam_idx = idx // V                               # [B, W]
        tok = (idx % V).astype(jnp.int32)
        paths = jnp.take_along_axis(paths, beam_idx[:, :, None], axis=1)
        paths = paths.at[:, :, t].set(tok)
        return (paths, new_scores), None

    (paths, scores), _ = jax.lax.scan(step, (paths0, init_scores), jnp.arange(1, T))

    top = paths[:, :TOP_PATHS, :]                         # [B, P, T]
    decoded = _collapse(top, T)                           # [B, P, T], -1 padded
    log_probability = scores[:, :TOP_PATHS]               # [B, P]
    probability = jnp.exp(log_probability)
    return decoded, probability

if __name__ == "__main__":
    import jax
    _d = setup_inputs()
    print(jax.jit(kernel)(*tuple(_d.values())))

</pallas_src>

<mosaic_0001>
#map = affine_map<(d0, d1) -> (0)>
module attributes {stable_mosaic.version = 14 : i64} {
  func.func @_sc_body(%arg0: i32, %arg1: i32, %arg2: memref<524288xf32, #tpu.memory_space<hbm>>, %arg3: memref<4096xi32, #tpu.memory_space<hbm>>, %arg4: memref<256xf32, #tpu.memory_space<hbm>>, %arg5: memref<32768xf32, #tpu.memory_space<vmem>>, %arg6: memref<256xi32, #tpu.memory_space<vmem>>, %arg7: memref<4096xi32, #tpu.memory_space<vmem>>, %arg8: memref<256xi32, #tpu.memory_space<vmem>>, %arg9: memref<16xf32, #tpu.memory_space<vmem>>) attributes {dimension_semantics = [#tpu.dimension_semantics<core_parallel>, #tpu.dimension_semantics<subcore_parallel>], iteration_bounds = array<i64: 2, 16>, scalar_prefetch = 0 : i64, scratch_operands = 5 : i64, tpu.core_type = #tpu.core_type<sc_vector_subcore>, window_params = [{transform_indices = #map}, {transform_indices = #map}, {transform_indices = #map}]} {
    %lt3A = arith.constant 8 : i32
    %lt3A_0 = arith.cmpi slt, %arg1, %lt3A : i32
    %convert_element_type3A = arith.extui %lt3A_0 : i1 to i32
    %cond3A = arith.constant 0 : i32
    %cond3A_1 = arith.cmpi ne, %convert_element_type3A, %cond3A : i32
    scf.if %cond3A_1 {
      %mul3A = arith.constant 8 : i32
      %mul3A_2 = arith.muli %arg0, %mul3A : i32
      %add3A = arith.addi %mul3A_2, %arg1 : i32
      %mul3A_3 = arith.constant 256 : i32
      %mul3A_4 = arith.muli %add3A, %mul3A_3 : i32
      %mul3A_5 = arith.constant 128 : i32
      %mul3A_6 = arith.muli %mul3A_4, %mul3A_5 : i32
      "tpu.region"() ({
        %run_scoped3A = tpu.sem_alloc : memref<!tpu.dma_semaphore, #tpu.memory_space<semaphore_mem>>
        %dma_start3A = tpu.memref_slice %arg2[%mul3A_6] : memref<524288xf32, #tpu.memory_space<hbm>> -> memref<32768xf32, #tpu.memory_space<hbm>>
        %dma_start3A_1440 = tpu.memref_slice %arg2[%mul3A_6] : memref<524288xf32, #tpu.memory_space<hbm>> -> memref<32768xf32, #tpu.memory_space<hbm>>
        tpu.enqueue_dma source(%dma_start3A_1440 : memref<32768xf32, #tpu.memory_space<hbm>>) target(%arg5 : memref<32768xf32, #tpu.memory_space<vmem>>) target_semaphore(%run_scoped3A : memref<!tpu.dma_semaphore, #tpu.memory_space<semaphore_mem>>)
        %dma_wait3A = tpu.memref_slice %arg2[%mul3A_6] : memref<524288xf32, #tpu.memory_space<hbm>> -> memref<32768xf32, #tpu.memory_space<hbm>>
        %dma_wait3A_1441 = tpu.memref_slice %arg2[%mul3A_6] : memref<524288xf32, #tpu.memory_space<hbm>> -> memref<32768xf32, #tpu.memory_space<hbm>>
        tpu.wait_dma2 semaphore(%run_scoped3A : memref<!tpu.dma_semaphore, #tpu.memory_space<semaphore_mem>>) src(%dma_wait3A_1441 : memref<32768xf32, #tpu.memory_space<hbm>>) dst(%arg5 : memref<32768xf32, #tpu.memory_space<vmem>>)
        tpu.yield
      }) : () -> ()
      %iota3A = tpu.iota {dimensions = array<i32: 0>} : vector<16xi32>
      %sub3A = arith.constant 15 : i32
      %sub3A_7 = vector.broadcast %sub3A : i32 to vector<16xi32>
      %sub3A_8 = arith.subi %sub3A_7, %iota3A : vector<16xi32>
      %sub3A_9 = arith.constant 1 : i32
      %sub3A_10 = vector.broadcast %sub3A_9 : i32 to vector<16xi32>
      %sub3A_11 = arith.subi %iota3A, %sub3A_10 : vector<16xi32>
      %max3A = arith.constant 0 : i32
      %max3A_12 = vector.broadcast %max3A : i32 to vector<16xi32>
      %max3A_13 = arith.maxsi %sub3A_11, %max3A_12 : vector<16xi32>
      %get3A = arith.constant 0 : index
      %get3A_14 = tpu.vector_load %arg5[%get3A] {strides = array<i32>} : memref<32768xf32, #tpu.memory_space<vmem>>, vector<16xf32>,
      %add3A_15 = arith.constant 0 : i32
      %add3A_16 = vector.broadcast %add3A_15 : i32 to vector<16xi32>
      %add3A_17 = arith.addi %iota3A, %add3A_16 : vector<16xi32>
      %get3A_18 = arith.constant 16 : index
      %get3A_19 = tpu.vector_load %arg5[%get3A_18] {strides = array<i32>} : memref<32768xf32, #tpu.memory_space<vmem>>, vector<16xf32>,
      %add3A_20 = arith.constant 16 : i32
      %add3A_21 = vector.broadcast %add3A_20 : i32 to vector<16xi32>
      %add3A_22 = arith.addi %iota3A, %add3A_21 : vector<16xi32>
      %get3A_23 = arith.constant 32 : index
      %get3A_24 = tpu.vector_load %arg5[%get3A_23] {strides = array<i32>} : memref<32768xf32, #tpu.memory_space<vmem>>, vector<16xf32>,
      %add3A_25 = arith.constant 32 : i32
      %add3A_26 = vector.broadcast %add3A_25 : i32 to vector<16xi32>
      %add3A_27 = arith.addi %iota3A, %add3A_26 : vector<16xi32>
      %get3A_28 = arith.constant 48 : index
      %get3A_29 = tpu.vector_load %arg5[%get3A_28] {strides = array<i32>} : memref<32768xf32, #tpu.memory_space<vmem>>, vector<16xf32>,
      %add3A_30 = arith.constant 48 : i32
      %add3A_31 = vector.broadcast %add3A_30 : i32 to vector<16xi32>
      %add3A_32 = arith.addi %iota3A, %add3A_31 : vector<16xi32>
      %get3A_33 = arith.constant 64 : index
      %get3A_34 = tpu.vector_load %arg5[%get3A_33] {strides = array<i32>} : memref<32768xf32, #tpu.memory_space<vmem>>, vector<16xf32>,
      %add3A_35 = arith.constant 64 : i32
      %add3A_36 = vector.broadcast %add3A_35 : i32 to vector<16xi32>
      %add3A_37 = arith.addi %iota3A, %add3A_36 : vector<16xi32>
      %get3A_38 = arith.constant 80 : index
      %get3A_39 = tpu.vector_load %arg5[%get3A_38] {strides = array<i32>} : memref<32768xf32, #tpu.memory_space<vmem>>, vector<16xf32>,
      %add3A_40 = arith.constant 80 : i32
      %add3A_41 = vector.broadcast %add3A_40 : i32 to vector<16xi32>
      %add3A_42 = arith.addi %iota3A, %add3A_41 : vector<16xi32>
      %masked_sort3A = arith.constant dense<true> : vector<16xi1>
      %masked_sort3A_43, %masked_sort3A_44, %masked_sort3A_45 = tpu.sort %get3A_14, %add3A_17 masked %masked_sort3A {descending = true} : (vector<16xf32>, vector<16xi32>, vector<16xi1>) -> (vector<16xi1>, vector<16xf32>, vector<16xi32>)
      %reshape3A = vector.shape_cast %max3A_13 : vector<16xi32> to vector<16x1xi32>
      %gather3A = vector.shape_cast %reshape3A : vector<16x1xi32> to vector<16xi32>
      %gather3A_46 = tpu.dynamic_gather %masked_sort3A_44[%gather3A] in [0] : vector<16xf32>, vector<16xi32> -> vector<16xf32>
      %gt3A = arith.cmpf ogt, %gather3A_46, %masked_sort3A_44 : vector<16xf32>
      %gt3A_47 = arith.constant 0 : i32
      %gt3A_48 = vector.broadcast %gt3A_47 : i32 to vector<16xi32>
      %gt3A_49 = arith.cmpi sgt, %iota3A, %gt3A_48 : vector<16xi32>
      %and3A = arith.andi %gt3A, %gt3A_49 : vector<16xi1>
      %jit3A = arith.constant 1 : i32
      %jit3A_50 = arith.constant 0 : i32
      %broadcast_in_dim3A = vector.broadcast %jit3A : i32 to vector<16xi32>
      %broadcast_in_dim3A_51 = vector.broadcast %jit3A_50 : i32 to vector<16xi32>
      %select_n3A = arith.select %and3A, %broadcast_in_dim3A, %broadcast_in_dim3A_51 : vector<16xi1>, vector<16xi32>
      %broadcast_in_dim3A_52 = arith.constant true
      %broadcast_in_dim3A_53 = vector.broadcast %broadcast_in_dim3A_52 : i1 to vector<16xi1>
      %masked_cumsum3A = tpu.scan <sum>, %select_n3A masked %broadcast_in_dim3A_53 : vector<16xi32>, vector<16xi1> -> vector<16xi32>
      %shift_left3A = arith.constant 11 : i32
      %shift_left3A_54 = vector.broadcast %shift_left3A : i32 to vector<16xi32>
      %shift_left3A_55 = arith.shli %masked_cumsum3A, %shift_left3A_54 : vector<16xi32>
      %or3A = arith.ori %shift_left3A_55, %masked_sort3A_45 : vector<16xi32>
      %masked_sort3A_56 = arith.constant dense<true> : vector<16xi1>
      %masked_sort3A_57 = arith.constant -2147483648 : i32
      %masked_sort3A_58 = vector.broadcast %masked_sort3A_57 : i32 to vector<16xi32>
      %masked_sort3A_59 = arith.xori %or3A, %masked_sort3A_58 : vector<16xi32>
      %masked_sort3A_60, %masked_sort3A_61, %masked_sort3A_62 = tpu.sort %masked_sort3A_59, %masked_sort3A_45 masked %masked_sort3A_56 : (vector<16xi32>, vector<16xi32>, vector<16xi1>) -> (vector<16xi1>, vector<16xi32>, vector<16xi32>)
      %masked_sort3A_63 = arith.xori %masked_sort3A_61, %masked_sort3A_58 : vector<16xi32>
      %masked_sort3A_64 = arith.constant dense<true> : vector<16xi1>
      %masked_sort3A_65, %masked_sort3A_66, %masked_sort3A_67 = tpu.sort %get3A_19, %add3A_22 masked %masked_sort3A_64 : (vector<16xf32>, vector<16xi32>, vector<16xi1>) -> (vector<16xi1>, vector<16xf32>, vector<16xi32>)
      %reshape3A_68 = vector.shape_cast %max3A_13 : vector<16xi32> to vector<16x1xi32>
      %gather3A_69 = vector.shape_cast %reshape3A_68 : vector<16x1xi32> to vector<16xi32>
      %gather3A_70 = tpu.dynamic_gather %masked_sort3A_66[%gather3A_69] in [0] : vector<16xf32>, vector<16xi32> -> vector<16xf32>
      %lt3A_71 = arith.cmpf olt, %gather3A_70, %masked_sort3A_66 : vector<16xf32>
      %gt3A_72 = arith.constant 0 : i32
      %gt3A_73 = vector.broadcast %gt3A_72 : i32 to vector<16xi32>
      %gt3A_74 = arith.cmpi sgt, %iota3A, %gt3A_73 : vector<16xi32>
      %and3A_75 = arith.andi %lt3A_71, %gt3A_74 : vector<16xi1>
      %jit3A_76 = arith.constant 1 : i32
      %jit3A_77 = arith.constant 0 : i32
      %broadcast_in_dim3A_78 = vector.broadcast %jit3A_76 : i32 to vector<16xi32>
      %broadcast_in_dim3A_79 = vector.broadcast %jit3A_77 : i32 to vector<16xi32>
      %select_n3A_80 = arith.select %and3A_75, %broadcast_in_dim3A_78, %broadcast_in_dim3A_79 : vector<16xi1>, vector<16xi32>
      %broadcast_in_dim3A_81 = arith.constant true
      %broadcast_in_dim3A_82 = vector.broadcast %broadcast_in_dim3A_81 : i1 to vector<16xi1>
      %masked_cumsum3A_83 = tpu.scan <sum>, %select_n3A_80 masked %broadcast_in_dim3A_82 : vector<16xi32>, vector<16xi1> -> vector<16xi32>
      %shift_left3A_84 = arith.constant 11 : i32
      %shift_left3A_85 = vector.broadcast %shift_left3A_84 : i32 to vector<16xi32>
      %shift_left3A_86 = arith.shli %masked_cumsum3A_83, %shift_left3A_85 : vector<16xi32>
      %sub3A_87 = arith.constant 2047 : i32
      %sub3A_88 = vector.broadcast %sub3A_87 : i32 to vector<16xi32>
      %sub3A_89 = arith.subi %sub3A_88, %masked_sort3A_67 : vector<16xi32>
      %or3A_90 = arith.ori %shift_left3A_86, %sub3A_89 : vector<16xi32>
      %masked_sort3A_91 = arith.constant dense<true> : vector<16xi1>
      %masked_sort3A_92 = arith.constant -2147483648 : i32
      %masked_sort3A_93 = vector.broadcast %masked_sort3A_92 : i32 to vector<16xi32>
      %masked_sort3A_94 = arith.xori %or3A_90, %masked_sort3A_93 : vector<16xi32>
      %masked_sort3A_95, %masked_sort3A_96, %masked_sort3A_97 = tpu.sort %masked_sort3A_94, %masked_sort3A_67 masked %masked_sort3A_91 : (vector<16xi32>, vector<16xi32>, vector<16xi1>) -> (vector<16xi1>, vector<16xi32>, vector<16xi32>)
      %masked_sort3A_98 = arith.xori %masked_sort3A_96, %masked_sort3A_93 : vector<16xi32>
      %masked_sort3A_99 = arith.constant dense<true> : vector<16xi1>
      %masked_sort3A_100, %masked_sort3A_101, %masked_sort3A_102 = tpu.sort %get3A_24, %add3A_27 masked %masked_sort3A_99 {descending = true} : (vector<16xf32>, vector<16xi32>, vector<16xi1>) -> (vector<16xi1>, vector<16xf32>, vector<16xi32>)
      %reshape3A_103 = vector.shape_cast %max3A_13 : vector<16xi32> to vector<16x1xi32>
      %gather3A_104 = vector.shape_cast %reshape3A_103 : vector<16x1xi32> to vector<16xi32>
      %gather3A_105 = tpu.dynamic_gather %masked_sort3A_101[%gather3A_104] in [0] : vector<16xf32>, vector<16xi32> -> vector<16xf32>
      %gt3A_106 = arith.cmpf ogt, %gather3A_105, %masked_sort3A_101 : vector<16xf32>
      %gt3A_107 = arith.constant 0 : i32
      %gt3A_108 = vector.broadcast %gt3A_107 : i32 to vector<16xi32>
      %gt3A_109 = arith.cmpi sgt, %iota3A, %gt3A_108 : vector<16xi32>
      %and3A_110 = arith.andi %gt3A_106, %gt3A_109 : vector<16xi1>
      %jit3A_111 = arith.constant 1 : i32
      %jit3A_112 = arith.constant 0 : i32
      %broadcast_in_dim3A_113 = vector.broadcast %jit3A_111 : i32 to vector<16xi32>
      %broadcast_in_dim3A_114 = vector.broadcast %jit3A_112 : i32 to vector<16xi32>
      %select_n3A_115 = arith.select %and3A_110, %broadcast_in_dim3A_113, %broadcast_in_dim3A_114 : vector<16xi1>, vector<16xi32>
      %broadcast_in_dim3A_116 = arith.constant true
      %broadcast_in_dim3A_117 = vector.broadcast %broadcast_in_dim3A_116 : i1 to vector<16xi1>
      %masked_cumsum3A_118 = tpu.scan <sum>, %select_n3A_115 masked %broadcast_in_dim3A_117 : vector<16xi32>, vector<16xi1> -> vector<16xi32>
      %shift_left3A_119 = arith.constant 11 : i32
      %shift_left3A_120 = vector.broadcast %shift_left3A_119 : i32 to vector<16xi32>
      %shift_left3A_121 = arith.shli %masked_cumsum3A_118, %shift_left3A_120 : vector<16xi32>
      %or3A_122 = arith.ori %shift_left3A_121, %masked_sort3A_102 : vector<16xi32>
      %masked_sort3A_123 = arith.constant dense<true> : vector<16xi1>
      %masked_sort3A_124 = arith.constant -2147483648 : i32
      %masked_sort3A_125 = vector.broadcast %masked_sort3A_124 : i32 to vector<16xi32>
      %masked_sort3A_126 = arith.xori %or3A_122, %masked_sort3A_125 : vector<16xi32>
      %masked_sort3A_127, %masked_sort3A_128, %masked_sort3A_129 = tpu.sort %masked_sort3A_126, %masked_sort3A_102 masked %masked_sort3A_123 : (vector<16xi32>, vector<16xi32>, vector<16xi1>) -> (vector<16xi1>, vector<16xi32>, vector<16xi32>)
      %masked_sort3A_130 = arith.xori %masked_sort3A_128, %masked_sort3A_125 : vector<16xi32>
      %masked_sort3A_131 = arith.constant dense<true> : vector<16xi1>
      %masked_sort3A_132, %masked_sort3A_133, %masked_sort3A_134 = tpu.sort %get3A_29, %add3A_32 masked %masked_sort3A_131 : (vector<16xf32>, vector<16xi32>, vector<16xi1>) -> (vector<16xi1>, vector<16xf32>, vector<16xi32>)
      %reshape3A_135 = vector.shape_cast %max3A_13 : vector<16xi32> to vector<16x1xi32>
      %gather3A_136 = vector.shape_cast %reshape3A_135 : vector<16x1xi32> to vector<16xi32>
      %gather3A_137 = tpu.dynamic_gather %masked_sort3A_133[%gather3A_136] in [0] : vector<16xf32>, vector<16xi32> -> vector<16xf32>
      %lt3A_138 = arith.cmpf olt, %gather3A_137, %masked_sort3A_133 : vector<16xf32>
      %gt3A_139 = arith.constant 0 : i32
      %gt3A_140 = vector.broadcast %gt3A_139 : i32 to vector<16xi32>
      %gt3A_141 = arith.cmpi sgt, %iota3A, %gt3A_140 : vector<16xi32>
      %and3A_142 = arith.andi %lt3A_138, %gt3A_141 : vector<16xi1>
      %jit3A_143 = arith.constant 1 : i32
      %jit3A_144 = arith.constant 0 : i32
      %broadcast_in_dim3A_145 = vector.broadcast %jit3A_143 : i32 to vector<16xi32>
      %broadcast_in_dim3A_146 = vector.broadcast %jit3A_144 : i32 to vector<16xi32>
      %select_n3A_147 = arith.select %and3A_142, %broadcast_in_dim3A_145, %broadcast_in_dim3A_146 : vector<16xi1>, vector<16xi32>
      %broadcast_in_dim3A_148 = arith.constant true
      %broadcast_in_dim3A_149 = vector.broadcast %broadcast_in_dim3A_148 : i1 to vector<16xi1>
      %masked_cumsum3A_150 = tpu.scan <sum>, %select_n3A_147 masked %broadcast_in_dim3A_149 : vector<16xi32>, vector<16xi1> -> vector<16xi32>
      %shift_left3A_151 = arith.constant 11 : i32
      %shift_left3A_152 = vector.broadcast %shift_left3A_151 : i32 to vector<16xi32>
      %shift_left3A_153 = arith.shli %masked_cumsum3A_150, %shift_left3A_152 : vector<16xi32>
      %sub3A_154 = arith.constant 2047 : i32
      %sub3A_155 = vector.broadcast %sub3A_154 : i32 to vector<16xi32>
      %sub3A_156 = arith.subi %sub3A_155, %masked_sort3A_134 : vector<16xi32>
      %or3A_157 = arith.ori %shift_left3A_153, %sub3A_156 : vector<16xi32>
      %masked_sort3A_158 = arith.constant dense<true> : vector<16xi1>
      %masked_sort3A_159 = arith.constant -2147483648 : i32
      %masked_sort3A_160 = vector.broadcast %masked_sort3A_159 : i32 to vector<16xi32>
      %masked_sort3A_161 = arith.xori %or3A_157, %masked_sort3A_160 : vector<16xi32>
      %masked_sort3A_162, %masked_sort3A_163, %masked_sort3A_164 = tpu.sort %masked_sort3A_161, %masked_sort3A_134 masked %masked_sort3A_158 : (vector<16xi32>, vector<16xi32>, vector<16xi1>) -> (vector<16xi1>, vector<16xi32>, vector<16xi32>)
      %masked_sort3A_165 = arith.xori %masked_sort3A_163, %masked_sort3A_160 : vector<16xi32>
      %masked_sort3A_166 = arith.constant dense<true> : vector<16xi1>
      %masked_sort3A_167, %masked_sort3A_168, %masked_sort3A_169 = tpu.sort %get3A_34, %add3A_37 masked %masked_sort3A_166 {descending = true} : (vector<16xf32>, vector<16xi32>, vector<16xi1>) -> (vector<16xi1>, vector<16xf32>, vector<16xi32>)
      %reshape3A_170 = vector.shape_cast %max3A_13 : vector<16xi32> to vector<16x1xi32>
      %gather3A_171 = vector.shape_cast %reshape3A_170 : vector<16x1xi32> to vector<16xi32>
      %gather3A_172 = tpu.dynamic_gather %masked_sort3A_168[%gather3A_171] in [0] : vector<16xf32>, vector<16xi32> -> vector<16xf32>
      %gt3A_173 = arith.cmpf ogt, %gather3A_172, %masked_sort3A_168 : vector<16xf32>
      %gt3A_174 = arith.constant 0 : i32
      %gt3A_175 = vector.broadcast %gt3A_174 : i32 to vector<16xi32>
      %gt3A_176 = arith.cmpi sgt, %iota3A, %gt3A_175 : vector<16xi32>
      %and3A_177 = arith.andi %gt3A_173, %gt3A_176 : vector<16xi1>
      %jit3A_178 = arith.constant 1 : i32
      %jit3A_179 = arith.constant 0 : i32
      %broadcast_in_dim3A_180 = vector.broadcast %jit3A_178 : i32 to vector<16xi32>
      %broadcast_in_dim3A_181 = vector.broadcast %jit3A_179 : i32 to vector<16xi32>
      %select_n3A_182 = arith.select %and3A_177, %broadcast_in_dim3A_180, %broadcast_in_dim3A_181 : vector<16xi1>, vector<16xi32>
      %broadcast_in_dim3A_183 = arith.constant true
      %broadcast_in_dim3A_184 = vector.broadcast %broadcast_in_dim3A_183 : i1 to vector<16xi1>
      %masked_cumsum3A_185 = tpu.scan <sum>, %select_n3A_182 masked %broadcast_in_dim3A_184 : vector<16xi32>, vector<16xi1> -> vector<16xi32>
      %shift_left3A_186 = arith.constant 11 : i32
      %shift_left3A_187 = vector.broadcast %shift_left3A_186 : i32 to vector<16xi32>
      %shift_left3A_188 = arith.shli %masked_cumsum3A_185, %shift_left3A_187 : vector<16xi32>
      %or3A_189 = arith.ori %shift_left3A_188, %masked_sort3A_169 : vector<16xi32>
      %masked_sort3A_190 = arith.constant dense<true> : vector<16xi1>
      %masked_sort3A_191 = arith.constant -2147483648 : i32
      %masked_sort3A_192 = vector.broadcast %masked_sort3A_191 : i32 to vector<16xi32>
      %masked_sort3A_193 = arith.xori %or3A_189, %masked_sort3A_192 : vector<16xi32>
      %masked_sort3A_194, %masked_sort3A_195, %masked_sort3A_196 = tpu.sort %masked_sort3A_193, %masked_sort3A_169 masked %masked_sort3A_190 : (vector<16xi32>, vector<16xi32>, vector<16xi1>) -> (vector<16xi1>, vector<16xi32>, vector<16xi32>)
      %masked_sort3A_197 = arith.xori %masked_sort3A_195, %masked_sort3A_192 : vector<16xi32>
      %masked_sort3A_198 = arith.constant dense<true> : vector<16xi1>
      %masked_sort3A_199, %masked_sort3A_200, %masked_sort3A_201 = tpu.sort %get3A_39, %add3A_42 masked %masked_sort3A_198 : (vector<16xf32>, vector<16xi32>, vector<16xi1>) -> (vector<16xi1>, vector<16xf32>, vector<16xi32>)
      %reshape3A_202 = vector.shape_cast %max3A_13 : vector<16xi32> to vector<16x1xi32>
      %gather3A_203 = vector.shape_cast %reshape3A_202 : vector<16x1xi32> to vector<16xi32>
      %gather3A_204 = tpu.dynamic_gather %masked_sort3A_200[%gather3A_203] in [0] : vector<16xf32>, vector<16xi32> -> vector<16xf32>
      %lt3A_205 = arith.cmpf olt, %gather3A_204, %masked_sort3A_200 : vector<16xf32>
      %gt3A_206 = arith.constant 0 : i32
      %gt3A_207 = vector.broadcast %gt3A_206 : i32 to vector<16xi32>
      %gt3A_208 = arith.cmpi sgt, %iota3A, %gt3A_207 : vector<16xi32>
      %and3A_209 = arith.andi %lt3A_205, %gt3A_208 : vector<16xi1>
      %jit3A_210 = arith.constant 1 : i32
      %jit3A_211 = arith.constant 0 : i32
      %broadcast_in_dim3A_212 = vector.broadcast %jit3A_210 : i32 to vector<16xi32>
      %broadcast_in_dim3A_213 = vector.broadcast %jit3A_211 : i32 to vector<16xi32>
      %select_n3A_214 = arith.select %and3A_209, %broadcast_in_dim3A_212, %broadcast_in_dim3A_213 : vector<16xi1>, vector<16xi32>
      %broadcast_in_dim3A_215 = arith.constant true
      %broadcast_in_dim3A_216 = vector.broadcast %broadcast_in_dim3A_215 : i1 to vector<16xi1>
      %masked_cumsum3A_217 = tpu.scan <sum>, %select_n3A_214 masked %broadcast_in_dim3A_216 : vector<16xi32>, vector<16xi1> -> vector<16xi32>
      %shift_left3A_218 = arith.constant 11 : i32
      %shift_left3A_219 = vector.broadcast %shift_left3A_218 : i32 to vector<16xi32>
      %shift_left3A_220 = arith.shli %masked_cumsum3A_217, %shift_left3A_219 : vector<16xi32>
      %sub3A_221 = arith.constant 2047 : i32
      %sub3A_222 = vector.broadcast %sub3A_221 : i32 to vector<16xi32>
      %sub3A_223 = arith.subi %sub3A_222, %masked_sort3A_201 : vector<16xi32>
      %or3A_224 = arith.ori %shift_left3A_220, %sub3A_223 : vector<16xi32>
      %masked_sort3A_225 = arith.constant dense<true> : vector<16xi1>
      %masked_sort3A_226 = arith.constant -2147483648 : i32
      %masked_sort3A_227 = vector.broadcast %masked_sort3A_226 : i32 to vector<16xi32>
      %masked_sort3A_228 = arith.xori %or3A_224, %masked_sort3A_227 : vector<16xi32>
      %masked_sort3A_229, %masked_sort3A_230, %masked_sort3A_231 = tpu.sort %masked_sort3A_228, %masked_sort3A_201 masked %masked_sort3A_225 : (vector<16xi32>, vector<16xi32>, vector<16xi1>) -> (vector<16xi1>, vector<16xi32>, vector<16xi32>)
      %masked_sort3A_232 = arith.xori %masked_sort3A_230, %masked_sort3A_227 : vector<16xi32>
      %gt3A_233 = arith.cmpf ogt, %masked_sort3A_44, %masked_sort3A_66 : vector<16xf32>
      %eq3A = arith.cmpf oeq, %masked_sort3A_44, %masked_sort3A_66 : vector<16xf32>
      %lt3A_234 = arith.cmpi slt, %masked_sort3A_62, %masked_sort3A_97 : vector<16xi32>
      %and3A_235 = arith.andi %eq3A, %lt3A_234 : vector<16xi1>
      %or3A_236 = arith.ori %gt3A_233, %and3A_235 : vector<16xi1>
      %select_n3A_237 = arith.select %or3A_236, %masked_sort3A_44, %masked_sort3A_66 : vector<16xi1>, vector<16xf32>
      %select_n3A_238 = arith.select %or3A_236, %masked_sort3A_62, %masked_sort3A_97 : vector<16xi1>, vector<16xi32>
      %masked_sort3A_239 = arith.constant dense<true> : vector<16xi1>
      %masked_sort3A_240, %masked_sort3A_241, %masked_sort3A_242 = tpu.sort %select_n3A_237, %select_n3A_238 masked %masked_sort3A_239 {descending = true} : (vector<16xf32>, vector<16xi32>, vector<16xi1>) -> (vector<16xi1>, vector<16xf32>, vector<16xi32>)
      %reshape3A_243 = vector.shape_cast %max3A_13 : vector<16xi32> to vector<16x1xi32>
      %gather3A_244 = vector.shape_cast %reshape3A_243 : vector<16x1xi32> to vector<16xi32>
      %gather3A_245 = tpu.dynamic_gather %masked_sort3A_241[%gather3A_244] in [0] : vector<16xf32>, vector<16xi32> -> vector<16xf32>
      %gt3A_246 = arith.cmpf ogt, %gather3A_245, %masked_sort3A_241 : vector<16xf32>
      %gt3A_247 = arith.constant 0 : i32
      %gt3A_248 = vector.broadcast %gt3A_247 : i32 to vector<16xi32>
      %gt3A_249 = arith.cmpi sgt, %iota3A, %gt3A_248 : vector<16xi32>
      %and3A_250 = arith.andi %gt3A_246, %gt3A_249 : vector<16xi1>
      %jit3A_251 = arith.constant 1 : i32
      %jit3A_252 = arith.constant 0 : i32
      %broadcast_in_dim3A_253 = vector.broadcast %jit3A_251 : i32 to vector<16xi32>
      %broadcast_in_dim3A_254 = vector.broadcast %jit3A_252 : i32 to vector<16xi32>
      %select_n3A_255 = arith.select %and3A_250, %broadcast_in_dim3A_253, %broadcast_in_dim3A_254 : vector<16xi1>, vector<16xi32>
      %broadcast_in_dim3A_256 = arith.constant true
      %broadcast_in_dim3A_257 = vector.broadcast %broadcast_in_dim3A_256 : i1 to vector<16xi1>
      %masked_cumsum3A_258 = tpu.scan <sum>, %select_n3A_255 masked %broadcast_in_dim3A_257 : vector<16xi32>, vector<16xi1> -> vector<16xi32>
      %shift_left3A_259 = arith.constant 11 : i32
      %shift_left3A_260 = vector.broadcast %shift_left3A_259 : i32 to vector<16xi32>
      %shift_left3A_261 = arith.shli %masked_cumsum3A_258, %shift_left3A_260 : vector<16xi32>
      %or3A_262 = arith.ori %shift_left3A_261, %masked_sort3A_242 : vector<16xi32>
      %masked_sort3A_263 = arith.constant dense<true> : vector<16xi1>
      %masked_sort3A_264 = arith.constant -2147483648 : i32
      %masked_sort3A_265 = vector.broadcast %masked_sort3A_264 : i32 to vector<16xi32>
      %masked_sort3A_266 = arith.xori %or3A_262, %masked_sort3A_265 : vector<16xi32>
      %masked_sort3A_267, %masked_sort3A_268, %masked_sort3A_269 = tpu.sort %masked_sort3A_266, %masked_sort3A_242 masked %masked_sort3A_263 : (vector<16xi32>, vector<16xi32>, vector<16xi1>) -> (vector<16xi1>, vector<16xi32>, vector<16xi32>)
      %masked_sort3A_270 = arith.xori %masked_sort3A_268, %masked_sort3A_265 : vector<16xi32>
      %gt3A_271 = arith.cmpf ogt, %masked_sort3A_101, %masked_sort3A_133 : vector<16xf32>
      %eq3A_272 = arith.cmpf oeq, %masked_sort3A_101, %masked_sort3A_133 : vector<16xf32>
      %lt3A_273 = arith.cmpi slt, %masked_sort3A_129, %masked_sort3A_164 : vector<16xi32>
      %and3A_274 = arith.andi %eq3A_272, %lt3A_273 : vector<16xi1>
      %or3A_275 = arith.ori %gt3A_271, %and3A_274 : vector<16xi1>
      %select_n3A_276 = arith.select %or3A_275, %masked_sort3A_101, %masked_sort3A_133 : vector<16xi1>, vector<16xf32>
      %select_n3A_277 = arith.select %or3A_275, %masked_sort3A_129, %masked_sort3A_164 : vector<16xi1>, vector<16xi32>
      %masked_sort3A_278 = arith.constant dense<true> : vector<16xi1>
      %masked_sort3A_279, %masked_sort3A_280, %masked_sort3A_281 = tpu.sort %select_n3A_276, %select_n3A_277 masked %masked_sort3A_278 : (vector<16xf32>, vector<16xi32>, vector<16xi1>) -> (vector<16xi1>, vector<16xf32>, vector<16xi32>)
      %reshape3A_282 = vector.shape_cast %max3A_13 : vector<16xi32> to vector<16x1xi32>
      %gather3A_283 = vector.shape_cast %reshape3A_282 : vector<16x1xi32> to vector<16xi32>
      %gather3A_284 = tpu.dynamic_gather %masked_sort3A_280[%gather3A_283] in [0] : vector<16xf32>, vector<16xi32> -> vector<16xf32>
      %lt3A_285 = arith.cmpf olt, %gather3A_284, %masked_sort3A_280 : vector<16xf32>
      %gt3A_286 = arith.constant 0 : i32
      %gt3A_287 = vector.broadcast %gt3A_286 : i32 to vector<16xi32>
      %gt3A_288 = arith.cmpi sgt, %iota3A, %gt3A_287 : vector<16xi32>
      %and3A_289 = arith.andi %lt3A_285, %gt3A_288 : vector<16xi1>
      %jit3A_290 = arith.constant 1 : i32
      %jit3A_291 = arith.constant 0 : i32
      %broadcast_in_dim3A_292 = vector.broadcast %jit3A_290 : i32 to vector<16xi32>
      %broadcast_in_dim3A_293 = vector.broadcast %jit3A_291 : i32 to vector<16xi32>
      %select_n3A_294 = arith.select %and3A_289, %broadcast_in_dim3A_292, %broadcast_in_dim3A_293 : vector<16xi1>, vector<16xi32>
      %broadcast_in_dim3A_295 = arith.constant true
      %broadcast_in_dim3A_296 = vector.broadcast %broadcast_in_dim3A_295 : i1 to vector<16xi1>
      %masked_cumsum3A_297 = tpu.scan <sum>, %select_n3A_294 masked %broadcast_in_dim3A_296 : vector<16xi32>, vector<16xi1> -> vector<16xi32>
      %shift_left3A_298 = arith.constant 11 : i32
      %shift_left3A_299 = vector.broadcast %shift_left3A_298 : i32 to vector<16xi32>
      %shift_left3A_300 = arith.shli %masked_cumsum3A_297, %shift_left3A_299 : vector<16xi32>
      %sub3A_301 = arith.constant 2047 : i32
      %sub3A_302 = vector.broadcast %sub3A_301 : i32 to vector<16xi32>
      %sub3A_303 = arith.subi %sub3A_302, %masked_sort3A_281 : vector<16xi32>
      %or3A_304 = arith.ori %shift_left3A_300, %sub3A_303 : vector<16xi32>
      %masked_sort3A_305 = arith.constant dense<true> : vector<16xi1>
      %masked_sort3A_306 = arith.constant -2147483648 : i32
      %masked_sort3A_307 = vector.broadcast %masked_sort3A_306 : i32 to vector<16xi32>
      %masked_sort3A_308 = arith.xori %or3A_304, %masked_sort3A_307 : vector<16xi32>
      %masked_sort3A_309, %masked_sort3A_310, %masked_sort3A_311 = tpu.sort %masked_sort3A_308, %masked_sort3A_281 masked %masked_sort3A_305 : (vector<16xi32>, vector<16xi32>, vector<16xi1>) -> (vector<16xi1>, vector<16xi32>, vector<16xi32>)
      %masked_sort3A_312 = arith.xori %masked_sort3A_310, %masked_sort3A_307 : vector<16xi32>
      %gt3A_313 = arith.cmpf ogt, %masked_sort3A_168, %masked_sort3A_200 : vector<16xf32>
      %eq3A_314 = arith.cmpf oeq, %masked_sort3A_168, %masked_sort3A_200 : vector<16xf32>
      %lt3A_315 = arith.cmpi slt, %masked_sort3A_196, %masked_sort3A_231 : vector<16xi32>
      %and3A_316 = arith.andi %eq3A_314, %lt3A_315 : vector<16xi1>
      %or3A_317 = arith.ori %gt3A_313, %and3A_316 : vector<16xi1>
      %select_n3A_318 = arith.select %or3A_317, %masked_sort3A_168, %masked_sort3A_200 : vector<16xi1>, vector<16xf32>
      %select_n3A_319 = arith.select %or3A_317, %masked_sort3A_196, %masked_sort3A_231 : vector<16xi1>, vector<16xi32>
      %masked_sort3A_320 = arith.constant dense<true> : vector<16xi1>
      %masked_sort3A_321, %masked_sort3A_322, %masked_sort3A_323 = tpu.sort %select_n3A_318, %select_n3A_319 masked %masked_sort3A_320 : (vector<16xf32>, vector<16xi32>, vector<16xi1>) -> (vector<16xi1>, vector<16xf32>, vector<16xi32>)
      %reshape3A_324 = vector.shape_cast %max3A_13 : vector<16xi32> to vector<16x1xi32>
      %gather3A_325 = vector.shape_cast %reshape3A_324 : vector<16x1xi32> to vector<16xi32>
      %gather3A_326 = tpu.dynamic_gather %masked_sort3A_322[%gather3A_325] in [0] : vector<16xf32>, vector<16xi32> -> vector<16xf32>
      %lt3A_327 = arith.cmpf olt, %gather3A_326, %masked_sort3A_322 : vector<16xf32>
      %gt3A_328 = arith.constant 0 : i32
      %gt3A_329 = vector.broadcast %gt3A_328 : i32 to vector<16xi32>
      %gt3A_330 = arith.cmpi sgt, %iota3A, %gt3A_329 : vector<16xi32>
      %and3A_331 = arith.andi %lt3A_327, %gt3A_330 : vector<16xi1>
      %jit3A_332 = arith.constant 1 : i32
      %jit3A_333 = arith.constant 0 : i32
      %broadcast_in_dim3A_334 = vector.broadcast %jit3A_332 : i32 to vector<16xi32>
      %broadcast_in_dim3A_335 = vector.broadcast %jit3A_333 : i32 to vector<16xi32>
      %select_n3A_336 = arith.select %and3A_331, %broadcast_in_dim3A_334, %broadcast_in_dim3A_335 : vector<16xi1>, vector<16xi32>
      %broadcast_in_dim3A_337 = arith.constant true
      %broadcast_in_dim3A_338 = vector.broadcast %broadcast_in_dim3A_337 : i1 to vector<16xi1>
      %masked_cumsum3A_339 = tpu.scan <sum>, %select_n3A_336 masked %broadcast_in_dim3A_338 : vector<16xi32>, vector<16xi1> -> vector<16xi32>
      %shift_left3A_340 = arith.constant 11 : i32
      %shift_left3A_341 = vector.broadcast %shift_left3A_340 : i32 to vector<16xi32>
      %shift_left3A_342 = arith.shli %masked_cumsum3A_339, %shift_left3A_341 : vector<16xi32>
      %sub3A_343 = arith.constant 2047 : i32
      %sub3A_344 = vector.broadcast %sub3A_343 : i32 to vector<16xi32>
      %sub3A_345 = arith.subi %sub3A_344, %masked_sort3A_323 : vector<16xi32>
      %or3A_346 = arith.ori %shift_left3A_342, %sub3A_345 : vector<16xi32>
      %masked_sort3A_347 = arith.constant dense<true> : vector<16xi1>
      %masked_sort3A_348 = arith.constant -2147483648 : i32
      %masked_sort3A_349 = vector.broadcast %masked_sort3A_348 : i32 to vector<16xi32>
      %masked_sort3A_350 = arith.xori %or3A_346, %masked_sort3A_349 : vector<16xi32>
      %masked_sort3A_351, %masked_sort3A_352, %masked_sort3A_353 = tpu.sort %masked_sort3A_350, %masked_sort3A_323 masked %masked_sort3A_347 : (vector<16xi32>, vector<16xi32>, vector<16xi1>) -> (vector<16xi1>, vector<16xi32>, vector<16xi32>)
      %masked_sort3A_354 = arith.xori %masked_sort3A_352, %masked_sort3A_349 : vector<16xi32>
      %gt3A_355 = arith.cmpf ogt, %masked_sort3A_241, %masked_sort3A_280 : vector<16xf32>
      %eq3A_356 = arith.cmpf oeq, %masked_sort3A_241, %masked_sort3A_280 : vector<16xf32>
      %lt3A_357 = arith.cmpi slt, %masked_sort3A_269, %masked_sort3A_311 : vector<16xi32>
      %and3A_358 = arith.andi %eq3A_356, %lt3A_357 : vector<16xi1>
      %or3A_359 = arith.ori %gt3A_355, %and3A_358 : vector<16xi1>
      %select_n3A_360 = arith.select %or3A_359, %masked_sort3A_241, %masked_sort3A_280 : vector<16xi1>, vector<16xf32>
      %select_n3A_361 = arith.select %or3A_359, %masked_sort3A_269, %masked_sort3A_311 : vector<16xi1>, vector<16xi32>
      %masked_sort3A_362 = arith.constant dense<true> : vector<16xi1>
      %masked_sort3A_363, %masked_sort3A_364, %masked_sort3A_365 = tpu.sort %select_n3A_360, %select_n3A_361 masked %masked_sort3A_362 {descending = true} : (vector<16xf32>, vector<16xi32>, vector<16xi1>) -> (vector<16xi1>, vector<16xf32>, vector<16xi32>)
      %reshape3A_366 = vector.shape_cast %max3A_13 : vector<16xi32> to vector<16x1xi32>
      %gather3A_367 = vector.shape_cast %reshape3A_366 : vector<16x1xi32> to vector<16xi32>
      %gather3A_368 = tpu.dynamic_gather %masked_sort3A_364[%gather3A_367] in [0] : vector<16xf32>, vector<16xi32> -> vector<16xf32>
      %gt3A_369 = arith.cmpf ogt, %gather3A_368, %masked_sort3A_364 : vector<16xf32>
      %gt3A_370 = arith.constant 0 : i32
      %gt3A_371 = vector.broadcast %gt3A_370 : i32 to vector<16xi32>
      %gt3A_372 = arith.cmpi sgt, %iota3A, %gt3A_371 : vector<16xi32>
      %and3A_373 = arith.andi %gt3A_369, %gt3A_372 : vector<16xi1>
      %jit3A_374 = arith.constant 1 : i32
      %jit3A_375 = arith.constant 0 : i32
      %broadcast_in_dim3A_376 = vector.broadcast %jit3A_374 : i32 to vector<16xi32>
      %broadcast_in_dim3A_377 = vector.broadcast %jit3A_375 : i32 to vector<16xi32>
      %select_n3A_378 = arith.select %and3A_373, %broadcast_in_dim3A_376, %broadcast_in_dim3A_377 : vector<16xi1>, vector<16xi32>
      %broadcast_in_dim3A_379 = arith.constant true
      %broadcast_in_dim3A_380 = vector.broadcast %broadcast_in_dim3A_379 : i1 to vector<16xi1>
      %masked_cumsum3A_381 = tpu.scan <sum>, %select_n3A_378 masked %broadcast_in_dim3A_380 : vector<16xi32>, vector<16xi1> -> vector<16xi32>
      %shift_left3A_382 = arith.constant 11 : i32
      %shift_left3A_383 = vector.broadcast %shift_left3A_382 : i32 to vector<16xi32>
      %shift_left3A_384 = arith.shli %masked_cumsum3A_381, %shift_left3A_383 : vector<16xi32>
      %or3A_385 = arith.ori %shift_left3A_384, %masked_sort3A_365 : vector<16xi32>
      %masked_sort3A_386 = arith.constant dense<true> : vector<16xi1>
      %masked_sort3A_387 = arith.constant -2147483648 : i32
      %masked_sort3A_388 = vector.broadcast %masked_sort3A_387 : i32 to vector<16xi32>
      %masked_sort3A_389 = arith.xori %or3A_385, %masked_sort3A_388 : vector<16xi32>
      %masked_sort3A_390, %masked_sort3A_391, %masked_sort3A_392 = tpu.sort %masked_sort3A_389, %masked_sort3A_365 masked %masked_sort3A_386 : (vector<16xi32>, vector<16xi32>, vector<16xi1>) -> (vector<16xi1>, vector<16xi32>, vector<16xi32>)
      %masked_sort3A_393 = arith.xori %masked_sort3A_391, %masked_sort3A_388 : vector<16xi32>
      %gt3A_394 = arith.cmpf ogt, %masked_sort3A_364, %masked_sort3A_322 : vector<16xf32>
      %eq3A_395 = arith.cmpf oeq, %masked_sort3A_364, %masked_sort3A_322 : vector<16xf32>
      %lt3A_396 = arith.cmpi slt, %masked_sort3A_392, %masked_sort3A_353 : vector<16xi32>
      %and3A_397 = arith.andi %eq3A_395, %lt3A_396 : vector<16xi1>
      %or3A_398 = arith.ori %gt3A_394, %and3A_397 : vector<16xi1>
      %select_n3A_399 = arith.select %or3A_398, %masked_sort3A_364, %masked_sort3A_322 : vector<16xi1>, vector<16xf32>
      %select_n3A_400 = arith.select %or3A_398, %masked_sort3A_392, %masked_sort3A_353 : vector<16xi1>, vector<16xi32>
      %masked_sort3A_401 = arith.constant dense<true> : vector<16xi1>
      %masked_sort3A_402, %masked_sort3A_403, %masked_sort3A_404 = tpu.sort %select_n3A_399, %select_n3A_400 masked %masked_sort3A_401 {descending = true} : (vector<16xf32>, vector<16xi32>, vector<16xi1>) -> (vector<16xi1>, vector<16xf32>, vector<16xi32>)
      %reshape3A_405 = vector.shape_cast %max3A_13 : vector<16xi32> to vector<16x1xi32>
      %gather3A_406 = vector.shape_cast %reshape3A_405 : vector<16x1xi32> to vector<16xi32>
      %gather3A_407 = tpu.dynamic_gather %masked_sort3A_403[%gather3A_406] in [0] : vector<16xf32>, vector<16xi32> -> vector<16xf32>
      %gt3A_408 = arith.cmpf ogt, %gather3A_407, %masked_sort3A_403 : vector<16xf32>
      %gt3A_409 = arith.constant 0 : i32
      %gt3A_410 = vector.broadcast %gt3A_409 : i32 to vector<16xi32>
      %gt3A_411 = arith.cmpi sgt, %iota3A, %gt3A_410 : vector<16xi32>
      %and3A_412 = arith.andi %gt3A_408, %gt3A_411 : vector<16xi1>
      %jit3A_413 = arith.constant 1 : i32
      %jit3A_414 = arith.constant 0 : i32
      %broadcast_in_dim3A_415 = vector.broadcast %jit3A_413 : i32 to vector<16xi32>
      %broadcast_in_dim3A_416 = vector.broadcast %jit3A_414 : i32 to vector<16xi32>
      %select_n3A_417 = arith.select %and3A_412, %broadcast_in_dim3A_415, %broadcast_in_dim3A_416 : vector<16xi1>, vector<16xi32>
      %broadcast_in_dim3A_418 = arith.constant true
      %broadcast_in_dim3A_419 = vector.broadcast %broadcast_in_dim3A_418 : i1 to vector<16xi1>
      %masked_cumsum3A_420 = tpu.scan <sum>, %select_n3A_417 masked %broadcast_in_dim3A_419 : vector<16xi32>, vector<16xi1> -> vector<16xi32>
      %shift_left3A_421 = arith.constant 11 : i32
      %shift_left3A_422 = vector.broadcast %shift_left3A_421 : i32 to vector<16xi32>
      %shift_left3A_423 = arith.shli %masked_cumsum3A_420, %shift_left3A_422 : vector<16xi32>
      %or3A_424 = arith.ori %shift_left3A_423, %masked_sort3A_404 : vector<16xi32>
      %masked_sort3A_425 = arith.constant dense<true> : vector<16xi1>
      %masked_sort3A_426 = arith.constant -2147483648 : i32
      %masked_sort3A_427 = vector.broadcast %masked_sort3A_426 : i32 to vector<16xi32>
      %masked_sort3A_428 = arith.xori %or3A_424, %masked_sort3A_427 : vector<16xi32>
      %masked_sort3A_429, %masked_sort3A_430, %masked_sort3A_431 = tpu.sort %masked_sort3A_428, %masked_sort3A_404 masked %masked_sort3A_425 : (vector<16xi32>, vector<16xi32>, vector<16xi1>) -> (vector<16xi1>, vector<16xi32>, vector<16xi32>)
      %masked_sort3A_432 = arith.xori %masked_sort3A_430, %masked_sort3A_427 : vector<16xi32>
      %reshape3A_433 = vector.shape_cast %sub3A_8 : vector<16xi32> to vector<16x1xi32>
      %gather3A_434 = vector.shape_cast %reshape3A_433 : vector<16x1xi32> to vector<16xi32>
      %gather3A_435 = tpu.dynamic_gather %masked_sort3A_403[%gather3A_434] in [0] : vector<16xf32>, vector<16xi32> -> vector<16xf32>
      %reshape3A_436 = vector.shape_cast %sub3A_8 : vector<16xi32> to vector<16x1xi32>
      %gather3A_437 = vector.shape_cast %reshape3A_436 : vector<16x1xi32> to vector<16xi32>
      %gather3A_438 = tpu.dynamic_gather %masked_sort3A_431[%gather3A_437] in [0] : vector<16xi32>, vector<16xi32> -> vector<16xi32>
      %swap3A = arith.constant 0 : index
      %swap3A_439 = tpu.vector_load %arg7[%swap3A] {strides = array<i32>} : memref<4096xi32, #tpu.memory_space<vmem>>, vector<16xi32>,
      tpu.vector_store %arg7[%swap3A], %masked_sort3A_431 {strides = array<i32>} : memref<4096xi32, #tpu.memory_space<vmem>>, vector<16xi32>,
      %get3A_440 = arith.constant 128 : index
      %get3A_441 = tpu.vector_load %arg5[%get3A_440] {strides = array<i32>} : memref<32768xf32, #tpu.memory_space<vmem>>, vector<16xf32>,
      %add3A_442 = arith.constant 0 : i32
      %add3A_443 = vector.broadcast %add3A_442 : i32 to vector<16xi32>
      %add3A_444 = arith.addi %iota3A, %add3A_443 : vector<16xi32>
      %get3A_445 = arith.constant 144 : index
      %get3A_446 = tpu.vector_load %arg5[%get3A_445] {strides = array<i32>} : memref<32768xf32, #tpu.memory_space<vmem>>, vector<16xf32>,
      %add3A_447 = arith.constant 16 : i32
      %add3A_448 = vector.broadcast %add3A_447 : i32 to vector<16xi32>
      %add3A_449 = arith.addi %iota3A, %add3A_448 : vector<16xi32>
      %get3A_450 = arith.constant 160 : index
      %get3A_451 = tpu.vector_load %arg5[%get3A_450] {strides = array<i32>} : memref<32768xf32, #tpu.memory_space<vmem>>, vector<16xf32>,
      %add3A_452 = arith.constant 32 : i32
      %add3A_453 = vector.broadcast %add3A_452 : i32 to vector<16xi32>
      %add3A_454 = arith.addi %iota3A, %add3A_453 : vector<16xi32>
      %get3A_455 = arith.constant 176 : index
      %get3A_456 = tpu.vector_load %arg5[%get3A_455] {strides = array<i32>} : memref<32768xf32, #tpu.memory_space<vmem>>, vector<16xf32>,
      %add3A_457 = arith.constant 48 : i32
      %add3A_458 = vector.broadcast %add3A_457 : i32 to vector<16xi32>
      %add3A_459 = arith.addi %iota3A, %add3A_458 : vector<16xi32>
      %get3A_460 = arith.constant 192 : index
      %get3A_461 = tpu.vector_load %arg5[%get3A_460] {strides = array<i32>} : memref<32768xf32, #tpu.memory_space<vmem>>, vector<16xf32>,
      %add3A_462 = arith.constant 64 : i32
      %add3A_463 = vector.broadcast %add3A_462 : i32 to vector<16xi32>
      %add3A_464 = arith.addi %iota3A, %add3A_463 : vector<16xi32>
      %get3A_465 = arith.constant 208 : index
      %get3A_466 = tpu.vector_load %arg5[%get3A_465] {strides = array<i32>} : memref<32768xf32, #tpu.memory_space<vmem>>, vector<16xf32>,
      %add3A_467 = arith.constant 80 : i32
      %add3A_468 = vector.broadcast %add3A_467 : i32 to vector<16xi32>
      %add3A_469 = arith.addi %iota3A, %add3A_468 : vector<16xi32>
      %masked_sort3A_470 = arith.constant dense<true> : vector<16xi1>
      %masked_sort3A_471, %masked_sort3A_472, %masked_sort3A_473 = tpu.sort %get3A_441, %add3A_444 masked %masked_sort3A_470 {descending = true} : (vector<16xf32>, vector<16xi32>, vector<16xi1>) -> (vector<16xi1>, vector<16xf32>, vector<16xi32>)
      %reshape3A_474 = vector.shape_cast %max3A_13 : vector<16xi32> to vector<16x1xi32>
      %gather3A_475 = vector.shape_cast %reshape3A_474 : vector<16x1xi32> to vector<16xi32>
      %gather3A_476 = tpu.dynamic_gather %masked_sort3A_472[%gather3A_475] in [0] : vector<16xf32>, vector<16xi32> -> vector<16xf32>
      %gt3A_477 = arith.cmpf ogt, %gather3A_476, %masked_sort3A_472 : vector<16xf32>
      %gt3A_478 = arith.constant 0 : i32
      %gt3A_479 = vector.broadcast %gt3A_478 : i32 to vector<16xi32>
      %gt3A_480 = arith.cmpi sgt, %iota3A, %gt3A_479 : vector<16xi32>
      %and3A_481 = arith.andi %gt3A_477, %gt3A_480 : vector<16xi1>
      %jit3A_482 = arith.constant 1 : i32
      %jit3A_483 = arith.constant 0 : i32
      %broadcast_in_dim3A_484 = vector.broadcast %jit3A_482 : i32 to vector<16xi32>
      %broadcast_in_dim3A_485 = vector.broadcast %jit3A_483 : i32 to vector<16xi32>
      %select_n3A_486 = arith.select %and3A_481, %broadcast_in_dim3A_484, %broadcast_in_dim3A_485 : vector<16xi1>, vector<16xi32>
      %broadcast_in_dim3A_487 = arith.constant true
      %broadcast_in_dim3A_488 = vector.broadcast %broadcast_in_dim3A_487 : i1 to vector<16xi1>
      %masked_cumsum3A_489 = tpu.scan <sum>, %select_n3A_486 masked %broadcast_in_dim3A_488 : vector<16xi32>, vector<16xi1> -> vector<16xi32>
      %shift_left3A_490 = arith.constant 11 : i32
      %shift_left3A_491 = vector.broadcast %shift_left3A_490 : i32 to vector<16xi32>
      %shift_left3A_492 = arith.shli %masked_cumsum3A_489, %shift_left3A_491 : vector<16xi32>
      %or3A_493 = arith.ori %shift_left3A_492, %masked_sort3A_473 : vector<16xi32>
      %masked_sort3A_494 = arith.constant dense<true> : vector<16xi1>
      %masked_sort3A_495 = arith.constant -2147483648 : i32
      %masked_sort3A_496 = vector.broadcast %masked_sort3A_495 : i32 to vector<16xi32>
      %masked_sort3A_497 = arith.xori %or3A_493, %masked_sort3A_496 : vector<16xi32>
      %masked_sort3A_498, %masked_sort3A_499, %masked_sort3A_500 = tpu.sort %masked_sort3A_497, %masked_sort3A_473 masked %masked_sort3A_494 : (vector<16xi32>, vector<16xi32>, vector<16xi1>) -> (vector<16xi1>, vector<16xi32>, vector<16xi32>)
      %masked_sort3A_501 = arith.xori %masked_sort3A_499, %masked_sort3A_496 : vector<16xi32>
      %masked_sort3A_502 = arith.constant dense<true> : vector<16xi1>
      %masked_sort3A_503, %masked_sort3A_504, %masked_sort3A_505 = tpu.sort %get3A_446, %add3A_449 masked %masked_sort3A_502 : (vector<16xf32>, vector<16xi32>, vector<16xi1>) -> (vector<16xi1>, vector<16xf32>, vector<16xi32>)
      %reshape3A_506 = vector.shape_cast %max3A_13 : vector<16xi32> to vector<16x1xi32>
      %gather3A_507 = vector.shape_cast %reshape3A_506 : vector<16x1xi32> to vector<16xi32>
      %gather3A_508 = tpu.dynamic_gather %masked_sort3A_504[%gather3A_507] in [0] : vector<16xf32>, vector<16xi32> -> vector<16xf32>
      %lt3A_509 = arith.cmpf olt, %gather3A_508, %masked_sort3A_504 : vector<16xf32>
      %gt3A_510 = arith.constant 0 : i32
      %gt3A_511 = vector.broadcast %gt3A_510 : i32 to vector<16xi32>
      %gt3A_512 = arith.cmpi sgt, %iota3A, %gt3A_511 : vector<16xi32>
      %and3A_513 = arith.andi %lt3A_509, %gt3A_512 : vector<16xi1>
      %jit3A_514 = arith.constant 1 : i32
      %jit3A_515 = arith.constant 0 : i32
      %broadcast_in_dim3A_516 = vector.broadcast %jit3A_514 : i32 to vector<16xi32>
      %broadcast_in_dim3A_517 = vector.broadcast %jit3A_515 : i32 to vector<16xi32>
      %select_n3A_518 = arith.select %and3A_513, %broadcast_in_dim3A_516, %broadcast_in_dim3A_517 : vector<16xi1>, vector<16xi32>
      %broadcast_in_dim3A_519 = arith.constant true
      %broadcast_in_dim3A_520 = vector.broadcast %broadcast_in_dim3A_519 : i1 to vector<16xi1>
      %masked_cumsum3A_521 = tpu.scan <sum>, %select_n3A_518 masked %broadcast_in_dim3A_520 : vector<16xi32>, vector<16xi1> -> vector<16xi32>
      %shift_left3A_522 = arith.constant 11 : i32
      %shift_left3A_523 = vector.broadcast %shift_left3A_522 : i32 to vector<16xi32>
      %shift_left3A_524 = arith.shli %masked_cumsum3A_521, %shift_left3A_523 : vector<16xi32>
      %sub3A_525 = arith.constant 2047 : i32
      %sub3A_526 = vector.broadcast %sub3A_525 : i32 to vector<16xi32>
      %sub3A_527 = arith.subi %sub3A_526, %masked_sort3A_505 : vector<16xi32>
      %or3A_528 = arith.ori %shift_left3A_524, %sub3A_527 : vector<16xi32>
      %masked_sort3A_529 = arith.constant dense<true> : vector<16xi1>
      %masked_sort3A_530 = arith.constant -2147483648 : i32
      %masked_sort3A_531 = vector.broadcast %masked_sort3A_530 : i32 to vector<16xi32>
      %masked_sort3A_532 = arith.xori %or3A_528, %masked_sort3A_531 : vector<16xi32>
      %masked_sort3A_533, %masked_sort3A_534, %masked_sort3A_535 = tpu.sort %masked_sort3A_532, %masked_sort3A_505 masked %masked_sort3A_529 : (vector<16xi32>, vector<16xi32>, vector<16xi1>) -> (vector<16xi1>, vector<16xi32>, vector<16xi32>)
      %masked_sort3A_536 = arith.xori %masked_sort3A_534, %masked_sort3A_531 : vector<16xi32>
      %masked_sort3A_537 = arith.constant dense<true> : vector<16xi1>
      %masked_sort3A_538, %masked_sort3A_539, %masked_sort3A_540 = tpu.sort %get3A_451, %add3A_454 masked %masked_sort3A_537 {descending = true} : (vector<16xf32>, vector<16xi32>, vector<16xi1>) -> (vector<16xi1>, vector<16xf32>, vector<16xi32>)
      %reshape3A_541 = vector.shape_cast %max3A_13 : vector<16xi32> to vector<16x1xi32>
      %gather3A_542 = vector.shape_cast %reshape3A_541 : vector<16x1xi32> to vector<16xi32>
      %gather3A_543 = tpu.dynamic_gather %masked_sort3A_539[%gather3A_542] in [0] : vector<16xf32>, vector<16xi32> -> vector<16xf32>
      %gt3A_544 = arith.cmpf ogt, %gather3A_543, %masked_sort3A_539 : vector<16xf32>
      %gt3A_545 = arith.constant 0 : i32
      %gt3A_546 = vector.broadcast %gt3A_545 : i32 to vector<16xi32>
      %gt3A_547 = arith.cmpi sgt, %iota3A, %gt3A_546 : vector<16xi32>
      %and3A_548 = arith.andi %gt3A_544, %gt3A_547 : vector<16xi1>
      %jit3A_549 = arith.constant 1 : i32
      %jit3A_550 = arith.constant 0 : i32
      %broadcast_in_dim3A_551 = vector.broadcast %jit3A_549 : i32 to vector<16xi32>
      %broadcast_in_dim3A_552 = vector.broadcast %jit3A_550 : i32 to vector<16xi32>
      %select_n3A_553 = arith.select %and3A_548, %broadcast_in_dim3A_551, %broadcast_in_dim3A_552 : vector<16xi1>, vector<16xi32>
      %broadcast_in_dim3A_554 = arith.constant true
      %broadcast_in_dim3A_555 = vector.broadcast %broadcast_in_dim3A_554 : i1 to vector<16xi1>
      %masked_cumsum3A_556 = tpu.scan <sum>, %select_n3A_553 masked %broadcast_in_dim3A_555 : vector<16xi32>, vector<16xi1> -> vector<16xi32>
      %shift_left3A_557 = arith.constant 11 : i32
      %shift_left3A_558 = vector.broadcast %shift_left3A_557 : i32 to vector<16xi32>
      %shift_left3A_559 = arith.shli %masked_cumsum3A_556, %shift_left3A_558 : vector<16xi32>
      %or3A_560 = arith.ori %shift_left3A_559, %masked_sort3A_540 : vector<16xi32>
      %masked_sort3A_561 = arith.constant dense<true> : vector<16xi1>
      %masked_sort3A_562 = arith.constant -2147483648 : i32
      %masked_sort3A_563 = vector.broadcast %masked_sort3A_562 : i32 to vector<16xi32>
      %masked_sort3A_564 = arith.xori %or3A_560, %masked_sort3A_563 : vector<16xi32>
      %masked_sort3A_565, %masked_sort3A_566, %masked_sort3A_567 = tpu.sort %masked_sort3A_564, %masked_sort3A_540 masked %masked_sort3A_561 : (vector<16xi32>, vector<16xi32>, vector<16xi1>) -> (vector<16xi1>, vector<16xi32>, vector<16xi32>)
      %masked_sort3A_568 = arith.xori %masked_sort3A_566, %masked_sort3A_563 : vector<16xi32>
      %masked_sort3A_569 = arith.constant dense<true> : vector<16xi1>
      %masked_sort3A_570, %masked_sort3A_571, %masked_sort3A_572 = tpu.sort %get3A_456, %add3A_459 masked %masked_sort3A_569 : (vector<16xf32>, vector<16xi32>, vector<16xi1>) -> (vector<16xi1>, vector<16xf32>, vector<16xi32>)
      %reshape3A_573 = vector.shape_cast %max3A_13 : vector<16xi32> to vector<16x1xi32>
      %gather3A_574 = vector.shape_cast %reshape3A_573 : vector<16x1xi32> to vector<16xi32>
      %gather3A_575 = tpu.dynamic_gather %masked_sort3A_571[%gather3A_574] in [0] : vector<16xf32>, vector<16xi32> -> vector<16xf32>
      %lt3A_576 = arith.cmpf olt, %gather3A_575, %masked_sort3A_571 : vector<16xf32>
      %gt3A_577 = arith.constant 0 : i32
      %gt3A_578 = vector.broadcast %gt3A_577 : i32 to vector<16xi32>
      %gt3A_579 = arith.cmpi sgt, %iota3A, %gt3A_578 : vector<16xi32>
      %and3A_580 = arith.andi %lt3A_576, %gt3A_579 : vector<16xi1>
      %jit3A_581 = arith.constant 1 : i32
      %jit3A_582 = arith.constant 0 : i32
      %broadcast_in_dim3A_583 = vector.broadcast %jit3A_581 : i32 to vector<16xi32>
      %broadcast_in_dim3A_584 = vector.broadcast %jit3A_582 : i32 to vector<16xi32>
      %select_n3A_585 = arith.select %and3A_580, %broadcast_in_dim3A_583, %broadcast_in_dim3A_584 : vector<16xi1>, vector<16xi32>
      %broadcast_in_dim3A_586 = arith.constant true
      %broadcast_in_dim3A_587 = vector.broadcast %broadcast_in_dim3A_586 : i1 to vector<16xi1>
      %masked_cumsum3A_588 = tpu.scan <sum>, %select_n3A_585 masked %broadcast_in_dim3A_587 : vector<16xi32>, vector<16xi1> -> vector<16xi32>
      %shift_left3A_589 = arith.constant 11 : i32
      %shift_left3A_590 = vector.broadcast %shift_left3A_589 : i32 to vector<16xi32>
      %shift_left3A_591 = arith.shli %masked_cumsum3A_588, %shift_left3A_590 : vector<16xi32>
      %sub3A_592 = arith.constant 2047 : i32
      %sub3A_593 = vector.broadcast %sub3A_592 : i32 to vector<16xi32>
      %sub3A_594 = arith.subi %sub3A_593, %masked_sort3A_572 : vector<16xi32>
      %or3A_595 = arith.ori %shift_left3A_591, %sub3A_594 : vector<16xi32>
      %masked_sort3A_596 = arith.constant dense<true> : vector<16xi1>
      %masked_sort3A_597 = arith.constant -2147483648 : i32
      %masked_sort3A_598 = vector.broadcast %masked_sort3A_597 : i32 to vector<16xi32>
      %masked_sort3A_599 = arith.xori %or3A_595, %masked_sort3A_598 : vector<16xi32>
      %masked_sort3A_600, %masked_sort3A_601, %masked_sort3A_602 = tpu.sort %masked_sort3A_599, %masked_sort3A_572 masked %masked_sort3A_596 : (vector<16xi32>, vector<16xi32>, vector<16xi1>) -> (vector<16xi1>, vector<16xi32>, vector<16xi32>)
      %masked_sort3A_603 = arith.xori %masked_sort3A_601, %masked_sort3A_598 : vector<16xi32>
      %masked_sort3A_604 = arith.constant dense<true> : vector<16xi1>
      %masked_sort3A_605, %masked_sort3A_606, %masked_sort3A_607 = tpu.sort %get3A_461, %add3A_464 masked %masked_sort3A_604 {descending = true} : (vector<16xf32>, vector<16xi32>, vector<16xi1>) -> (vector<16xi1>, vector<16xf32>, vector<16xi32>)
      %reshape3A_608 = vector.shape_cast %max3A_13 : vector<16xi32> to vector<16x1xi32>
      %gather3A_609 = vector.shape_cast %reshape3A_608 : vector<16x1xi32> to vector<16xi32>
      %gather3A_610 = tpu.dynamic_gather %masked_sort3A_606[%gather3A_609] in [0] : vector<16xf32>, vector<16xi32> -> vector<16xf32>
      %gt3A_611 = arith.cmpf ogt, %gather3A_610, %masked_sort3A_606 : vector<16xf32>
      %gt3A_612 = arith.constant 0 : i32
      %gt3A_613 = vector.broadcast %gt3A_612 : i32 to vector<16xi32>
      %gt3A_614 = arith.cmpi sgt, %iota3A, %gt3A_613 : vector<16xi32>
      %and3A_615 = arith.andi %gt3A_611, %gt3A_614 : vector<16xi1>
      %jit3A_616 = arith.constant 1 : i32
      %jit3A_617 = arith.constant 0 : i32
      %broadcast_in_dim3A_618 = vector.broadcast %jit3A_616 : i32 to vector<16xi32>
      %broadcast_in_dim3A_619 = vector.broadcast %jit3A_617 : i32 to vector<16xi32>
      %select_n3A_620 = arith.select %and3A_615, %broadcast_in_dim3A_618, %broadcast_in_dim3A_619 : vector<16xi1>, vector<16xi32>
      %broadcast_in_dim3A_621 = arith.constant true
      %broadcast_in_dim3A_622 = vector.broadcast %broadcast_in_dim3A_621 : i1 to vector<16xi1>
      %masked_cumsum3A_623 = tpu.scan <sum>, %select_n3A_620 masked %broadcast_in_dim3A_622 : vector<16xi32>, vector<16xi1> -> vector<16xi32>
      %shift_left3A_624 = arith.constant 11 : i32
      %shift_left3A_625 = vector.broadcast %shift_left3A_624 : i32 to vector<16xi32>
      %shift_left3A_626 = arith.shli %masked_cumsum3A_623, %shift_left3A_625 : vector<16xi32>
      %or3A_627 = arith.ori %shift_left3A_626, %masked_sort3A_607 : vector<16xi32>
      %masked_sort3A_628 = arith.constant dense<true> : vector<16xi1>
      %masked_sort3A_629 = arith.constant -2147483648 : i32
      %masked_sort3A_630 = vector.broadcast %masked_sort3A_629 : i32 to vector<16xi32>
      %masked_sort3A_631 = arith.xori %or3A_627, %masked_sort3A_630 : vector<16xi32>
      %masked_sort3A_632, %masked_sort3A_633, %masked_sort3A_634 = tpu.sort %masked_sort3A_631, %masked_sort3A_607 masked %masked_sort3A_628 : (vector<16xi32>, vector<16xi32>, vector<16xi1>) -> (vector<16xi1>, vector<16xi32>, vector<16xi32>)
      %masked_sort3A_635 = arith.xori %masked_sort3A_633, %masked_sort3A_630 : vector<16xi32>
      %masked_sort3A_636 = arith.constant dense<true> : vector<16xi1>
      %masked_sort3A_637, %masked_sort3A_638, %masked_sort3A_639 = tpu.sort %get3A_466, %add3A_469 masked %masked_sort3A_636 : (vector<16xf32>, vector<16xi32>, vector<16xi1>) -> (vector<16xi1>, vector<16xf32>, vector<16xi32>)
      %reshape3A_640 = vector.shape_cast %max3A_13 : vector<16xi32> to vector<16x1xi32>
      %gather3A_641 = vector.shape_cast %reshape3A_640 : vector<16x1xi32> to vector<16xi32>
      %gather3A_642 = tpu.dynamic_gather %masked_sort3A_638[%gather3A_641] in [0] : vector<16xf32>, vector<16xi32> -> vector<16xf32>
      %lt3A_643 = arith.cmpf olt, %gather3A_642, %masked_sort3A_638 : vector<16xf32>
      %gt3A_644 = arith.constant 0 : i32
      %gt3A_645 = vector.broadcast %gt3A_644 : i32 to vector<16xi32>
      %gt3A_646 = arith.cmpi sgt, %iota3A, %gt3A_645 : vector<16xi32>
      %and3A_647 = arith.andi %lt3A_643, %gt3A_646 : vector<16xi1>
      %jit3A_648 = arith.constant 1 : i32
      %jit3A_649 = arith.constant 0 : i32
      %broadcast_in_dim3A_650 = vector.broadcast %jit3A_648 : i32 to vector<16xi32>
      %broadcast_in_dim3A_651 = vector.broadcast %jit3A_649 : i32 to vector<16xi32>
      %select_n3A_652 = arith.select %and3A_647, %broadcast_in_dim3A_650, %broadcast_in_dim3A_651 : vector<16xi1>, vector<16xi32>
      %broadcast_in_dim3A_653 = arith.constant true
      %broadcast_in_dim3A_654 = vector.broadcast %broadcast_in_dim3A_653 : i1 to vector<16xi1>
      %masked_cumsum3A_655 = tpu.scan <sum>, %select_n3A_652 masked %broadcast_in_dim3A_654 : vector<16xi32>, vector<16xi1> -> vector<16xi32>
      %shift_left3A_656 = arith.constant 11 : i32
      %shift_left3A_657 = vector.broadcast %shift_left3A_656 : i32 to vector<16xi32>
      %shift_left3A_658 = arith.shli %masked_cumsum3A_655, %shift_left3A_657 : vector<16xi32>
      %sub3A_659 = arith.constant 2047 : i32
      %sub3A_660 = vector.broadcast %sub3A_659 : i32 to vector<16xi32>
      %sub3A_661 = arith.subi %sub3A_660, %masked_sort3A_639 : vector<16xi32>
      %or3A_662 = arith.ori %shift_left3A_658, %sub3A_661 : vector<16xi32>
      %masked_sort3A_663 = arith.constant dense<true> : vector<16xi1>
      %masked_sort3A_664 = arith.constant -2147483648 : i32
      %masked_sort3A_665 = vector.broadcast %masked_sort3A_664 : i32 to vector<16xi32>
      %masked_sort3A_666 = arith.xori %or3A_662, %masked_sort3A_665 : vector<16xi32>
      %masked_sort3A_667, %masked_sort3A_668, %masked_sort3A_669 = tpu.sort %masked_sort3A_666, %masked_sort3A_639 masked %masked_sort3A_663 : (vector<16xi32>, vector<16xi32>, vector<16xi1>) -> (vector<16xi1>, vector<16xi32>, vector<16xi32>)
      %masked_sort3A_670 = arith.xori %masked_sort3A_668, %masked_sort3A_665 : vector<16xi32>
      %gt3A_671 = arith.cmpf ogt, %masked_sort3A_472, %masked_sort3A_504 : vector<16xf32>
      %eq3A_672 = arith.cmpf oeq, %masked_sort3A_472, %masked_sort3A_504 : vector<16xf32>
      %lt3A_673 = arith.cmpi slt, %masked_sort3A_500, %masked_sort3A_535 : vector<16xi32>
      %and3A_674 = arith.andi %eq3A_672, %lt3A_673 : vector<16xi1>
      %or3A_675 = arith.ori %gt3A_671, %and3A_674 : vector<16xi1>
      %select_n3A_676 = arith.select %or3A_675, %masked_sort3A_472, %masked_sort3A_504 : vector<16xi1>, vector<16xf32>
      %select_n3A_677 = arith.select %or3A_675, %masked_sort3A_500, %masked_sort3A_535 : vector<16xi1>, vector<16xi32>
      %masked_sort3A_678 = arith.constant dense<true> : vector<16xi1>
      %masked_sort3A_679, %masked_sort3A_680, %masked_sort3A_681 = tpu.sort %select_n3A_676, %select_n3A_677 masked %masked_sort3A_678 {descending = true} : (vector<16xf32>, vector<16xi32>, vector<16xi1>) -> (vector<16xi1>, vector<16xf32>, vector<16xi32>)
      %reshape3A_682 = vector.shape_cast %max3A_13 : vector<16xi32> to vector<16x1xi32>
      %gather3A_683 = vector.shape_cast %reshape3A_682 : vector<16x1xi32> to vector<16xi32>
      %gather3A_684 = tpu.dynamic_gather %masked_sort3A_680[%gather3A_683] in [0] : vector<16xf32>, vector<16xi32> -> vector<16xf32>
      %gt3A_685 = arith.cmpf ogt, %gather3A_684, %masked_sort3A_680 : vector<16xf32>
      %gt3A_686 = arith.constant 0 : i32
      %gt3A_687 = vector.broadcast %gt3A_686 : i32 to vector<16xi32>
      %gt3A_688 = arith.cmpi sgt, %iota3A, %gt3A_687 : vector<16xi32>
      %and3A_689 = arith.andi %gt3A_685, %gt3A_688 : vector<16xi1>
      %jit3A_690 = arith.constant 1 : i32
      %jit3A_691 = arith.constant 0 : i32
      %broadcast_in_dim3A_692 = vector.broadcast %jit3A_690 : i32 to vector<16xi32>
      %broadcast_in_dim3A_693 = vector.broadcast %jit3A_691 : i32 to vector<16xi32>
      %select_n3A_694 = arith.select %and3A_689, %broadcast_in_dim3A_692, %broadcast_in_dim3A_693 : vector<16xi1>, vector<16xi32>
      %broadcast_in_dim3A_695 = arith.constant true
      %broadcast_in_dim3A_696 = vector.broadcast %broadcast_in_dim3A_695 : i1 to vector<16xi1>
      %masked_cumsum3A_697 = tpu.scan <sum>, %select_n3A_694 masked %broadcast_in_dim3A_696 : vector<16xi32>, vector<16xi1> -> vector<16xi32>
      %shift_left3A_698 = arith.constant 11 : i32
      %shift_left3A_699 = vector.broadcast %shift_left3A_698 : i32 to vector<16xi32>
      %shift_left3A_700 = arith.shli %masked_cumsum3A_697, %shift_left3A_699 : vector<16xi32>
      %or3A_701 = arith.ori %shift_left3A_700, %masked_sort3A_681 : vector<16xi32>
      %masked_sort3A_702 = arith.constant dense<true> : vector<16xi1>
      %masked_sort3A_703 = arith.constant -2147483648 : i32
      %masked_sort3A_704 = vector.broadcast %masked_sort3A_703 : i32 to vector<16xi32>
      %masked_sort3A_705 = arith.xori %or3A_701, %masked_sort3A_704 : vector<16xi32>
      %masked_sort3A_706, %masked_sort3A_707, %masked_sort3A_708 = tpu.sort %masked_sort3A_705, %masked_sort3A_681 masked %masked_sort3A_702 : (vector<16xi32>, vector<16xi32>, vector<16xi1>) -> (vector<16xi1>, vector<16xi32>, vector<16xi32>)
      %masked_sort3A_709 = arith.xori %masked_sort3A_707, %masked_sort3A_704 : vector<16xi32>
      %gt3A_710 = arith.cmpf ogt, %masked_sort3A_539, %masked_sort3A_571 : vector<16xf32>
      %eq3A_711 = arith.cmpf oeq, %masked_sort3A_539, %masked_sort3A_571 : vector<16xf32>
      %lt3A_712 = arith.cmpi slt, %masked_sort3A_567, %masked_sort3A_602 : vector<16xi32>
      %and3A_713 = arith.andi %eq3A_711, %lt3A_712 : vector<16xi1>
      %or3A_714 = arith.ori %gt3A_710, %and3A_713 : vector<16xi1>
      %select_n3A_715 = arith.select %or3A_714, %masked_sort3A_539, %masked_sort3A_571 : vector<16xi1>, vector<16xf32>
      %select_n3A_716 = arith.select %or3A_714, %masked_sort3A_567, %masked_sort3A_602 : vector<16xi1>, vector<16xi32>
      %masked_sort3A_717 = arith.constant dense<true> : vector<16xi1>
      %masked_sort3A_718, %masked_sort3A_719, %masked_sort3A_720 = tpu.sort %select_n3A_715, %select_n3A_716 masked %masked_sort3A_717 : (vector<16xf32>, vector<16xi32>, vector<16xi1>) -> (vector<16xi1>, vector<16xf32>, vector<16xi32>)
      %reshape3A_721 = vector.shape_cast %max3A_13 : vector<16xi32> to vector<16x1xi32>
      %gather3A_722 = vector.shape_cast %reshape3A_721 : vector<16x1xi32> to vector<16xi32>
      %gather3A_723 = tpu.dynamic_gather %masked_sort3A_719[%gather3A_722] in [0] : vector<16xf32>, vector<16xi32> -> vector<16xf32>
      %lt3A_724 = arith.cmpf olt, %gather3A_723, %masked_sort3A_719 : vector<16xf32>
      %gt3A_725 = arith.constant 0 : i32
      %gt3A_726 = vector.broadcast %gt3A_725 : i32 to vector<16xi32>
      %gt3A_727 = arith.cmpi sgt, %iota3A, %gt3A_726 : vector<16xi32>
      %and3A_728 = arith.andi %lt3A_724, %gt3A_727 : vector<16xi1>
      %jit3A_729 = arith.constant 1 : i32
      %jit3A_730 = arith.constant 0 : i32
      %broadcast_in_dim3A_731 = vector.broadcast %jit3A_729 : i32 to vector<16xi32>
      %broadcast_in_dim3A_732 = vector.broadcast %jit3A_730 : i32 to vector<16xi32>
      %select_n3A_733 = arith.select %and3A_728, %broadcast_in_dim3A_731, %broadcast_in_dim3A_732 : vector<16xi1>, vector<16xi32>
      %broadcast_in_dim3A_734 = arith.constant true
      %broadcast_in_dim3A_735 = vector.broadcast %broadcast_in_dim3A_734 : i1 to vector<16xi1>
      %masked_cumsum3A_736 = tpu.scan <sum>, %select_n3A_733 masked %broadcast_in_dim3A_735 : vector<16xi32>, vector<16xi1> -> vector<16xi32>
      %shift_left3A_737 = arith.constant 11 : i32
      %shift_left3A_738 = vector.broadcast %shift_left3A_737 : i32 to vector<16xi32>
      %shift_left3A_739 = arith.shli %masked_cumsum3A_736, %shift_left3A_738 : vector<16xi32>
      %sub3A_740 = arith.constant 2047 : i32
      %sub3A_741 = vector.broadcast %sub3A_740 : i32 to vector<16xi32>
      %sub3A_742 = arith.subi %sub3A_741, %masked_sort3A_720 : vector<16xi32>
      %or3A_743 = arith.ori %shift_left3A_739, %sub3A_742 : vector<16xi32>
      %masked_sort3A_744 = arith.constant dense<true> : vector<16xi1>
      %masked_sort3A_745 = arith.constant -2147483648 : i32
      %masked_sort3A_746 = vector.broadcast %masked_sort3A_745 : i32 to vector<16xi32>
      %masked_sort3A_747 = arith.xori %or3A_743, %masked_sort3A_746 : vector<16xi32>
      %masked_sort3A_748, %masked_sort3A_749, %masked_sort3A_750 = tpu.sort %masked_sort3A_747, %masked_sort3A_720 masked %masked_sort3A_744 : (vector<16xi32>, vector<16xi32>, vector<16xi1>) -> (vector<16xi1>, vector<16xi32>, vector<16xi32>)
      %masked_sort3A_751 = arith.xori %masked_sort3A_749, %masked_sort3A_746 : vector<16xi32>
      %gt3A_752 = arith.cmpf ogt, %masked_sort3A_606, %masked_sort3A_638 : vector<16xf32>
      %eq3A_753 = arith.cmpf oeq, %masked_sort3A_606, %masked_sort3A_638 : vector<16xf32>
      %lt3A_754 = arith.cmpi slt, %masked_sort3A_634, %masked_sort3A_669 : vector<16xi32>
      %and3A_755 = arith.andi %eq3A_753, %lt3A_754 : vector<16xi1>
      %or3A_756 = arith.ori %gt3A_752, %and3A_755 : vector<16xi1>
      %select_n3A_757 = arith.select %or3A_756, %masked_sort3A_606, %masked_sort3A_638 : vector<16xi1>, vector<16xf32>
      %select_n3A_758 = arith.select %or3A_756, %masked_sort3A_634, %masked_sort3A_669 : vector<16xi1>, vector<16xi32>
      %masked_sort3A_759 = arith.constant dense<true> : vector<16xi1>
      %masked_sort3A_760, %masked_sort3A_761, %masked_sort3A_762 = tpu.sort %select_n3A_757, %select_n3A_758 masked %masked_sort3A_759 : (vector<16xf32>, vector<16xi32>, vector<16xi1>) -> (vector<16xi1>, vector<16xf32>, vector<16xi32>)
      %reshape3A_763 = vector.shape_cast %max3A_13 : vector<16xi32> to vector<16x1xi32>
      %gather3A_764 = vector.shape_cast %reshape3A_763 : vector<16x1xi32> to vector<16xi32>
      %gather3A_765 = tpu.dynamic_gather %masked_sort3A_761[%gather3A_764] in [0] : vector<16xf32>, vector<16xi32> -> vector<16xf32>
      %lt3A_766 = arith.cmpf olt, %gather3A_765, %masked_sort3A_761 : vector<16xf32>
      %gt3A_767 = arith.constant 0 : i32
      %gt3A_768 = vector.broadcast %gt3A_767 : i32 to vector<16xi32>
      %gt3A_769 = arith.cmpi sgt, %iota3A, %gt3A_768 : vector<16xi32>
      %and3A_770 = arith.andi %lt3A_766, %gt3A_769 : vector<16xi1>
      %jit3A_771 = arith.constant 1 : i32
      %jit3A_772 = arith.constant 0 : i32
      %broadcast_in_dim3A_773 = vector.broadcast %jit3A_771 : i32 to vector<16xi32>
      %broadcast_in_dim3A_774 = vector.broadcast %jit3A_772 : i32 to vector<16xi32>
      %select_n3A_775 = arith.select %and3A_770, %broadcast_in_dim3A_773, %broadcast_in_dim3A_774 : vector<16xi1>, vector<16xi32>
      %broadcast_in_dim3A_776 = arith.constant true
      %broadcast_in_dim3A_777 = vector.broadcast %broadcast_in_dim3A_776 : i1 to vector<16xi1>
      %masked_cumsum3A_778 = tpu.scan <sum>, %select_n3A_775 masked %broadcast_in_dim3A_777 : vector<16xi32>, vector<16xi1> -> vector<16xi32>
      %shift_left3A_779 = arith.constant 11 : i32
      %shift_left3A_780 = vector.broadcast %shift_left3A_779 : i32 to vector<16xi32>
      %shift_left3A_781 = arith.shli %masked_cumsum3A_778, %shift_left3A_780 : vector<16xi32>
      %sub3A_782 = arith.constant 2047 : i32
      %sub3A_783 = vector.broadcast %sub3A_782 : i32 to vector<16xi32>
      %sub3A_784 = arith.subi %sub3A_783, %masked_sort3A_762 : vector<16xi32>
      %or3A_785 = arith.ori %shift_left3A_781, %sub3A_784 : vector<16xi32>
      %masked_sort3A_786 = arith.constant dense<true> : vector<16xi1>
      %masked_sort3A_787 = arith.constant -2147483648 : i32
      %masked_sort3A_788 = vector.broadcast %masked_sort3A_787 : i32 to vector<16xi32>
      %masked_sort3A_789 = arith.xori %or3A_785, %masked_sort3A_788 : vector<16xi32>
      %masked_sort3A_790, %masked_sort3A_791, %masked_sort3A_792 = tpu.sort %masked_sort3A_789, %masked_sort3A_762 masked %masked_sort3A_786 : (vector<16xi32>, vector<16xi32>, vector<16xi1>) -> (vector<16xi1>, vector<16xi32>, vector<16xi32>)
      %masked_sort3A_793 = arith.xori %masked_sort3A_791, %masked_sort3A_788 : vector<16xi32>
      %gt3A_794 = arith.cmpf ogt, %masked_sort3A_680, %masked_sort3A_719 : vector<16xf32>
      %eq3A_795 = arith.cmpf oeq, %masked_sort3A_680, %masked_sort3A_719 : vector<16xf32>
      %lt3A_796 = arith.cmpi slt, %masked_sort3A_708, %masked_sort3A_750 : vector<16xi32>
      %and3A_797 = arith.andi %eq3A_795, %lt3A_796 : vector<16xi1>
      %or3A_798 = arith.ori %gt3A_794, %and3A_797 : vector<16xi1>
      %select_n3A_799 = arith.select %or3A_798, %masked_sort3A_680, %masked_sort3A_719 : vector<16xi1>, vector<16xf32>
      %select_n3A_800 = arith.select %or3A_798, %masked_sort3A_708, %masked_sort3A_750 : vector<16xi1>, vector<16xi32>
      %masked_sort3A_801 = arith.constant dense<true> : vector<16xi1>
      %masked_sort3A_802, %masked_sort3A_803, %masked_sort3A_804 = tpu.sort %select_n3A_799, %select_n3A_800 masked %masked_sort3A_801 {descending = true} : (vector<16xf32>, vector<16xi32>, vector<16xi1>) -> (vector<16xi1>, vector<16xf32>, vector<16xi32>)
      %reshape3A_805 = vector.shape_cast %max3A_13 : vector<16xi32> to vector<16x1xi32>
      %gather3A_806 = vector.shape_cast %reshape3A_805 : vector<16x1xi32> to vector<16xi32>
      %gather3A_807 = tpu.dynamic_gather %masked_sort3A_803[%gather3A_806] in [0] : vector<16xf32>, vector<16xi32> -> vector<16xf32>
      %gt3A_808 = arith.cmpf ogt, %gather3A_807, %masked_sort3A_803 : vector<16xf32>
      %gt3A_809 = arith.constant 0 : i32
      %gt3A_810 = vector.broadcast %gt3A_809 : i32 to vector<16xi32>
      %gt3A_811 = arith.cmpi sgt, %iota3A, %gt3A_810 : vector<16xi32>
      %and3A_812 = arith.andi %gt3A_808, %gt3A_811 : vector<16xi1>
      %jit3A_813 = arith.constant 1 : i32
      %jit3A_814 = arith.constant 0 : i32
      %broadcast_in_dim3A_815 = vector.broadcast %jit3A_813 : i32 to vector<16xi32>
      %broadcast_in_dim3A_816 = vector.broadcast %jit3A_814 : i32 to vector<16xi32>
      %select_n3A_817 = arith.select %and3A_812, %broadcast_in_dim3A_815, %broadcast_in_dim3A_816 : vector<16xi1>, vector<16xi32>
      %broadcast_in_dim3A_818 = arith.constant true
      %broadcast_in_dim3A_819 = vector.broadcast %broadcast_in_dim3A_818 : i1 to vector<16xi1>
      %masked_cumsum3A_820 = tpu.scan <sum>, %select_n3A_817 masked %broadcast_in_dim3A_819 : vector<16xi32>, vector<16xi1> -> vector<16xi32>
      %shift_left3A_821 = arith.constant 11 : i32
      %shift_left3A_822 = vector.broadcast %shift_left3A_821 : i32 to vector<16xi32>
      %shift_left3A_823 = arith.shli %masked_cumsum3A_820, %shift_left3A_822 : vector<16xi32>
      %or3A_824 = arith.ori %shift_left3A_823, %masked_sort3A_804 : vector<16xi32>
      %masked_sort3A_825 = arith.constant dense<true> : vector<16xi1>
      %masked_sort3A_826 = arith.constant -2147483648 : i32
      %masked_sort3A_827 = vector.broadcast %masked_sort3A_826 : i32 to vector<16xi32>
      %masked_sort3A_828 = arith.xori %or3A_824, %masked_sort3A_827 : vector<16xi32>
      %masked_sort3A_829, %masked_sort3A_830, %masked_sort3A_831 = tpu.sort %masked_sort3A_828, %masked_sort3A_804 masked %masked_sort3A_825 : (vector<16xi32>, vector<16xi32>, vector<16xi1>) -> (vector<16xi1>, vector<16xi32>, vector<16xi32>)
      %masked_sort3A_832 = arith.xori %masked_sort3A_830, %masked_sort3A_827 : vector<16xi32>
      %gt3A_833 = arith.cmpf ogt, %masked_sort3A_803, %masked_sort3A_761 : vector<16xf32>
      %eq3A_834 = arith.cmpf oeq, %masked_sort3A_803, %masked_sort3A_761 : vector<16xf32>
      %lt3A_835 = arith.cmpi slt, %masked_sort3A_831, %masked_sort3A_792 : vector<16xi32>
      %and3A_836 = arith.andi %eq3A_834, %lt3A_835 : vector<16xi1>
      %or3A_837 = arith.ori %gt3A_833, %and3A_836 : vector<16xi1>
      %select_n3A_838 = arith.select %or3A_837, %masked_sort3A_803, %masked_sort3A_761 : vector<16xi1>, vector<16xf32>
      %select_n3A_839 = arith.select %or3A_837, %masked_sort3A_831, %masked_sort3A_792 : vector<16xi1>, vector<16xi32>
      %masked_sort3A_840 = arith.constant dense<true> : vector<16xi1>
      %masked_sort3A_841, %masked_sort3A_842, %masked_sort3A_843 = tpu.sort %select_n3A_838, %select_n3A_839 masked %masked_sort3A_840 {descending = true} : (vector<16xf32>, vector<16xi32>, vector<16xi1>) -> (vector<16xi1>, vector<16xf32>, vector<16xi32>)
      %reshape3A_844 = vector.shape_cast %max3A_13 : vector<16xi32> to vector<16x1xi32>
      %gather3A_845 = vector.shape_cast %reshape3A_844 : vector<16x1xi32> to vector<16xi32>
      %gather3A_846 = tpu.dynamic_gather %masked_sort3A_842[%gather3A_845] in [0] : vector<16xf32>, vector<16xi32> -> vector<16xf32>
      %gt3A_847 = arith.cmpf ogt, %gather3A_846, %masked_sort3A_842 : vector<16xf32>
      %gt3A_848 = arith.constant 0 : i32
      %gt3A_849 = vector.broadcast %gt3A_848 : i32 to vector<16xi32>
      %gt3A_850 = arith.cmpi sgt, %iota3A, %gt3A_849 : vector<16xi32>
      %and3A_851 = arith.andi %gt3A_847, %gt3A_850 : vector<16xi1>
      %jit3A_852 = arith.constant 1 : i32
      %jit3A_853 = arith.constant 0 : i32
      %broadcast_in_dim3A_854 = vector.broadcast %jit3A_852 : i32 to vector<16xi32>
      %broadcast_in_dim3A_855 = vector.broadcast %jit3A_853 : i32 to vector<16xi32>
      %select_n3A_856 = arith.select %and3A_851, %broadcast_in_dim3A_854, %broadcast_in_dim3A_855 : vector<16xi1>, vector<16xi32>
      %broadcast_in_dim3A_857 = arith.constant true
      %broadcast_in_dim3A_858 = vector.broadcast %broadcast_in_dim3A_857 : i1 to vector<16xi1>
      %masked_cumsum3A_859 = tpu.scan <sum>, %select_n3A_856 masked %broadcast_in_dim3A_858 : vector<16xi32>, vector<16xi1> -> vector<16xi32>
      %shift_left3A_860 = arith.constant 11 : i32
      %shift_left3A_861 = vector.broadcast %shift_left3A_860 : i32 to vector<16xi32>
      %shift_left3A_862 = arith.shli %masked_cumsum3A_859, %shift_left3A_861 : vector<16xi32>
      %or3A_863 = arith.ori %shift_left3A_862, %masked_sort3A_843 : vector<16xi32>
      %masked_sort3A_864 = arith.constant dense<true> : vector<16xi1>
      %masked_sort3A_865 = arith.constant -2147483648 : i32
      %masked_sort3A_866 = vector.broadcast %masked_sort3A_865 : i32 to vector<16xi32>
      %masked_sort3A_867 = arith.xori %or3A_863, %masked_sort3A_866 : vector<16xi32>
      %masked_sort3A_868, %masked_sort3A_869, %masked_sort3A_870 = tpu.sort %masked_sort3A_867, %masked_sort3A_843 masked %masked_sort3A_864 : (vector<16xi32>, vector<16xi32>, vector<16xi1>) -> (vector<16xi1>, vector<16xi32>, vector<16xi32>)
      %masked_sort3A_871 = arith.xori %masked_sort3A_869, %masked_sort3A_866 : vector<16xi32>
      %reshape3A_872 = vector.shape_cast %sub3A_8 : vector<16xi32> to vector<16x1xi32>
      %gather3A_873 = vector.shape_cast %reshape3A_872 : vector<16x1xi32> to vector<16xi32>
      %gather3A_874 = tpu.dynamic_gather %masked_sort3A_842[%gather3A_873] in [0] : vector<16xf32>, vector<16xi32> -> vector<16xf32>
      %reshape3A_875 = vector.shape_cast %sub3A_8 : vector<16xi32> to vector<16x1xi32>
      %gather3A_876 = vector.shape_cast %reshape3A_875 : vector<16x1xi32> to vector<16xi32>
      %gather3A_877 = tpu.dynamic_gather %masked_sort3A_870[%gather3A_876] in [0] : vector<16xi32>, vector<16xi32> -> vector<16xi32>
      %scan3A = arith.constant 1 : i32
      %scan3A_878 = arith.constant 255 : i32
      %scan3A_879 = arith.addi %scan3A, %scan3A_878 : i32
      %scan3A_880 = arith.constant 1 : i32
      %scan3A_881:5 = scf.for %scan3A_1440 = %scan3A to %scan3A_879 step %scan3A_880 iter_args(%scan3A_1441 = %masked_sort3A_403, %scan3A_1442 = %masked_sort3A_842, %scan3A_1443 = %gather3A_874, %scan3A_1444 = %masked_sort3A_870, %scan3A_1445 = %gather3A_877) -> (vector<16xf32>, vector<16xf32>, vector<16xf32>, vector<16xi32>, vector<16xi32>)  : i32 {
        %add3A_1446 = arith.constant 1 : i32
        %add3A_1447 = arith.addi %scan3A_1440, %add3A_1446 : i32
        %min3A = arith.constant 255 : i32
        %min3A_1448 = arith.minsi %add3A_1447, %min3A : i32
        %mul3A_1449 = arith.constant 128 : i32
        %mul3A_1450 = arith.muli %min3A_1448, %mul3A_1449 : i32
        %add3A_1451 = arith.constant 0 : i32
        %add3A_1452 = arith.addi %mul3A_1450, %add3A_1451 : i32
        %get3A_1453 = arith.index_cast %add3A_1452 : i32 to index
        %get3A_1454 = tpu.vector_load %arg5[%get3A_1453] {strides = array<i32>} : memref<32768xf32, #tpu.memory_space<vmem>>, vector<16xf32>,
        %add3A_1455 = arith.constant 0 : i32
        %add3A_1456 = vector.broadcast %add3A_1455 : i32 to vector<16xi32>
        %add3A_1457 = arith.addi %iota3A, %add3A_1456 : vector<16xi32>
        %mul3A_1458 = arith.constant 128 : i32
        %mul3A_1459 = arith.muli %min3A_1448, %mul3A_1458 : i32
        %add3A_1460 = arith.constant 16 : i32
        %add3A_1461 = arith.addi %mul3A_1459, %add3A_1460 : i32
        %get3A_1462 = arith.index_cast %add3A_1461 : i32 to index
        %get3A_1463 = tpu.vector_load %arg5[%get3A_1462] {strides = array<i32>} : memref<32768xf32, #tpu.memory_space<vmem>>, vector<16xf32>,
        %add3A_1464 = arith.constant 16 : i32
        %add3A_1465 = vector.broadcast %add3A_1464 : i32 to vector<16xi32>
        %add3A_1466 = arith.addi %iota3A, %add3A_1465 : vector<16xi32>
        %mul3A_1467 = arith.constant 128 : i32
        %mul3A_1468 = arith.muli %min3A_1448, %mul3A_1467 : i32
        %add3A_1469 = arith.constant 32 : i32
        %add3A_1470 = arith.addi %mul3A_1468, %add3A_1469 : i32
        %get3A_1471 = arith.index_cast %add3A_1470 : i32 to index
        %get3A_1472 = tpu.vector_load %arg5[%get3A_1471] {strides = array<i32>} : memref<32768xf32, #tpu.memory_space<vmem>>, vector<16xf32>,
        %add3A_1473 = arith.constant 32 : i32
        %add3A_1474 = vector.broadcast %add3A_1473 : i32 to vector<16xi32>
        %add3A_1475 = arith.addi %iota3A, %add3A_1474 : vector<16xi32>
        %mul3A_1476 = arith.constant 128 : i32
        %mul3A_1477 = arith.muli %min3A_1448, %mul3A_1476 : i32
        %add3A_1478 = arith.constant 48 : i32
        %add3A_1479 = arith.addi %mul3A_1477, %add3A_1478 : i32
        %get3A_1480 = arith.index_cast %add3A_1479 : i32 to index
        %get3A_1481 = tpu.vector_load %arg5[%get3A_1480] {strides = array<i32>} : memref<32768xf32, #tpu.memory_space<vmem>>, vector<16xf32>,
        %add3A_1482 = arith.constant 48 : i32
        %add3A_1483 = vector.broadcast %add3A_1482 : i32 to vector<16xi32>
        %add3A_1484 = arith.addi %iota3A, %add3A_1483 : vector<16xi32>
        %mul3A_1485 = arith.constant 128 : i32
        %mul3A_1486 = arith.muli %min3A_1448, %mul3A_1485 : i32
        %add3A_1487 = arith.constant 64 : i32
        %add3A_1488 = arith.addi %mul3A_1486, %add3A_1487 : i32
        %get3A_1489 = arith.index_cast %add3A_1488 : i32 to index
        %get3A_1490 = tpu.vector_load %arg5[%get3A_1489] {strides = array<i32>} : memref<32768xf32, #tpu.memory_space<vmem>>, vector<16xf32>,
        %add3A_1491 = arith.constant 64 : i32
        %add3A_1492 = vector.broadcast %add3A_1491 : i32 to vector<16xi32>
        %add3A_1493 = arith.addi %iota3A, %add3A_1492 : vector<16xi32>
        %mul3A_1494 = arith.constant 128 : i32
        %mul3A_1495 = arith.muli %min3A_1448, %mul3A_1494 : i32
        %add3A_1496 = arith.constant 80 : i32
        %add3A_1497 = arith.addi %mul3A_1495, %add3A_1496 : i32
        %get3A_1498 = arith.index_cast %add3A_1497 : i32 to index
        %get3A_1499 = tpu.vector_load %arg5[%get3A_1498] {strides = array<i32>} : memref<32768xf32, #tpu.memory_space<vmem>>, vector<16xf32>,
        %add3A_1500 = arith.constant 80 : i32
        %add3A_1501 = vector.broadcast %add3A_1500 : i32 to vector<16xi32>
        %add3A_1502 = arith.addi %iota3A, %add3A_1501 : vector<16xi32>
        %masked_sort3A_1503 = arith.constant dense<true> : vector<16xi1>
        %masked_sort3A_1504, %masked_sort3A_1505, %masked_sort3A_1506 = tpu.sort %get3A_1454, %add3A_1457 masked %masked_sort3A_1503 {descending = true} : (vector<16xf32>, vector<16xi32>, vector<16xi1>) -> (vector<16xi1>, vector<16xf32>, vector<16xi32>)
        %reshape3A_1507 = vector.shape_cast %max3A_13 : vector<16xi32> to vector<16x1xi32>
        %gather3A_1508 = vector.shape_cast %reshape3A_1507 : vector<16x1xi32> to vector<16xi32>
        %gather3A_1509 = tpu.dynamic_gather %masked_sort3A_1505[%gather3A_1508] in [0] : vector<16xf32>, vector<16xi32> -> vector<16xf32>
        %gt3A_1510 = arith.cmpf ogt, %gather3A_1509, %masked_sort3A_1505 : vector<16xf32>
        %gt3A_1511 = arith.constant 0 : i32
        %gt3A_1512 = vector.broadcast %gt3A_1511 : i32 to vector<16xi32>
        %gt3A_1513 = arith.cmpi sgt, %iota3A, %gt3A_1512 : vector<16xi32>
        %and3A_1514 = arith.andi %gt3A_1510, %gt3A_1513 : vector<16xi1>
        %jit3A_1515 = arith.constant 1 : i32
        %jit3A_1516 = arith.constant 0 : i32
        %broadcast_in_dim3A_1517 = vector.broadcast %jit3A_1515 : i32 to vector<16xi32>
        %broadcast_in_dim3A_1518 = vector.broadcast %jit3A_1516 : i32 to vector<16xi32>
        %select_n3A_1519 = arith.select %and3A_1514, %broadcast_in_dim3A_1517, %broadcast_in_dim3A_1518 : vector<16xi1>, vector<16xi32>
        %broadcast_in_dim3A_1520 = arith.constant true
        %broadcast_in_dim3A_1521 = vector.broadcast %broadcast_in_dim3A_1520 : i1 to vector<16xi1>
        %masked_cumsum3A_1522 = tpu.scan <sum>, %select_n3A_1519 masked %broadcast_in_dim3A_1521 : vector<16xi32>, vector<16xi1> -> vector<16xi32>
        %shift_left3A_1523 = arith.constant 11 : i32
        %shift_left3A_1524 = vector.broadcast %shift_left3A_1523 : i32 to vector<16xi32>
        %shift_left3A_1525 = arith.shli %masked_cumsum3A_1522, %shift_left3A_1524 : vector<16xi32>
        %or3A_1526 = arith.ori %shift_left3A_1525, %masked_sort3A_1506 : vector<16xi32>
        %masked_sort3A_1527 = arith.constant dense<true> : vector<16xi1>
        %masked_sort3A_1528 = arith.constant -2147483648 : i32
        %masked_sort3A_1529 = vector.broadcast %masked_sort3A_1528 : i32 to vector<16xi32>
        %masked_sort3A_1530 = arith.xori %or3A_1526, %masked_sort3A_1529 : vector<16xi32>
        %masked_sort3A_1531, %masked_sort3A_1532, %masked_sort3A_1533 = tpu.sort %masked_sort3A_1530, %masked_sort3A_1506 masked %masked_sort3A_1527 : (vector<16xi32>, vector<16xi32>, vector<16xi1>) -> (vector<16xi1>, vector<16xi32>, vector<16xi32>)
        %masked_sort3A_1534 = arith.xori %masked_sort3A_1532, %masked_sort3A_1529 : vector<16xi32>
        %masked_sort3A_1535 = arith.constant dense<true> : vector<16xi1>
        %masked_sort3A_1536, %masked_sort3A_1537, %masked_sort3A_1538 = tpu.sort %get3A_1463, %add3A_1466 masked %masked_sort3A_1535 : (vector<16xf32>, vector<16xi32>, vector<16xi1>) -> (vector<16xi1>, vector<16xf32>, vector<16xi32>)
        %reshape3A_1539 = vector.shape_cast %max3A_13 : vector<16xi32> to vector<16x1xi32>
        %gather3A_1540 = vector.shape_cast %reshape3A_1539 : vector<16x1xi32> to vector<16xi32>
        %gather3A_1541 = tpu.dynamic_gather %masked_sort3A_1537[%gather3A_1540] in [0] : vector<16xf32>, vector<16xi32> -> vector<16xf32>
        %lt3A_1542 = arith.cmpf olt, %gather3A_1541, %masked_sort3A_1537 : vector<16xf32>
        %gt3A_1543 = arith.constant 0 : i32
        %gt3A_1544 = vector.broadcast %gt3A_1543 : i32 to vector<16xi32>
        %gt3A_1545 = arith.cmpi sgt, %iota3A, %gt3A_1544 : vector<16xi32>
        %and3A_1546 = arith.andi %lt3A_1542, %gt3A_1545 : vector<16xi1>
        %jit3A_1547 = arith.constant 1 : i32
        %jit3A_1548 = arith.constant 0 : i32
        %broadcast_in_dim3A_1549 = vector.broadcast %jit3A_1547 : i32 to vector<16xi32>
        %broadcast_in_dim3A_1550 = vector.broadcast %jit3A_1548 : i32 to vector<16xi32>
        %select_n3A_1551 = arith.select %and3A_1546, %broadcast_in_dim3A_1549, %broadcast_in_dim3A_1550 : vector<16xi1>, vector<16xi32>
        %broadcast_in_dim3A_1552 = arith.constant true
        %broadcast_in_dim3A_1553 = vector.broadcast %broadcast_in_dim3A_1552 : i1 to vector<16xi1>
        %masked_cumsum3A_1554 = tpu.scan <sum>, %select_n3A_1551 masked %broadcast_in_dim3A_1553 : vector<16xi32>, vector<16xi1> -> vector<16xi32>
        %shift_left3A_1555 = arith.constant 11 : i32
        %shift_left3A_1556 = vector.broadcast %shift_left3A_1555 : i32 to vector<16xi32>
        %shift_left3A_1557 = arith.shli %masked_cumsum3A_1554, %shift_left3A_1556 : vector<16xi32>
        %sub3A_1558 = arith.constant 2047 : i32
        %sub3A_1559 = vector.broadcast %sub3A_1558 : i32 to vector<16xi32>
        %sub3A_1560 = arith.subi %sub3A_1559, %masked_sort3A_1538 : vector<16xi32>
        %or3A_1561 = arith.ori %shift_left3A_1557, %sub3A_1560 : vector<16xi32>
        %masked_sort3A_1562 = arith.constant dense<true> : vector<16xi1>
        %masked_sort3A_1563 = arith.constant -2147483648 : i32
        %masked_sort3A_1564 = vector.broadcast %masked_sort3A_1563 : i32 to vector<16xi32>
        %masked_sort3A_1565 = arith.xori %or3A_1561, %masked_sort3A_1564 : vector<16xi32>
        %masked_sort3A_1566, %masked_sort3A_1567, %masked_sort3A_1568 = tpu.sort %masked_sort3A_1565, %masked_sort3A_1538 masked %masked_sort3A_1562 : (vector<16xi32>, vector<16xi32>, vector<16xi1>) -> (vector<16xi1>, vector<16xi32>, vector<16xi32>)
        %masked_sort3A_1569 = arith.xori %masked_sort3A_1567, %masked_sort3A_1564 : vector<16xi32>
        %masked_sort3A_1570 = arith.constant dense<true> : vector<16xi1>
        %masked_sort3A_1571, %masked_sort3A_1572, %masked_sort3A_1573 = tpu.sort %get3A_1472, %add3A_1475 masked %masked_sort3A_1570 {descending = true} : (vector<16xf32>, vector<16xi32>, vector<16xi1>) -> (vector<16xi1>, vector<16xf32>, vector<16xi32>)
        %reshape3A_1574 = vector.shape_cast %max3A_13 : vector<16xi32> to vector<16x1xi32>
        %gather3A_1575 = vector.shape_cast %reshape3A_1574 : vector<16x1xi32> to vector<16xi32>
        %gather3A_1576 = tpu.dynamic_gather %masked_sort3A_1572[%gather3A_1575] in [0] : vector<16xf32>, vector<16xi32> -> vector<16xf32>
        %gt3A_1577 = arith.cmpf ogt, %gather3A_1576, %masked_sort3A_1572 : vector<16xf32>
        %gt3A_1578 = arith.constant 0 : i32
        %gt3A_1579 = vector.broadcast %gt3A_1578 : i32 to vector<16xi32>
        %gt3A_1580 = arith.cmpi sgt, %iota3A, %gt3A_1579 : vector<16xi32>
        %and3A_1581 = arith.andi %gt3A_1577, %gt3A_1580 : vector<16xi1>
        %jit3A_1582 = arith.constant 1 : i32
        %jit3A_1583 = arith.constant 0 : i32
        %broadcast_in_dim3A_1584 = vector.broadcast %jit3A_1582 : i32 to vector<16xi32>
        %broadcast_in_dim3A_1585 = vector.broadcast %jit3A_1583 : i32 to vector<16xi32>
        %select_n3A_1586 = arith.select %and3A_1581, %broadcast_in_dim3A_1584, %broadcast_in_dim3A_1585 : vector<16xi1>, vector<16xi32>
        %broadcast_in_dim3A_1587 = arith.constant true
        %broadcast_in_dim3A_1588 = vector.broadcast %broadcast_in_dim3A_1587 : i1 to vector<16xi1>
        %masked_cumsum3A_1589 = tpu.scan <sum>, %select_n3A_1586 masked %broadcast_in_dim3A_1588 : vector<16xi32>, vector<16xi1> -> vector<16xi32>
        %shift_left3A_1590 = arith.constant 11 : i32
        %shift_left3A_1591 = vector.broadcast %shift_left3A_1590 : i32 to vector<16xi32>
        %shift_left3A_1592 = arith.shli %masked_cumsum3A_1589, %shift_left3A_1591 : vector<16xi32>
        %or3A_1593 = arith.ori %shift_left3A_1592, %masked_sort3A_1573 : vector<16xi32>
        %masked_sort3A_1594 = arith.constant dense<true> : vector<16xi1>
        %masked_sort3A_1595 = arith.constant -2147483648 : i32
        %masked_sort3A_1596 = vector.broadcast %masked_sort3A_1595 : i32 to vector<16xi32>
        %masked_sort3A_1597 = arith.xori %or3A_1593, %masked_sort3A_1596 : vector<16xi32>
        %masked_sort3A_1598, %masked_sort3A_1599, %masked_sort3A_1600 = tpu.sort %masked_sort3A_1597, %masked_sort3A_1573 masked %masked_sort3A_1594 : (vector<16xi32>, vector<16xi32>, vector<16xi1>) -> (vector<16xi1>, vector<16xi32>, vector<16xi32>)
        %masked_sort3A_1601 = arith.xori %masked_sort3A_1599, %masked_sort3A_1596 : vector<16xi32>
        %masked_sort3A_1602 = arith.constant dense<true> : vector<16xi1>
        %masked_sort3A_1603, %masked_sort3A_1604, %masked_sort3A_1605 = tpu.sort %get3A_1481, %add3A_1484 masked %masked_sort3A_1602 : (vector<16xf32>, vector<16xi32>, vector<16xi1>) -> (vector<16xi1>, vector<16xf32>, vector<16xi32>)
        %reshape3A_1606 = vector.shape_cast %max3A_13 : vector<16xi32> to vector<16x1xi32>
        %gather3A_1607 = vector.shape_cast %reshape3A_1606 : vector<16x1xi32> to vector<16xi32>
        %gather3A_1608 = tpu.dynamic_gather %masked_sort3A_1604[%gather3A_1607] in [0] : vector<16xf32>, vector<16xi32> -> vector<16xf32>
        %lt3A_1609 = arith.cmpf olt, %gather3A_1608, %masked_sort3A_1604 : vector<16xf32>
        %gt3A_1610 = arith.constant 0 : i32
        %gt3A_1611 = vector.broadcast %gt3A_1610 : i32 to vector<16xi32>
        %gt3A_1612 = arith.cmpi sgt, %iota3A, %gt3A_1611 : vector<16xi32>
        %and3A_1613 = arith.andi %lt3A_1609, %gt3A_1612 : vector<16xi1>
        %jit3A_1614 = arith.constant 1 : i32
        %jit3A_1615 = arith.constant 0 : i32
        %broadcast_in_dim3A_1616 = vector.broadcast %jit3A_1614 : i32 to vector<16xi32>
        %broadcast_in_dim3A_1617 = vector.broadcast %jit3A_1615 : i32 to vector<16xi32>
        %select_n3A_1618 = arith.select %and3A_1613, %broadcast_in_dim3A_1616, %broadcast_in_dim3A_1617 : vector<16xi1>, vector<16xi32>
        %broadcast_in_dim3A_1619 = arith.constant true
        %broadcast_in_dim3A_1620 = vector.broadcast %broadcast_in_dim3A_1619 : i1 to vector<16xi1>
        %masked_cumsum3A_1621 = tpu.scan <sum>, %select_n3A_1618 masked %broadcast_in_dim3A_1620 : vector<16xi32>, vector<16xi1> -> vector<16xi32>
        %shift_left3A_1622 = arith.constant 11 : i32
        %shift_left3A_1623 = vector.broadcast %shift_left3A_1622 : i32 to vector<16xi32>
        %shift_left3A_1624 = arith.shli %masked_cumsum3A_1621, %shift_left3A_1623 : vector<16xi32>
        %sub3A_1625 = arith.constant 2047 : i32
        %sub3A_1626 = vector.broadcast %sub3A_1625 : i32 to vector<16xi32>
        %sub3A_1627 = arith.subi %sub3A_1626, %masked_sort3A_1605 : vector<16xi32>
        %or3A_1628 = arith.ori %shift_left3A_1624, %sub3A_1627 : vector<16xi32>
        %masked_sort3A_1629 = arith.constant dense<true> : vector<16xi1>
        %masked_sort3A_1630 = arith.constant -2147483648 : i32
        %masked_sort3A_1631 = vector.broadcast %masked_sort3A_1630 : i32 to vector<16xi32>
        %masked_sort3A_1632 = arith.xori %or3A_1628, %masked_sort3A_1631 : vector<16xi32>
        %masked_sort3A_1633, %masked_sort3A_1634, %masked_sort3A_1635 = tpu.sort %masked_sort3A_1632, %masked_sort3A_1605 masked %masked_sort3A_1629 : (vector<16xi32>, vector<16xi32>, vector<16xi1>) -> (vector<16xi1>, vector<16xi32>, vector<16xi32>)
        %masked_sort3A_1636 = arith.xori %masked_sort3A_1634, %masked_sort3A_1631 : vector<16xi32>
        %masked_sort3A_1637 = arith.constant dense<true> : vector<16xi1>
        %masked_sort3A_1638, %masked_sort3A_1639, %masked_sort3A_1640 = tpu.sort %get3A_1490, %add3A_1493 masked %masked_sort3A_1637 {descending = true} : (vector<16xf32>, vector<16xi32>, vector<16xi1>) -> (vector<16xi1>, vector<16xf32>, vector<16xi32>)
        %reshape3A_1641 = vector.shape_cast %max3A_13 : vector<16xi32> to vector<16x1xi32>
        %gather3A_1642 = vector.shape_cast %reshape3A_1641 : vector<16x1xi32> to vector<16xi32>
        %gather3A_1643 = tpu.dynamic_gather %masked_sort3A_1639[%gather3A_1642] in [0] : vector<16xf32>, vector<16xi32> -> vector<16xf32>
        %gt3A_1644 = arith.cmpf ogt, %gather3A_1643, %masked_sort3A_1639 : vector<16xf32>
        %gt3A_1645 = arith.constant 0 : i32
        %gt3A_1646 = vector.broadcast %gt3A_1645 : i32 to vector<16xi32>
        %gt3A_1647 = arith.cmpi sgt, %iota3A, %gt3A_1646 : vector<16xi32>
        %and3A_1648 = arith.andi %gt3A_1644, %gt3A_1647 : vector<16xi1>
        %jit3A_1649 = arith.constant 1 : i32
        %jit3A_1650 = arith.constant 0 : i32
        %broadcast_in_dim3A_1651 = vector.broadcast %jit3A_1649 : i32 to vector<16xi32>
        %broadcast_in_dim3A_1652 = vector.broadcast %jit3A_1650 : i32 to vector<16xi32>
        %select_n3A_1653 = arith.select %and3A_1648, %broadcast_in_dim3A_1651, %broadcast_in_dim3A_1652 : vector<16xi1>, vector<16xi32>
        %broadcast_in_dim3A_1654 = arith.constant true
        %broadcast_in_dim3A_1655 = vector.broadcast %broadcast_in_dim3A_1654 : i1 to vector<16xi1>
        %masked_cumsum3A_1656 = tpu.scan <sum>, %select_n3A_1653 masked %broadcast_in_dim3A_1655 : vector<16xi32>, vector<16xi1> -> vector<16xi32>
        %shift_left3A_1657 = arith.constant 11 : i32
        %shift_left3A_1658 = vector.broadcast %shift_left3A_1657 : i32 to vector<16xi32>
        %shift_left3A_1659 = arith.shli %masked_cumsum3A_1656, %shift_left3A_1658 : vector<16xi32>
        %or3A_1660 = arith.ori %shift_left3A_1659, %masked_sort3A_1640 : vector<16xi32>
        %masked_sort3A_1661 = arith.constant dense<true> : vector<16xi1>
        %masked_sort3A_1662 = arith.constant -2147483648 : i32
        %masked_sort3A_1663 = vector.broadcast %masked_sort3A_1662 : i32 to vector<16xi32>
        %masked_sort3A_1664 = arith.xori %or3A_1660, %masked_sort3A_1663 : vector<16xi32>
        %masked_sort3A_1665, %masked_sort3A_1666, %masked_sort3A_1667 = tpu.sort %masked_sort3A_1664, %masked_sort3A_1640 masked %masked_sort3A_1661 : (vector<16xi32>, vector<16xi32>, vector<16xi1>) -> (vector<16xi1>, vector<16xi32>, vector<16xi32>)
        %masked_sort3A_1668 = arith.xori %masked_sort3A_1666, %masked_sort3A_1663 : vector<16xi32>
        %masked_sort3A_1669 = arith.constant dense<true> : vector<16xi1>
        %masked_sort3A_1670, %masked_sort3A_1671, %masked_sort3A_1672 = tpu.sort %get3A_1499, %add3A_1502 masked %masked_sort3A_1669 : (vector<16xf32>, vector<16xi32>, vector<16xi1>) -> (vector<16xi1>, vector<16xf32>, vector<16xi32>)
        %reshape3A_1673 = vector.shape_cast %max3A_13 : vector<16xi32> to vector<16x1xi32>
        %gather3A_1674 = vector.shape_cast %reshape3A_1673 : vector<16x1xi32> to vector<16xi32>
        %gather3A_1675 = tpu.dynamic_gather %masked_sort3A_1671[%gather3A_1674] in [0] : vector<16xf32>, vector<16xi32> -> vector<16xf32>
        %lt3A_1676 = arith.cmpf olt, %gather3A_1675, %masked_sort3A_1671 : vector<16xf32>
        %gt3A_1677 = arith.constant 0 : i32
        %gt3A_1678 = vector.broadcast %gt3A_1677 : i32 to vector<16xi32>
        %gt3A_1679 = arith.cmpi sgt, %iota3A, %gt3A_1678 : vector<16xi32>
        %and3A_1680 = arith.andi %lt3A_1676, %gt3A_1679 : vector<16xi1>
        %jit3A_1681 = arith.constant 1 : i32
        %jit3A_1682 = arith.constant 0 : i32
        %broadcast_in_dim3A_1683 = vector.broadcast %jit3A_1681 : i32 to vector<16xi32>
        %broadcast_in_dim3A_1684 = vector.broadcast %jit3A_1682 : i32 to vector<16xi32>
        %select_n3A_1685 = arith.select %and3A_1680, %broadcast_in_dim3A_1683, %broadcast_in_dim3A_1684 : vector<16xi1>, vector<16xi32>
        %broadcast_in_dim3A_1686 = arith.constant true
        %broadcast_in_dim3A_1687 = vector.broadcast %broadcast_in_dim3A_1686 : i1 to vector<16xi1>
        %masked_cumsum3A_1688 = tpu.scan <sum>, %select_n3A_1685 masked %broadcast_in_dim3A_1687 : vector<16xi32>, vector<16xi1> -> vector<16xi32>
        %shift_left3A_1689 = arith.constant 11 : i32
        %shift_left3A_1690 = vector.broadcast %shift_left3A_1689 : i32 to vector<16xi32>
        %shift_left3A_1691 = arith.shli %masked_cumsum3A_1688, %shift_left3A_1690 : vector<16xi32>
        %sub3A_1692 = arith.constant 2047 : i32
        %sub3A_1693 = vector.broadcast %sub3A_1692 : i32 to vector<16xi32>
        %sub3A_1694 = arith.subi %sub3A_1693, %masked_sort3A_1672 : vector<16xi32>
        %or3A_1695 = arith.ori %shift_left3A_1691, %sub3A_1694 : vector<16xi32>
        %masked_sort3A_1696 = arith.constant dense<true> : vector<16xi1>
        %masked_sort3A_1697 = arith.constant -2147483648 : i32
        %masked_sort3A_1698 = vector.broadcast %masked_sort3A_1697 : i32 to vector<16xi32>
        %masked_sort3A_1699 = arith.xori %or3A_1695, %masked_sort3A_1698 : vector<16xi32>
        %masked_sort3A_1700, %masked_sort3A_1701, %masked_sort3A_1702 = tpu.sort %masked_sort3A_1699, %masked_sort3A_1672 masked %masked_sort3A_1696 : (vector<16xi32>, vector<16xi32>, vector<16xi1>) -> (vector<16xi1>, vector<16xi32>, vector<16xi32>)
        %masked_sort3A_1703 = arith.xori %masked_sort3A_1701, %masked_sort3A_1698 : vector<16xi32>
        %gt3A_1704 = arith.cmpf ogt, %masked_sort3A_1505, %masked_sort3A_1537 : vector<16xf32>
        %eq3A_1705 = arith.cmpf oeq, %masked_sort3A_1505, %masked_sort3A_1537 : vector<16xf32>
        %lt3A_1706 = arith.cmpi slt, %masked_sort3A_1533, %masked_sort3A_1568 : vector<16xi32>
        %and3A_1707 = arith.andi %eq3A_1705, %lt3A_1706 : vector<16xi1>
        %or3A_1708 = arith.ori %gt3A_1704, %and3A_1707 : vector<16xi1>
        %select_n3A_1709 = arith.select %or3A_1708, %masked_sort3A_1505, %masked_sort3A_1537 : vector<16xi1>, vector<16xf32>
        %select_n3A_1710 = arith.select %or3A_1708, %masked_sort3A_1533, %masked_sort3A_1568 : vector<16xi1>, vector<16xi32>
        %masked_sort3A_1711 = arith.constant dense<true> : vector<16xi1>
        %masked_sort3A_1712, %masked_sort3A_1713, %masked_sort3A_1714 = tpu.sort %select_n3A_1709, %select_n3A_1710 masked %masked_sort3A_1711 {descending = true} : (vector<16xf32>, vector<16xi32>, vector<16xi1>) -> (vector<16xi1>, vector<16xf32>, vector<16xi32>)
        %reshape3A_1715 = vector.shape_cast %max3A_13 : vector<16xi32> to vector<16x1xi32>
        %gather3A_1716 = vector.shape_cast %reshape3A_1715 : vector<16x1xi32> to vector<16xi32>
        %gather3A_1717 = tpu.dynamic_gather %masked_sort3A_1713[%gather3A_1716] in [0] : vector<16xf32>, vector<16xi32> -> vector<16xf32>
        %gt3A_1718 = arith.cmpf ogt, %gather3A_1717, %masked_sort3A_1713 : vector<16xf32>
        %gt3A_1719 = arith.constant 0 : i32
        %gt3A_1720 = vector.broadcast %gt3A_1719 : i32 to vector<16xi32>
        %gt3A_1721 = arith.cmpi sgt, %iota3A, %gt3A_1720 : vector<16xi32>
        %and3A_1722 = arith.andi %gt3A_1718, %gt3A_1721 : vector<16xi1>
        %jit3A_1723 = arith.constant 1 : i32
        %jit3A_1724 = arith.constant 0 : i32
        %broadcast_in_dim3A_1725 = vector.broadcast %jit3A_1723 : i32 to vector<16xi32>
        %broadcast_in_dim3A_1726 = vector.broadcast %jit3A_1724 : i32 to vector<16xi32>
        %select_n3A_1727 = arith.select %and3A_1722, %broadcast_in_dim3A_1725, %broadcast_in_dim3A_1726 : vector<16xi1>, vector<16xi32>
        %broadcast_in_dim3A_1728 = arith.constant true
        %broadcast_in_dim3A_1729 = vector.broadcast %broadcast_in_dim3A_1728 : i1 to vector<16xi1>
        %masked_cumsum3A_1730 = tpu.scan <sum>, %select_n3A_1727 masked %broadcast_in_dim3A_1729 : vector<16xi32>, vector<16xi1> -> vector<16xi32>
        %shift_left3A_1731 = arith.constant 11 : i32
        %shift_left3A_1732 = vector.broadcast %shift_left3A_1731 : i32 to vector<16xi32>
        %shift_left3A_1733 = arith.shli %masked_cumsum3A_1730, %shift_left3A_1732 : vector<16xi32>
        %or3A_1734 = arith.ori %shift_left3A_1733, %masked_sort3A_1714 : vector<16xi32>
        %masked_sort3A_1735 = arith.constant dense<true> : vector<16xi1>
        %masked_sort3A_1736 = arith.constant -2147483648 : i32
        %masked_sort3A_1737 = vector.broadcast %masked_sort3A_1736 : i32 to vector<16xi32>
        %masked_sort3A_1738 = arith.xori %or3A_1734, %masked_sort3A_1737 : vector<16xi32>
        %masked_sort3A_1739, %masked_sort3A_1740, %masked_sort3A_1741 = tpu.sort %masked_sort3A_1738, %masked_sort3A_1714 masked %masked_sort3A_1735 : (vector<16xi32>, vector<16xi32>, vector<16xi1>) -> (vector<16xi1>, vector<16xi32>, vector<16xi32>)
        %masked_sort3A_1742 = arith.xori %masked_sort3A_1740, %masked_sort3A_1737 : vector<16xi32>
        %gt3A_1743 = arith.cmpf ogt, %masked_sort3A_1572, %masked_sort3A_1604 : vector<16xf32>
        %eq3A_1744 = arith.cmpf oeq, %masked_sort3A_1572, %masked_sort3A_1604 : vector<16xf32>
        %lt3A_1745 = arith.cmpi slt, %masked_sort3A_1600, %masked_sort3A_1635 : vector<16xi32>
        %and3A_1746 = arith.andi %eq3A_1744, %lt3A_1745 : vector<16xi1>
        %or3A_1747 = arith.ori %gt3A_1743, %and3A_1746 : vector<16xi1>
        %select_n3A_1748 = arith.select %or3A_1747, %masked_sort3A_1572, %masked_sort3A_1604 : vector<16xi1>, vector<16xf32>
        %select_n3A_1749 = arith.select %or3A_1747, %masked_sort3A_1600, %masked_sort3A_1635 : vector<16xi1>, vector<16xi32>
        %masked_sort3A_1750 = arith.constant dense<true> : vector<16xi1>
        %masked_sort3A_1751, %masked_sort3A_1752, %masked_sort3A_1753 = tpu.sort %select_n3A_1748, %select_n3A_1749 masked %masked_sort3A_1750 : (vector<16xf32>, vector<16xi32>, vector<16xi1>) -> (vector<16xi1>, vector<16xf32>, vector<16xi32>)
        %reshape3A_1754 = vector.shape_cast %max3A_13 : vector<16xi32> to vector<16x1xi32>
        %gather3A_1755 = vector.shape_cast %reshape3A_1754 : vector<16x1xi32> to vector<16xi32>
        %gather3A_1756 = tpu.dynamic_gather %masked_sort3A_1752[%gather3A_1755] in [0] : vector<16xf32>, vector<16xi32> -> vector<16xf32>
        %lt3A_1757 = arith.cmpf olt, %gather3A_1756, %masked_sort3A_1752 : vector<16xf32>
        %gt3A_1758 = arith.constant 0 : i32
        %gt3A_1759 = vector.broadcast %gt3A_1758 : i32 to vector<16xi32>
        %gt3A_1760 = arith.cmpi sgt, %iota3A, %gt3A_1759 : vector<16xi32>
        %and3A_1761 = arith.andi %lt3A_1757, %gt3A_1760 : vector<16xi1>
        %jit3A_1762 = arith.constant 1 : i32
        %jit3A_1763 = arith.constant 0 : i32
        %broadcast_in_dim3A_1764 = vector.broadcast %jit3A_1762 : i32 to vector<16xi32>
        %broadcast_in_dim3A_1765 = vector.broadcast %jit3A_1763 : i32 to vector<16xi32>
        %select_n3A_1766 = arith.select %and3A_1761, %broadcast_in_dim3A_1764, %broadcast_in_dim3A_1765 : vector<16xi1>, vector<16xi32>
        %broadcast_in_dim3A_1767 = arith.constant true
        %broadcast_in_dim3A_1768 = vector.broadcast %broadcast_in_dim3A_1767 : i1 to vector<16xi1>
        %masked_cumsum3A_1769 = tpu.scan <sum>, %select_n3A_1766 masked %broadcast_in_dim3A_1768 : vector<16xi32>, vector<16xi1> -> vector<16xi32>
        %shift_left3A_1770 = arith.constant 11 : i32
        %shift_left3A_1771 = vector.broadcast %shift_left3A_1770 : i32 to vector<16xi32>
        %shift_left3A_1772 = arith.shli %masked_cumsum3A_1769, %shift_left3A_1771 : vector<16xi32>
        %sub3A_1773 = arith.constant 2047 : i32
        %sub3A_1774 = vector.broadcast %sub3A_1773 : i32 to vector<16xi32>
        %sub3A_1775 = arith.subi %sub3A_1774, %masked_sort3A_1753 : vector<16xi32>
        %or3A_1776 = arith.ori %shift_left3A_1772, %sub3A_1775 : vector<16xi32>
        %masked_sort3A_1777 = arith.constant dense<true> : vector<16xi1>
        %masked_sort3A_1778 = arith.constant -2147483648 : i32
        %masked_sort3A_1779 = vector.broadcast %masked_sort3A_1778 : i32 to vector<16xi32>
        %masked_sort3A_1780 = arith.xori %or3A_1776, %masked_sort3A_1779 : vector<16xi32>
        %masked_sort3A_1781, %masked_sort3A_1782, %masked_sort3A_1783 = tpu.sort %masked_sort3A_1780, %masked_sort3A_1753 masked %masked_sort3A_1777 : (vector<16xi32>, vector<16xi32>, vector<16xi1>) -> (vector<16xi1>, vector<16xi32>, vector<16xi32>)
        %masked_sort3A_1784 = arith.xori %masked_sort3A_1782, %masked_sort3A_1779 : vector<16xi32>
        %gt3A_1785 = arith.cmpf ogt, %masked_sort3A_1639, %masked_sort3A_1671 : vector<16xf32>
        %eq3A_1786 = arith.cmpf oeq, %masked_sort3A_1639, %masked_sort3A_1671 : vector<16xf32>
        %lt3A_1787 = arith.cmpi slt, %masked_sort3A_1667, %masked_sort3A_1702 : vector<16xi32>
        %and3A_1788 = arith.andi %eq3A_1786, %lt3A_1787 : vector<16xi1>
        %or3A_1789 = arith.ori %gt3A_1785, %and3A_1788 : vector<16xi1>
        %select_n3A_1790 = arith.select %or3A_1789, %masked_sort3A_1639, %masked_sort3A_1671 : vector<16xi1>, vector<16xf32>
        %select_n3A_1791 = arith.select %or3A_1789, %masked_sort3A_1667, %masked_sort3A_1702 : vector<16xi1>, vector<16xi32>
        %masked_sort3A_1792 = arith.constant dense<true> : vector<16xi1>
        %masked_sort3A_1793, %masked_sort3A_1794, %masked_sort3A_1795 = tpu.sort %select_n3A_1790, %select_n3A_1791 masked %masked_sort3A_1792 : (vector<16xf32>, vector<16xi32>, vector<16xi1>) -> (vector<16xi1>, vector<16xf32>, vector<16xi32>)
        %reshape3A_1796 = vector.shape_cast %max3A_13 : vector<16xi32> to vector<16x1xi32>
        %gather3A_1797 = vector.shape_cast %reshape3A_1796 : vector<16x1xi32> to vector<16xi32>
        %gather3A_1798 = tpu.dynamic_gather %masked_sort3A_1794[%gather3A_1797] in [0] : vector<16xf32>, vector<16xi32> -> vector<16xf32>
        %lt3A_1799 = arith.cmpf olt, %gather3A_1798, %masked_sort3A_1794 : vector<16xf32>
        %gt3A_1800 = arith.constant 0 : i32
        %gt3A_1801 = vector.broadcast %gt3A_1800 : i32 to vector<16xi32>
        %gt3A_1802 = arith.cmpi sgt, %iota3A, %gt3A_1801 : vector<16xi32>
        %and3A_1803 = arith.andi %lt3A_1799, %gt3A_1802 : vector<16xi1>
        %jit3A_1804 = arith.constant 1 : i32
        %jit3A_1805 = arith.constant 0 : i32
        %broadcast_in_dim3A_1806 = vector.broadcast %jit3A_1804 : i32 to vector<16xi32>
        %broadcast_in_dim3A_1807 = vector.broadcast %jit3A_1805 : i32 to vector<16xi32>
        %select_n3A_1808 = arith.select %and3A_1803, %broadcast_in_dim3A_1806, %broadcast_in_dim3A_1807 : vector<16xi1>, vector<16xi32>
        %broadcast_in_dim3A_1809 = arith.constant true
        %broadcast_in_dim3A_1810 = vector.broadcast %broadcast_in_dim3A_1809 : i1 to vector<16xi1>
        %masked_cumsum3A_1811 = tpu.scan <sum>, %select_n3A_1808 masked %broadcast_in_dim3A_1810 : vector<16xi32>, vector<16xi1> -> vector<16xi32>
        %shift_left3A_1812 = arith.constant 11 : i32
        %shift_left3A_1813 = vector.broadcast %shift_left3A_1812 : i32 to vector<16xi32>
        %shift_left3A_1814 = arith.shli %masked_cumsum3A_1811, %shift_left3A_1813 : vector<16xi32>
        %sub3A_1815 = arith.constant 2047 : i32
        %sub3A_1816 = vector.broadcast %sub3A_1815 : i32 to vector<16xi32>
        %sub3A_1817 = arith.subi %sub3A_1816, %masked_sort3A_1795 : vector<16xi32>
        %or3A_1818 = arith.ori %shift_left3A_1814, %sub3A_1817 : vector<16xi32>
        %masked_sort3A_1819 = arith.constant dense<true> : vector<16xi1>
        %masked_sort3A_1820 = arith.constant -2147483648 : i32
        %masked_sort3A_1821 = vector.broadcast %masked_sort3A_1820 : i32 to vector<16xi32>
        %masked_sort3A_1822 = arith.xori %or3A_1818, %masked_sort3A_1821 : vector<16xi32>
        %masked_sort3A_1823, %masked_sort3A_1824, %masked_sort3A_1825 = tpu.sort %masked_sort3A_1822, %masked_sort3A_1795 masked %masked_sort3A_1819 : (vector<16xi32>, vector<16xi32>, vector<16xi1>) -> (vector<16xi1>, vector<16xi32>, vector<16xi32>)
        %masked_sort3A_1826 = arith.xori %masked_sort3A_1824, %masked_sort3A_1821 : vector<16xi32>
        %gt3A_1827 = arith.cmpf ogt, %masked_sort3A_1713, %masked_sort3A_1752 : vector<16xf32>
        %eq3A_1828 = arith.cmpf oeq, %masked_sort3A_1713, %masked_sort3A_1752 : vector<16xf32>
        %lt3A_1829 = arith.cmpi slt, %masked_sort3A_1741, %masked_sort3A_1783 : vector<16xi32>
        %and3A_1830 = arith.andi %eq3A_1828, %lt3A_1829 : vector<16xi1>
        %or3A_1831 = arith.ori %gt3A_1827, %and3A_1830 : vector<16xi1>
        %select_n3A_1832 = arith.select %or3A_1831, %masked_sort3A_1713, %masked_sort3A_1752 : vector<16xi1>, vector<16xf32>
        %select_n3A_1833 = arith.select %or3A_1831, %masked_sort3A_1741, %masked_sort3A_1783 : vector<16xi1>, vector<16xi32>
        %masked_sort3A_1834 = arith.constant dense<true> : vector<16xi1>
        %masked_sort3A_1835, %masked_sort3A_1836, %masked_sort3A_1837 = tpu.sort %select_n3A_1832, %select_n3A_1833 masked %masked_sort3A_1834 {descending = true} : (vector<16xf32>, vector<16xi32>, vector<16xi1>) -> (vector<16xi1>, vector<16xf32>, vector<16xi32>)
        %reshape3A_1838 = vector.shape_cast %max3A_13 : vector<16xi32> to vector<16x1xi32>
        %gather3A_1839 = vector.shape_cast %reshape3A_1838 : vector<16x1xi32> to vector<16xi32>
        %gather3A_1840 = tpu.dynamic_gather %masked_sort3A_1836[%gather3A_1839] in [0] : vector<16xf32>, vector<16xi32> -> vector<16xf32>
        %gt3A_1841 = arith.cmpf ogt, %gather3A_1840, %masked_sort3A_1836 : vector<16xf32>
        %gt3A_1842 = arith.constant 0 : i32
        %gt3A_1843 = vector.broadcast %gt3A_1842 : i32 to vector<16xi32>
        %gt3A_1844 = arith.cmpi sgt, %iota3A, %gt3A_1843 : vector<16xi32>
        %and3A_1845 = arith.andi %gt3A_1841, %gt3A_1844 : vector<16xi1>
        %jit3A_1846 = arith.constant 1 : i32
        %jit3A_1847 = arith.constant 0 : i32
        %broadcast_in_dim3A_1848 = vector.broadcast %jit3A_1846 : i32 to vector<16xi32>
        %broadcast_in_dim3A_1849 = vector.broadcast %jit3A_1847 : i32 to vector<16xi32>
        %select_n3A_1850 = arith.select %and3A_1845, %broadcast_in_dim3A_1848, %broadcast_in_dim3A_1849 : vector<16xi1>, vector<16xi32>
        %broadcast_in_dim3A_1851 = arith.constant true
        %broadcast_in_dim3A_1852 = vector.broadcast %broadcast_in_dim3A_1851 : i1 to vector<16xi1>
        %masked_cumsum3A_1853 = tpu.scan <sum>, %select_n3A_1850 masked %broadcast_in_dim3A_1852 : vector<16xi32>, vector<16xi1> -> vector<16xi32>
        %shift_left3A_1854 = arith.constant 11 : i32
        %shift_left3A_1855 = vector.broadcast %shift_left3A_1854 : i32 to vector<16xi32>
        %shift_left3A_1856 = arith.shli %masked_cumsum3A_1853, %shift_left3A_1855 : vector<16xi32>
        %or3A_1857 = arith.ori %shift_left3A_1856, %masked_sort3A_1837 : vector<16xi32>
        %masked_sort3A_1858 = arith.constant dense<true> : vector<16xi1>
        %masked_sort3A_1859 = arith.constant -2147483648 : i32
        %masked_sort3A_1860 = vector.broadcast %masked_sort3A_1859 : i32 to vector<16xi32>
        %masked_sort3A_1861 = arith.xori %or3A_1857, %masked_sort3A_1860 : vector<16xi32>
        %masked_sort3A_1862, %masked_sort3A_1863, %masked_sort3A_1864 = tpu.sort %masked_sort3A_1861, %masked_sort3A_1837 masked %masked_sort3A_1858 : (vector<16xi32>, vector<16xi32>, vector<16xi1>) -> (vector<16xi1>, vector<16xi32>, vector<16xi32>)
        %masked_sort3A_1865 = arith.xori %masked_sort3A_1863, %masked_sort3A_1860 : vector<16xi32>
        %gt3A_1866 = arith.cmpf ogt, %masked_sort3A_1836, %masked_sort3A_1794 : vector<16xf32>
        %eq3A_1867 = arith.cmpf oeq, %masked_sort3A_1836, %masked_sort3A_1794 : vector<16xf32>
        %lt3A_1868 = arith.cmpi slt, %masked_sort3A_1864, %masked_sort3A_1825 : vector<16xi32>
        %and3A_1869 = arith.andi %eq3A_1867, %lt3A_1868 : vector<16xi1>
        %or3A_1870 = arith.ori %gt3A_1866, %and3A_1869 : vector<16xi1>
        %select_n3A_1871 = arith.select %or3A_1870, %masked_sort3A_1836, %masked_sort3A_1794 : vector<16xi1>, vector<16xf32>
        %select_n3A_1872 = arith.select %or3A_1870, %masked_sort3A_1864, %masked_sort3A_1825 : vector<16xi1>, vector<16xi32>
        %masked_sort3A_1873 = arith.constant dense<true> : vector<16xi1>
        %masked_sort3A_1874, %masked_sort3A_1875, %masked_sort3A_1876 = tpu.sort %select_n3A_1871, %select_n3A_1872 masked %masked_sort3A_1873 {descending = true} : (vector<16xf32>, vector<16xi32>, vector<16xi1>) -> (vector<16xi1>, vector<16xf32>, vector<16xi32>)
        %reshape3A_1877 = vector.shape_cast %max3A_13 : vector<16xi32> to vector<16x1xi32>
        %gather3A_1878 = vector.shape_cast %reshape3A_1877 : vector<16x1xi32> to vector<16xi32>
        %gather3A_1879 = tpu.dynamic_gather %masked_sort3A_1875[%gather3A_1878] in [0] : vector<16xf32>, vector<16xi32> -> vector<16xf32>
        %gt3A_1880 = arith.cmpf ogt, %gather3A_1879, %masked_sort3A_1875 : vector<16xf32>
        %gt3A_1881 = arith.constant 0 : i32
        %gt3A_1882 = vector.broadcast %gt3A_1881 : i32 to vector<16xi32>
        %gt3A_1883 = arith.cmpi sgt, %iota3A, %gt3A_1882 : vector<16xi32>
        %and3A_1884 = arith.andi %gt3A_1880, %gt3A_1883 : vector<16xi1>
        %jit3A_1885 = arith.constant 1 : i32
        %jit3A_1886 = arith.constant 0 : i32
        %broadcast_in_dim3A_1887 = vector.broadcast %jit3A_1885 : i32 to vector<16xi32>
        %broadcast_in_dim3A_1888 = vector.broadcast %jit3A_1886 : i32 to vector<16xi32>
        %select_n3A_1889 = arith.select %and3A_1884, %broadcast_in_dim3A_1887, %broadcast_in_dim3A_1888 : vector<16xi1>, vector<16xi32>
        %broadcast_in_dim3A_1890 = arith.constant true
        %broadcast_in_dim3A_1891 = vector.broadcast %broadcast_in_dim3A_1890 : i1 to vector<16xi1>
        %masked_cumsum3A_1892 = tpu.scan <sum>, %select_n3A_1889 masked %broadcast_in_dim3A_1891 : vector<16xi32>, vector<16xi1> -> vector<16xi32>
        %shift_left3A_1893 = arith.constant 11 : i32
        %shift_left3A_1894 = vector.broadcast %shift_left3A_1893 : i32 to vector<16xi32>
        %shift_left3A_1895 = arith.shli %masked_cumsum3A_1892, %shift_left3A_1894 : vector<16xi32>
        %or3A_1896 = arith.ori %shift_left3A_1895, %masked_sort3A_1876 : vector<16xi32>
        %masked_sort3A_1897 = arith.constant dense<true> : vector<16xi1>
        %masked_sort3A_1898 = arith.constant -2147483648 : i32
        %masked_sort3A_1899 = vector.broadcast %masked_sort3A_1898 : i32 to vector<16xi32>
        %masked_sort3A_1900 = arith.xori %or3A_1896, %masked_sort3A_1899 : vector<16xi32>
        %masked_sort3A_1901, %masked_sort3A_1902, %masked_sort3A_1903 = tpu.sort %masked_sort3A_1900, %masked_sort3A_1876 masked %masked_sort3A_1897 : (vector<16xi32>, vector<16xi32>, vector<16xi1>) -> (vector<16xi1>, vector<16xi32>, vector<16xi32>)
        %masked_sort3A_1904 = arith.xori %masked_sort3A_1902, %masked_sort3A_1899 : vector<16xi32>
        %reshape3A_1905 = vector.shape_cast %sub3A_8 : vector<16xi32> to vector<16x1xi32>
        %gather3A_1906 = vector.shape_cast %reshape3A_1905 : vector<16x1xi32> to vector<16xi32>
        %gather3A_1907 = tpu.dynamic_gather %masked_sort3A_1875[%gather3A_1906] in [0] : vector<16xf32>, vector<16xi32> -> vector<16xf32>
        %reshape3A_1908 = vector.shape_cast %sub3A_8 : vector<16xi32> to vector<16x1xi32>
        %gather3A_1909 = vector.shape_cast %reshape3A_1908 : vector<16x1xi32> to vector<16xi32>
        %gather3A_1910 = tpu.dynamic_gather %masked_sort3A_1903[%gather3A_1909] in [0] : vector<16xi32>, vector<16xi32> -> vector<16xi32>
        %broadcast_in_dim3A_1911 = arith.constant 0 : i32
        %broadcast_in_dim3A_1912 = vector.broadcast %broadcast_in_dim3A_1911 : i32 to vector<16xi32>
        %reshape3A_1913 = vector.shape_cast %broadcast_in_dim3A_1912 : vector<16xi32> to vector<16x1xi32>
        %gather3A_1914 = vector.shape_cast %reshape3A_1913 : vector<16x1xi32> to vector<16xi32>
        %gather3A_1915 = tpu.dynamic_gather %scan3A_1441[%gather3A_1914] in [0] : vector<16xf32>, vector<16xi32> -> vector<16xf32>
        %broadcast_in_dim3A_1916 = arith.constant 1 : i32
        %broadcast_in_dim3A_1917 = vector.broadcast %broadcast_in_dim3A_1916 : i32 to vector<16xi32>
        %reshape3A_1918 = vector.shape_cast %broadcast_in_dim3A_1917 : vector<16xi32> to vector<16x1xi32>
        %gather3A_1919 = vector.shape_cast %reshape3A_1918 : vector<16x1xi32> to vector<16xi32>
        %gather3A_1920 = tpu.dynamic_gather %scan3A_1441[%gather3A_1919] in [0] : vector<16xf32>, vector<16xi32> -> vector<16xf32>
        %add3A_1921 = arith.addf %gather3A_1915, %scan3A_1442 : vector<16xf32>
        %or3A_1922 = arith.constant 0 : i32
        %or3A_1923 = vector.broadcast %or3A_1922 : i32 to vector<16xi32>
        %or3A_1924 = arith.ori %or3A_1923, %scan3A_1444 : vector<16xi32>
        %add3A_1925 = arith.addf %gather3A_1920, %scan3A_1443 : vector<16xf32>
        %or3A_1926 = arith.constant 128 : i32
        %or3A_1927 = vector.broadcast %or3A_1926 : i32 to vector<16xi32>
        %or3A_1928 = arith.ori %or3A_1927, %scan3A_1445 : vector<16xi32>
        %gt3A_1929 = arith.cmpf ogt, %add3A_1921, %add3A_1925 : vector<16xf32>
        %eq3A_1930 = arith.cmpf oeq, %add3A_1921, %add3A_1925 : vector<16xf32>
        %lt3A_1931 = arith.cmpi slt, %or3A_1924, %or3A_1928 : vector<16xi32>
        %and3A_1932 = arith.andi %eq3A_1930, %lt3A_1931 : vector<16xi1>
        %or3A_1933 = arith.ori %gt3A_1929, %and3A_1932 : vector<16xi1>
        %select_n3A_1934 = arith.select %or3A_1933, %add3A_1921, %add3A_1925 : vector<16xi1>, vector<16xf32>
        %select_n3A_1935 = arith.select %or3A_1933, %or3A_1924, %or3A_1928 : vector<16xi1>, vector<16xi32>
        %masked_sort3A_1936 = arith.constant dense<true> : vector<16xi1>
        %masked_sort3A_1937, %masked_sort3A_1938, %masked_sort3A_1939 = tpu.sort %select_n3A_1934, %select_n3A_1935 masked %masked_sort3A_1936 {descending = true} : (vector<16xf32>, vector<16xi32>, vector<16xi1>) -> (vector<16xi1>, vector<16xf32>, vector<16xi32>)
        %reshape3A_1940 = vector.shape_cast %max3A_13 : vector<16xi32> to vector<16x1xi32>
        %gather3A_1941 = vector.shape_cast %reshape3A_1940 : vector<16x1xi32> to vector<16xi32>
        %gather3A_1942 = tpu.dynamic_gather %masked_sort3A_1938[%gather3A_1941] in [0] : vector<16xf32>, vector<16xi32> -> vector<16xf32>
        %gt3A_1943 = arith.cmpf ogt, %gather3A_1942, %masked_sort3A_1938 : vector<16xf32>
        %gt3A_1944 = arith.constant 0 : i32
        %gt3A_1945 = vector.broadcast %gt3A_1944 : i32 to vector<16xi32>
        %gt3A_1946 = arith.cmpi sgt, %iota3A, %gt3A_1945 : vector<16xi32>
        %and3A_1947 = arith.andi %gt3A_1943, %gt3A_1946 : vector<16xi1>
        %jit3A_1948 = arith.constant 1 : i32
        %jit3A_1949 = arith.constant 0 : i32
        %broadcast_in_dim3A_1950 = vector.broadcast %jit3A_1948 : i32 to vector<16xi32>
        %broadcast_in_dim3A_1951 = vector.broadcast %jit3A_1949 : i32 to vector<16xi32>
        %select_n3A_1952 = arith.select %and3A_1947, %broadcast_in_dim3A_1950, %broadcast_in_dim3A_1951 : vector<16xi1>, vector<16xi32>
        %broadcast_in_dim3A_1953 = arith.constant true
        %broadcast_in_dim3A_1954 = vector.broadcast %broadcast_in_dim3A_1953 : i1 to vector<16xi1>
        %masked_cumsum3A_1955 = tpu.scan <sum>, %select_n3A_1952 masked %broadcast_in_dim3A_1954 : vector<16xi32>, vector<16xi1> -> vector<16xi32>
        %shift_left3A_1956 = arith.constant 11 : i32
        %shift_left3A_1957 = vector.broadcast %shift_left3A_1956 : i32 to vector<16xi32>
        %shift_left3A_1958 = arith.shli %masked_cumsum3A_1955, %shift_left3A_1957 : vector<16xi32>
        %or3A_1959 = arith.ori %shift_left3A_1958, %masked_sort3A_1939 : vector<16xi32>
        %masked_sort3A_1960 = arith.constant dense<true> : vector<16xi1>
        %masked_sort3A_1961 = arith.constant -2147483648 : i32
        %masked_sort3A_1962 = vector.broadcast %masked_sort3A_1961 : i32 to vector<16xi32>
        %masked_sort3A_1963 = arith.xori %or3A_1959, %masked_sort3A_1962 : vector<16xi32>
        %masked_sort3A_1964, %masked_sort3A_1965, %masked_sort3A_1966 = tpu.sort %masked_sort3A_1963, %masked_sort3A_1939 masked %masked_sort3A_1960 : (vector<16xi32>, vector<16xi32>, vector<16xi1>) -> (vector<16xi1>, vector<16xi32>, vector<16xi32>)
        %masked_sort3A_1967 = arith.xori %masked_sort3A_1965, %masked_sort3A_1962 : vector<16xi32>
        %broadcast_in_dim3A_1968 = arith.constant 2 : i32
        %broadcast_in_dim3A_1969 = vector.broadcast %broadcast_in_dim3A_1968 : i32 to vector<16xi32>
        %reshape3A_1970 = vector.shape_cast %broadcast_in_dim3A_1969 : vector<16xi32> to vector<16x1xi32>
        %gather3A_1971 = vector.shape_cast %reshape3A_1970 : vector<16x1xi32> to vector<16xi32>
        %gather3A_1972 = tpu.dynamic_gather %scan3A_1441[%gather3A_1971] in [0] : vector<16xf32>, vector<16xi32> -> vector<16xf32>
        %broadcast_in_dim3A_1973 = arith.constant 3 : i32
        %broadcast_in_dim3A_1974 = vector.broadcast %broadcast_in_dim3A_1973 : i32 to vector<16xi32>
        %reshape3A_1975 = vector.shape_cast %broadcast_in_dim3A_1974 : vector<16xi32> to vector<16x1xi32>
        %gather3A_1976 = vector.shape_cast %reshape3A_1975 : vector<16x1xi32> to vector<16xi32>
        %gather3A_1977 = tpu.dynamic_gather %scan3A_1441[%gather3A_1976] in [0] : vector<16xf32>, vector<16xi32> -> vector<16xf32>
        %add3A_1978 = arith.addf %gather3A_1972, %scan3A_1442 : vector<16xf32>
        %or3A_1979 = arith.constant 256 : i32
        %or3A_1980 = vector.broadcast %or3A_1979 : i32 to vector<16xi32>
        %or3A_1981 = arith.ori %or3A_1980, %scan3A_1444 : vector<16xi32>
        %add3A_1982 = arith.addf %gather3A_1977, %scan3A_1443 : vector<16xf32>
        %or3A_1983 = arith.constant 384 : i32
        %or3A_1984 = vector.broadcast %or3A_1983 : i32 to vector<16xi32>
        %or3A_1985 = arith.ori %or3A_1984, %scan3A_1445 : vector<16xi32>
        %gt3A_1986 = arith.cmpf ogt, %add3A_1978, %add3A_1982 : vector<16xf32>
        %eq3A_1987 = arith.cmpf oeq, %add3A_1978, %add3A_1982 : vector<16xf32>
        %lt3A_1988 = arith.cmpi slt, %or3A_1981, %or3A_1985 : vector<16xi32>
        %and3A_1989 = arith.andi %eq3A_1987, %lt3A_1988 : vector<16xi1>
        %or3A_1990 = arith.ori %gt3A_1986, %and3A_1989 : vector<16xi1>
        %select_n3A_1991 = arith.select %or3A_1990, %add3A_1978, %add3A_1982 : vector<16xi1>, vector<16xf32>
        %select_n3A_1992 = arith.select %or3A_1990, %or3A_1981, %or3A_1985 : vector<16xi1>, vector<16xi32>
        %masked_sort3A_1993 = arith.constant dense<true> : vector<16xi1>
        %masked_sort3A_1994, %masked_sort3A_1995, %masked_sort3A_1996 = tpu.sort %select_n3A_1991, %select_n3A_1992 masked %masked_sort3A_1993 : (vector<16xf32>, vector<16xi32>, vector<16xi1>) -> (vector<16xi1>, vector<16xf32>, vector<16xi32>)
        %reshape3A_1997 = vector.shape_cast %max3A_13 : vector<16xi32> to vector<16x1xi32>
        %gather3A_1998 = vector.shape_cast %reshape3A_1997 : vector<16x1xi32> to vector<16xi32>
        %gather3A_1999 = tpu.dynamic_gather %masked_sort3A_1995[%gather3A_1998] in [0] : vector<16xf32>, vector<16xi32> -> vector<16xf32>
        %lt3A_2000 = arith.cmpf olt, %gather3A_1999, %masked_sort3A_1995 : vector<16xf32>
        %gt3A_2001 = arith.constant 0 : i32
        %gt3A_2002 = vector.broadcast %gt3A_2001 : i32 to vector<16xi32>
        %gt3A_2003 = arith.cmpi sgt, %iota3A, %gt3A_2002 : vector<16xi32>
        %and3A_2004 = arith.andi %lt3A_2000, %gt3A_2003 : vector<16xi1>
        %jit3A_2005 = arith.constant 1 : i32
        %jit3A_2006 = arith.constant 0 : i32
        %broadcast_in_dim3A_2007 = vector.broadcast %jit3A_2005 : i32 to vector<16xi32>
        %broadcast_in_dim3A_2008 = vector.broadcast %jit3A_2006 : i32 to vector<16xi32>
        %select_n3A_2009 = arith.select %and3A_2004, %broadcast_in_dim3A_2007, %broadcast_in_dim3A_2008 : vector<16xi1>, vector<16xi32>
        %broadcast_in_dim3A_2010 = arith.constant true
        %broadcast_in_dim3A_2011 = vector.broadcast %broadcast_in_dim3A_2010 : i1 to vector<16xi1>
        %masked_cumsum3A_2012 = tpu.scan <sum>, %select_n3A_2009 masked %broadcast_in_dim3A_2011 : vector<16xi32>, vector<16xi1> -> vector<16xi32>
        %shift_left3A_2013 = arith.constant 11 : i32
        %shift_left3A_2014 = vector.broadcast %shift_left3A_2013 : i32 to vector<16xi32>
        %shift_left3A_2015 = arith.shli %masked_cumsum3A_2012, %shift_left3A_2014 : vector<16xi32>
        %sub3A_2016 = arith.constant 2047 : i32
        %sub3A_2017 = vector.broadcast %sub3A_2016 : i32 to vector<16xi32>
        %sub3A_2018 = arith.subi %sub3A_2017, %masked_sort3A_1996 : vector<16xi32>
        %or3A_2019 = arith.ori %shift_left3A_2015, %sub3A_2018 : vector<16xi32>
        %masked_sort3A_2020 = arith.constant dense<true> : vector<16xi1>
        %masked_sort3A_2021 = arith.constant -2147483648 : i32
        %masked_sort3A_2022 = vector.broadcast %masked_sort3A_2021 : i32 to vector<16xi32>
        %masked_sort3A_2023 = arith.xori %or3A_2019, %masked_sort3A_2022 : vector<16xi32>
        %masked_sort3A_2024, %masked_sort3A_2025, %masked_sort3A_2026 = tpu.sort %masked_sort3A_2023, %masked_sort3A_1996 masked %masked_sort3A_2020 : (vector<16xi32>, vector<16xi32>, vector<16xi1>) -> (vector<16xi1>, vector<16xi32>, vector<16xi32>)
        %masked_sort3A_2027 = arith.xori %masked_sort3A_2025, %masked_sort3A_2022 : vector<16xi32>
        %broadcast_in_dim3A_2028 = arith.constant 4 : i32
        %broadcast_in_dim3A_2029 = vector.broadcast %broadcast_in_dim3A_2028 : i32 to vector<16xi32>
        %reshape3A_2030 = vector.shape_cast %broadcast_in_dim3A_2029 : vector<16xi32> to vector<16x1xi32>
        %gather3A_2031 = vector.shape_cast %reshape3A_2030 : vector<16x1xi32> to vector<16xi32>
        %gather3A_2032 = tpu.dynamic_gather %scan3A_1441[%gather3A_2031] in [0] : vector<16xf32>, vector<16xi32> -> vector<16xf32>
        %broadcast_in_dim3A_2033 = arith.constant 5 : i32
        %broadcast_in_dim3A_2034 = vector.broadcast %broadcast_in_dim3A_2033 : i32 to vector<16xi32>
        %reshape3A_2035 = vector.shape_cast %broadcast_in_dim3A_2034 : vector<16xi32> to vector<16x1xi32>
        %gather3A_2036 = vector.shape_cast %reshape3A_2035 : vector<16x1xi32> to vector<16xi32>
        %gather3A_2037 = tpu.dynamic_gather %scan3A_1441[%gather3A_2036] in [0] : vector<16xf32>, vector<16xi32> -> vector<16xf32>
        %add3A_2038 = arith.addf %gather3A_2032, %scan3A_1442 : vector<16xf32>
        %or3A_2039 = arith.constant 512 : i32
        %or3A_2040 = vector.broadcast %or3A_2039 : i32 to vector<16xi32>
        %or3A_2041 = arith.ori %or3A_2040, %scan3A_1444 : vector<16xi32>
        %add3A_2042 = arith.addf %gather3A_2037, %scan3A_1443 : vector<16xf32>
        %or3A_2043 = arith.constant 640 : i32
        %or3A_2044 = vector.broadcast %or3A_2043 : i32 to vector<16xi32>
        %or3A_2045 = arith.ori %or3A_2044, %scan3A_1445 : vector<16xi32>
        %gt3A_2046 = arith.cmpf ogt, %add3A_2038, %add3A_2042 : vector<16xf32>
        %eq3A_2047 = arith.cmpf oeq, %add3A_2038, %add3A_2042 : vector<16xf32>
        %lt3A_2048 = arith.cmpi slt, %or3A_2041, %or3A_2045 : vector<16xi32>
        %and3A_2049 = arith.andi %eq3A_2047, %lt3A_2048 : vector<16xi1>
        %or3A_2050 = arith.ori %gt3A_2046, %and3A_2049 : vector<16xi1>
        %select_n3A_2051 = arith.select %or3A_2050, %add3A_2038, %add3A_2042 : vector<16xi1>, vector<16xf32>
        %select_n3A_2052 = arith.select %or3A_2050, %or3A_2041, %or3A_2045 : vector<16xi1>, vector<16xi32>
        %masked_sort3A_2053 = arith.constant dense<true> : vector<16xi1>
        %masked_sort3A_2054, %masked_sort3A_2055, %masked_sort3A_2056 = tpu.sort %select_n3A_2051, %select_n3A_2052 masked %masked_sort3A_2053 {descending = true} : (vector<16xf32>, vector<16xi32>, vector<16xi1>) -> (vector<16xi1>, vector<16xf32>, vector<16xi32>)
        %reshape3A_2057 = vector.shape_cast %max3A_13 : vector<16xi32> to vector<16x1xi32>
        %gather3A_2058 = vector.shape_cast %reshape3A_2057 : vector<16x1xi32> to vector<16xi32>
        %gather3A_2059 = tpu.dynamic_gather %masked_sort3A_2055[%gather3A_2058] in [0] : vector<16xf32>, vector<16xi32> -> vector<16xf32>
        %gt3A_2060 = arith.cmpf ogt, %gather3A_2059, %masked_sort3A_2055 : vector<16xf32>
        %gt3A_2061 = arith.constant 0 : i32
        %gt3A_2062 = vector.broadcast %gt3A_2061 : i32 to vector<16xi32>
        %gt3A_2063 = arith.cmpi sgt, %iota3A, %gt3A_2062 : vector<16xi32>
        %and3A_2064 = arith.andi %gt3A_2060, %gt3A_2063 : vector<16xi1>
        %jit3A_2065 = arith.constant 1 : i32
        %jit3A_2066 = arith.constant 0 : i32
        %broadcast_in_dim3A_2067 = vector.broadcast %jit3A_2065 : i32 to vector<16xi32>
        %broadcast_in_dim3A_2068 = vector.broadcast %jit3A_2066 : i32 to vector<16xi32>
        %select_n3A_2069 = arith.select %and3A_2064, %broadcast_in_dim3A_2067, %broadcast_in_dim3A_2068 : vector<16xi1>, vector<16xi32>
        %broadcast_in_dim3A_2070 = arith.constant true
        %broadcast_in_dim3A_2071 = vector.broadcast %broadcast_in_dim3A_2070 : i1 to vector<16xi1>
        %masked_cumsum3A_2072 = tpu.scan <sum>, %select_n3A_2069 masked %broadcast_in_dim3A_2071 : vector<16xi32>, vector<16xi1> -> vector<16xi32>
        %shift_left3A_2073 = arith.constant 11 : i32
        %shift_left3A_2074 = vector.broadcast %shift_left3A_2073 : i32 to vector<16xi32>
        %shift_left3A_2075 = arith.shli %masked_cumsum3A_2072, %shift_left3A_2074 : vector<16xi32>
        %or3A_2076 = arith.ori %shift_left3A_2075, %masked_sort3A_2056 : vector<16xi32>
        %masked_sort3A_2077 = arith.constant dense<true> : vector<16xi1>
        %masked_sort3A_2078 = arith.constant -2147483648 : i32
        %masked_sort3A_2079 = vector.broadcast %masked_sort3A_2078 : i32 to vector<16xi32>
        %masked_sort3A_2080 = arith.xori %or3A_2076, %masked_sort3A_2079 : vector<16xi32>
        %masked_sort3A_2081, %masked_sort3A_2082, %masked_sort3A_2083 = tpu.sort %masked_sort3A_2080, %masked_sort3A_2056 masked %masked_sort3A_2077 : (vector<16xi32>, vector<16xi32>, vector<16xi1>) -> (vector<16xi1>, vector<16xi32>, vector<16xi32>)
        %masked_sort3A_2084 = arith.xori %masked_sort3A_2082, %masked_sort3A_2079 : vector<16xi32>
        %broadcast_in_dim3A_2085 = arith.constant 6 : i32
        %broadcast_in_dim3A_2086 = vector.broadcast %broadcast_in_dim3A_2085 : i32 to vector<16xi32>
        %reshape3A_2087 = vector.shape_cast %broadcast_in_dim3A_2086 : vector<16xi32> to vector<16x1xi32>
        %gather3A_2088 = vector.shape_cast %reshape3A_2087 : vector<16x1xi32> to vector<16xi32>
        %gather3A_2089 = tpu.dynamic_gather %scan3A_1441[%gather3A_2088] in [0] : vector<16xf32>, vector<16xi32> -> vector<16xf32>
        %broadcast_in_dim3A_2090 = arith.constant 7 : i32
        %broadcast_in_dim3A_2091 = vector.broadcast %broadcast_in_dim3A_2090 : i32 to vector<16xi32>
        %reshape3A_2092 = vector.shape_cast %broadcast_in_dim3A_2091 : vector<16xi32> to vector<16x1xi32>
        %gather3A_2093 = vector.shape_cast %reshape3A_2092 : vector<16x1xi32> to vector<16xi32>
        %gather3A_2094 = tpu.dynamic_gather %scan3A_1441[%gather3A_2093] in [0] : vector<16xf32>, vector<16xi32> -> vector<16xf32>
        %add3A_2095 = arith.addf %gather3A_2089, %scan3A_1442 : vector<16xf32>
        %or3A_2096 = arith.constant 768 : i32
        %or3A_2097 = vector.broadcast %or3A_2096 : i32 to vector<16xi32>
        %or3A_2098 = arith.ori %or3A_2097, %scan3A_1444 : vector<16xi32>
        %add3A_2099 = arith.addf %gather3A_2094, %scan3A_1443 : vector<16xf32>
        %or3A_2100 = arith.constant 896 : i32
        %or3A_2101 = vector.broadcast %or3A_2100 : i32 to vector<16xi32>
        %or3A_2102 = arith.ori %or3A_2101, %scan3A_1445 : vector<16xi32>
        %gt3A_2103 = arith.cmpf ogt, %add3A_2095, %add3A_2099 : vector<16xf32>
        %eq3A_2104 = arith.cmpf oeq, %add3A_2095, %add3A_2099 : vector<16xf32>
        %lt3A_2105 = arith.cmpi slt, %or3A_2098, %or3A_2102 : vector<16xi32>
        %and3A_2106 = arith.andi %eq3A_2104, %lt3A_2105 : vector<16xi1>
        %or3A_2107 = arith.ori %gt3A_2103, %and3A_2106 : vector<16xi1>
        %select_n3A_2108 = arith.select %or3A_2107, %add3A_2095, %add3A_2099 : vector<16xi1>, vector<16xf32>
        %select_n3A_2109 = arith.select %or3A_2107, %or3A_2098, %or3A_2102 : vector<16xi1>, vector<16xi32>
        %masked_sort3A_2110 = arith.constant dense<true> : vector<16xi1>
        %masked_sort3A_2111, %masked_sort3A_2112, %masked_sort3A_2113 = tpu.sort %select_n3A_2108, %select_n3A_2109 masked %masked_sort3A_2110 : (vector<16xf32>, vector<16xi32>, vector<16xi1>) -> (vector<16xi1>, vector<16xf32>, vector<16xi32>)
        %reshape3A_2114 = vector.shape_cast %max3A_13 : vector<16xi32> to vector<16x1xi32>
        %gather3A_2115 = vector.shape_cast %reshape3A_2114 : vector<16x1xi32> to vector<16xi32>
        %gather3A_2116 = tpu.dynamic_gather %masked_sort3A_2112[%gather3A_2115] in [0] : vector<16xf32>, vector<16xi32> -> vector<16xf32>
        %lt3A_2117 = arith.cmpf olt, %gather3A_2116, %masked_sort3A_2112 : vector<16xf32>
        %gt3A_2118 = arith.constant 0 : i32
        %gt3A_2119 = vector.broadcast %gt3A_2118 : i32 to vector<16xi32>
        %gt3A_2120 = arith.cmpi sgt, %iota3A, %gt3A_2119 : vector<16xi32>
        %and3A_2121 = arith.andi %lt3A_2117, %gt3A_2120 : vector<16xi1>
        %jit3A_2122 = arith.constant 1 : i32
        %jit3A_2123 = arith.constant 0 : i32
        %broadcast_in_dim3A_2124 = vector.broadcast %jit3A_2122 : i32 to vector<16xi32>
        %broadcast_in_dim3A_2125 = vector.broadcast %jit3A_2123 : i32 to vector<16xi32>
        %select_n3A_2126 = arith.select %and3A_2121, %broadcast_in_dim3A_2124, %broadcast_in_dim3A_2125 : vector<16xi1>, vector<16xi32>
        %broadcast_in_dim3A_2127 = arith.constant true
        %broadcast_in_dim3A_2128 = vector.broadcast %broadcast_in_dim3A_2127 : i1 to vector<16xi1>
        %masked_cumsum3A_2129 = tpu.scan <sum>, %select_n3A_2126 masked %broadcast_in_dim3A_2128 : vector<16xi32>, vector<16xi1> -> vector<16xi32>
        %shift_left3A_2130 = arith.constant 11 : i32
        %shift_left3A_2131 = vector.broadcast %shift_left3A_2130 : i32 to vector<16xi32>
        %shift_left3A_2132 = arith.shli %masked_cumsum3A_2129, %shift_left3A_2131 : vector<16xi32>
        %sub3A_2133 = arith.constant 2047 : i32
        %sub3A_2134 = vector.broadcast %sub3A_2133 : i32 to vector<16xi32>
        %sub3A_2135 = arith.subi %sub3A_2134, %masked_sort3A_2113 : vector<16xi32>
        %or3A_2136 = arith.ori %shift_left3A_2132, %sub3A_2135 : vector<16xi32>
        %masked_sort3A_2137 = arith.constant dense<true> : vector<16xi1>
        %masked_sort3A_2138 = arith.constant -2147483648 : i32
        %masked_sort3A_2139 = vector.broadcast %masked_sort3A_2138 : i32 to vector<16xi32>
        %masked_sort3A_2140 = arith.xori %or3A_2136, %masked_sort3A_2139 : vector<16xi32>
        %masked_sort3A_2141, %masked_sort3A_2142, %masked_sort3A_2143 = tpu.sort %masked_sort3A_2140, %masked_sort3A_2113 masked %masked_sort3A_2137 : (vector<16xi32>, vector<16xi32>, vector<16xi1>) -> (vector<16xi1>, vector<16xi32>, vector<16xi32>)
        %masked_sort3A_2144 = arith.xori %masked_sort3A_2142, %masked_sort3A_2139 : vector<16xi32>
        %broadcast_in_dim3A_2145 = arith.constant 8 : i32
        %broadcast_in_dim3A_2146 = vector.broadcast %broadcast_in_dim3A_2145 : i32 to vector<16xi32>
        %reshape3A_2147 = vector.shape_cast %broadcast_in_dim3A_2146 : vector<16xi32> to vector<16x1xi32>
        %gather3A_2148 = vector.shape_cast %reshape3A_2147 : vector<16x1xi32> to vector<16xi32>
        %gather3A_2149 = tpu.dynamic_gather %scan3A_1441[%gather3A_2148] in [0] : vector<16xf32>, vector<16xi32> -> vector<16xf32>
        %broadcast_in_dim3A_2150 = arith.constant 9 : i32
        %broadcast_in_dim3A_2151 = vector.broadcast %broadcast_in_dim3A_2150 : i32 to vector<16xi32>
        %reshape3A_2152 = vector.shape_cast %broadcast_in_dim3A_2151 : vector<16xi32> to vector<16x1xi32>
        %gather3A_2153 = vector.shape_cast %reshape3A_2152 : vector<16x1xi32> to vector<16xi32>
        %gather3A_2154 = tpu.dynamic_gather %scan3A_1441[%gather3A_2153] in [0] : vector<16xf32>, vector<16xi32> -> vector<16xf32>
        %add3A_2155 = arith.addf %gather3A_2149, %scan3A_1442 : vector<16xf32>
        %or3A_2156 = arith.constant 1024 : i32
        %or3A_2157 = vector.broadcast %or3A_2156 : i32 to vector<16xi32>
        %or3A_2158 = arith.ori %or3A_2157, %scan3A_1444 : vector<16xi32>
        %add3A_2159 = arith.addf %gather3A_2154, %scan3A_1443 : vector<16xf32>
        %or3A_2160 = arith.constant 1152 : i32
        %or3A_2161 = vector.broadcast %or3A_2160 : i32 to vector<16xi32>
        %or3A_2162 = arith.ori %or3A_2161, %scan3A_1445 : vector<16xi32>
        %gt3A_2163 = arith.cmpf ogt, %add3A_2155, %add3A_2159 : vector<16xf32>
        %eq3A_2164 = arith.cmpf oeq, %add3A_2155, %add3A_2159 : vector<16xf32>
        %lt3A_2165 = arith.cmpi slt, %or3A_2158, %or3A_2162 : vector<16xi32>
        %and3A_2166 = arith.andi %eq3A_2164, %lt3A_2165 : vector<16xi1>
        %or3A_2167 = arith.ori %gt3A_2163, %and3A_2166 : vector<16xi1>
        %select_n3A_2168 = arith.select %or3A_2167, %add3A_2155, %add3A_2159 : vector<16xi1>, vector<16xf32>
        %select_n3A_2169 = arith.select %or3A_2167, %or3A_2158, %or3A_2162 : vector<16xi1>, vector<16xi32>
        %masked_sort3A_2170 = arith.constant dense<true> : vector<16xi1>
        %masked_sort3A_2171, %masked_sort3A_2172, %masked_sort3A_2173 = tpu.sort %select_n3A_2168, %select_n3A_2169 masked %masked_sort3A_2170 {descending = true} : (vector<16xf32>, vector<16xi32>, vector<16xi1>) -> (vector<16xi1>, vector<16xf32>, vector<16xi32>)
        %reshape3A_2174 = vector.shape_cast %max3A_13 : vector<16xi32> to vector<16x1xi32>
        %gather3A_2175 = vector.shape_cast %reshape3A_2174 : vector<16x1xi32> to vector<16xi32>
        %gather3A_2176 = tpu.dynamic_gather %masked_sort3A_2172[%gather3A_2175] in [0] : vector<16xf32>, vector<16xi32> -> vector<16xf32>
        %gt3A_2177 = arith.cmpf ogt, %gather3A_2176, %masked_sort3A_2172 : vector<16xf32>
        %gt3A_2178 = arith.constant 0 : i32
        %gt3A_2179 = vector.broadcast %gt3A_2178 : i32 to vector<16xi32>
        %gt3A_2180 = arith.cmpi sgt, %iota3A, %gt3A_2179 : vector<16xi32>
        %and3A_2181 = arith.andi %gt3A_2177, %gt3A_2180 : vector<16xi1>
        %jit3A_2182 = arith.constant 1 : i32
        %jit3A_2183 = arith.constant 0 : i32
        %broadcast_in_dim3A_2184 = vector.broadcast %jit3A_2182 : i32 to vector<16xi32>
        %broadcast_in_dim3A_2185 = vector.broadcast %jit3A_2183 : i32 to vector<16xi32>
        %select_n3A_2186 = arith.select %and3A_2181, %broadcast_in_dim3A_2184, %broadcast_in_dim3A_2185 : vector<16xi1>, vector<16xi32>
        %broadcast_in_dim3A_2187 = arith.constant true
        %broadcast_in_dim3A_2188 = vector.broadcast %broadcast_in_dim3A_2187 : i1 to vector<16xi1>
        %masked_cumsum3A_2189 = tpu.scan <sum>, %select_n3A_2186 masked %broadcast_in_dim3A_2188 : vector<16xi32>, vector<16xi1> -> vector<16xi32>
        %shift_left3A_2190 = arith.constant 11 : i32
        %shift_left3A_2191 = vector.broadcast %shift_left3A_2190 : i32 to vector<16xi32>
        %shift_left3A_2192 = arith.shli %masked_cumsum3A_2189, %shift_left3A_2191 : vector<16xi32>
        %or3A_2193 = arith.ori %shift_left3A_2192, %masked_sort3A_2173 : vector<16xi32>
        %masked_sort3A_2194 = arith.constant dense<true> : vector<16xi1>
        %masked_sort3A_2195 = arith.constant -2147483648 : i32
        %masked_sort3A_2196 = vector.broadcast %masked_sort3A_2195 : i32 to vector<16xi32>
        %masked_sort3A_2197 = arith.xori %or3A_2193, %masked_sort3A_2196 : vector<16xi32>
        %masked_sort3A_2198, %masked_sort3A_2199, %masked_sort3A_2200 = tpu.sort %masked_sort3A_2197, %masked_sort3A_2173 masked %masked_sort3A_2194 : (vector<16xi32>, vector<16xi32>, vector<16xi1>) -> (vector<16xi1>, vector<16xi32>, vector<16xi32>)
        %masked_sort3A_2201 = arith.xori %masked_sort3A_2199, %masked_sort3A_2196 : vector<16xi32>
        %broadcast_in_dim3A_2202 = arith.constant 10 : i32
        %broadcast_in_dim3A_2203 = vector.broadcast %broadcast_in_dim3A_2202 : i32 to vector<16xi32>
        %reshape3A_2204 = vector.shape_cast %broadcast_in_dim3A_2203 : vector<16xi32> to vector<16x1xi32>
        %gather3A_2205 = vector.shape_cast %reshape3A_2204 : vector<16x1xi32> to vector<16xi32>
        %gather3A_2206 = tpu.dynamic_gather %scan3A_1441[%gather3A_2205] in [0] : vector<16xf32>, vector<16xi32> -> vector<16xf32>
        %broadcast_in_dim3A_2207 = arith.constant 11 : i32
        %broadcast_in_dim3A_2208 = vector.broadcast %broadcast_in_dim3A_2207 : i32 to vector<16xi32>
        %reshape3A_2209 = vector.shape_cast %broadcast_in_dim3A_2208 : vector<16xi32> to vector<16x1xi32>
        %gather3A_2210 = vector.shape_cast %reshape3A_2209 : vector<16x1xi32> to vector<16xi32>
        %gather3A_2211 = tpu.dynamic_gather %scan3A_1441[%gather3A_2210] in [0] : vector<16xf32>, vector<16xi32> -> vector<16xf32>
        %add3A_2212 = arith.addf %gather3A_2206, %scan3A_1442 : vector<16xf32>
        %or3A_2213 = arith.constant 1280 : i32
        %or3A_2214 = vector.broadcast %or3A_2213 : i32 to vector<16xi32>
        %or3A_2215 = arith.ori %or3A_2214, %scan3A_1444 : vector<16xi32>
        %add3A_2216 = arith.addf %gather3A_2211, %scan3A_1443 : vector<16xf32>
        %or3A_2217 = arith.constant 1408 : i32
        %or3A_2218 = vector.broadcast %or3A_2217 : i32 to vector<16xi32>
        %or3A_2219 = arith.ori %or3A_2218, %scan3A_1445 : vector<16xi32>
        %gt3A_2220 = arith.cmpf ogt, %add3A_2212, %add3A_2216 : vector<16xf32>
        %eq3A_2221 = arith.cmpf oeq, %add3A_2212, %add3A_2216 : vector<16xf32>
        %lt3A_2222 = arith.cmpi slt, %or3A_2215, %or3A_2219 : vector<16xi32>
        %and3A_2223 = arith.andi %eq3A_2221, %lt3A_2222 : vector<16xi1>
        %or3A_2224 = arith.ori %gt3A_2220, %and3A_2223 : vector<16xi1>
        %select_n3A_2225 = arith.select %or3A_2224, %add3A_2212, %add3A_2216 : vector<16xi1>, vector<16xf32>
        %select_n3A_2226 = arith.select %or3A_2224, %or3A_2215, %or3A_2219 : vector<16xi1>, vector<16xi32>
        %masked_sort3A_2227 = arith.constant dense<true> : vector<16xi1>
        %masked_sort3A_2228, %masked_sort3A_2229, %masked_sort3A_2230 = tpu.sort %select_n3A_2225, %select_n3A_2226 masked %masked_sort3A_2227 : (vector<16xf32>, vector<16xi32>, vector<16xi1>) -> (vector<16xi1>, vector<16xf32>, vector<16xi32>)
        %reshape3A_2231 = vector.shape_cast %max3A_13 : vector<16xi32> to vector<16x1xi32>
        %gather3A_2232 = vector.shape_cast %reshape3A_2231 : vector<16x1xi32> to vector<16xi32>
        %gather3A_2233 = tpu.dynamic_gather %masked_sort3A_2229[%gather3A_2232] in [0] : vector<16xf32>, vector<16xi32> -> vector<16xf32>
        %lt3A_2234 = arith.cmpf olt, %gather3A_2233, %masked_sort3A_2229 : vector<16xf32>
        %gt3A_2235 = arith.constant 0 : i32
        %gt3A_2236 = vector.broadcast %gt3A_2235 : i32 to vector<16xi32>
        %gt3A_2237 = arith.cmpi sgt, %iota3A, %gt3A_2236 : vector<16xi32>
        %and3A_2238 = arith.andi %lt3A_2234, %gt3A_2237 : vector<16xi1>
        %jit3A_2239 = arith.constant 1 : i32
        %jit3A_2240 = arith.constant 0 : i32
        %broadcast_in_dim3A_2241 = vector.broadcast %jit3A_2239 : i32 to vector<16xi32>
        %broadcast_in_dim3A_2242 = vector.broadcast %jit3A_2240 : i32 to vector<16xi32>
        %select_n3A_2243 = arith.select %and3A_2238, %broadcast_in_dim3A_2241, %broadcast_in_dim3A_2242 : vector<16xi1>, vector<16xi32>
        %broadcast_in_dim3A_2244 = arith.constant true
        %broadcast_in_dim3A_2245 = vector.broadcast %broadcast_in_dim3A_2244 : i1 to vector<16xi1>
        %masked_cumsum3A_2246 = tpu.scan <sum>, %select_n3A_2243 masked %broadcast_in_dim3A_2245 : vector<16xi32>, vector<16xi1> -> vector<16xi32>
        %shift_left3A_2247 = arith.constant 11 : i32
        %shift_left3A_2248 = vector.broadcast %shift_left3A_2247 : i32 to vector<16xi32>
        %shift_left3A_2249 = arith.shli %masked_cumsum3A_2246, %shift_left3A_2248 : vector<16xi32>
        %sub3A_2250 = arith.constant 2047 : i32
        %sub3A_2251 = vector.broadcast %sub3A_2250 : i32 to vector<16xi32>
        %sub3A_2252 = arith.subi %sub3A_2251, %masked_sort3A_2230 : vector<16xi32>
        %or3A_2253 = arith.ori %shift_left3A_2249, %sub3A_2252 : vector<16xi32>
        %masked_sort3A_2254 = arith.constant dense<true> : vector<16xi1>
        %masked_sort3A_2255 = arith.constant -2147483648 : i32
        %masked_sort3A_2256 = vector.broadcast %masked_sort3A_2255 : i32 to vector<16xi32>
        %masked_sort3A_2257 = arith.xori %or3A_2253, %masked_sort3A_2256 : vector<16xi32>
        %masked_sort3A_2258, %masked_sort3A_2259, %masked_sort3A_2260 = tpu.sort %masked_sort3A_2257, %masked_sort3A_2230 masked %masked_sort3A_2254 : (vector<16xi32>, vector<16xi32>, vector<16xi1>) -> (vector<16xi1>, vector<16xi32>, vector<16xi32>)
        %masked_sort3A_2261 = arith.xori %masked_sort3A_2259, %masked_sort3A_2256 : vector<16xi32>
        %broadcast_in_dim3A_2262 = arith.constant 12 : i32
        %broadcast_in_dim3A_2263 = vector.broadcast %broadcast_in_dim3A_2262 : i32 to vector<16xi32>
        %reshape3A_2264 = vector.shape_cast %broadcast_in_dim3A_2263 : vector<16xi32> to vector<16x1xi32>
        %gather3A_2265 = vector.shape_cast %reshape3A_2264 : vector<16x1xi32> to vector<16xi32>
        %gather3A_2266 = tpu.dynamic_gather %scan3A_1441[%gather3A_2265] in [0] : vector<16xf32>, vector<16xi32> -> vector<16xf32>
        %broadcast_in_dim3A_2267 = arith.constant 13 : i32
        %broadcast_in_dim3A_2268 = vector.broadcast %broadcast_in_dim3A_2267 : i32 to vector<16xi32>
        %reshape3A_2269 = vector.shape_cast %broadcast_in_dim3A_2268 : vector<16xi32> to vector<16x1xi32>
        %gather3A_2270 = vector.shape_cast %reshape3A_2269 : vector<16x1xi32> to vector<16xi32>
        %gather3A_2271 = tpu.dynamic_gather %scan3A_1441[%gather3A_2270] in [0] : vector<16xf32>, vector<16xi32> -> vector<16xf32>
        %add3A_2272 = arith.addf %gather3A_2266, %scan3A_1442 : vector<16xf32>
        %or3A_2273 = arith.constant 1536 : i32
        %or3A_2274 = vector.broadcast %or3A_2273 : i32 to vector<16xi32>
        %or3A_2275 = arith.ori %or3A_2274, %scan3A_1444 : vector<16xi32>
        %add3A_2276 = arith.addf %gather3A_2271, %scan3A_1443 : vector<16xf32>
        %or3A_2277 = arith.constant 1664 : i32
        %or3A_2278 = vector.broadcast %or3A_2277 : i32 to vector<16xi32>
        %or3A_2279 = arith.ori %or3A_2278, %scan3A_1445 : vector<16xi32>
        %gt3A_2280 = arith.cmpf ogt, %add3A_2272, %add3A_2276 : vector<16xf32>
        %eq3A_2281 = arith.cmpf oeq, %add3A_2272, %add3A_2276 : vector<16xf32>
        %lt3A_2282 = arith.cmpi slt, %or3A_2275, %or3A_2279 : vector<16xi32>
        %and3A_2283 = arith.andi %eq3A_2281, %lt3A_2282 : vector<16xi1>
        %or3A_2284 = arith.ori %gt3A_2280, %and3A_2283 : vector<16xi1>
        %select_n3A_2285 = arith.select %or3A_2284, %add3A_2272, %add3A_2276 : vector<16xi1>, vector<16xf32>
        %select_n3A_2286 = arith.select %or3A_2284, %or3A_2275, %or3A_2279 : vector<16xi1>, vector<16xi32>
        %masked_sort3A_2287 = arith.constant dense<true> : vector<16xi1>
        %masked_sort3A_2288, %masked_sort3A_2289, %masked_sort3A_2290 = tpu.sort %select_n3A_2285, %select_n3A_2286 masked %masked_sort3A_2287 {descending = true} : (vector<16xf32>, vector<16xi32>, vector<16xi1>) -> (vector<16xi1>, vector<16xf32>, vector<16xi32>)
        %reshape3A_2291 = vector.shape_cast %max3A_13 : vector<16xi32> to vector<16x1xi32>
        %gather3A_2292 = vector.shape_cast %reshape3A_2291 : vector<16x1xi32> to vector<16xi32>
        %gather3A_2293 = tpu.dynamic_gather %masked_sort3A_2289[%gather3A_2292] in [0] : vector<16xf32>, vector<16xi32> -> vector<16xf32>
        %gt3A_2294 = arith.cmpf ogt, %gather3A_2293, %masked_sort3A_2289 : vector<16xf32>
        %gt3A_2295 = arith.constant 0 : i32
        %gt3A_2296 = vector.broadcast %gt3A_2295 : i32 to vector<16xi32>
        %gt3A_2297 = arith.cmpi sgt, %iota3A, %gt3A_2296 : vector<16xi32>
        %and3A_2298 = arith.andi %gt3A_2294, %gt3A_2297 : vector<16xi1>
        %jit3A_2299 = arith.constant 1 : i32
        %jit3A_2300 = arith.constant 0 : i32
        %broadcast_in_dim3A_2301 = vector.broadcast %jit3A_2299 : i32 to vector<16xi32>
        %broadcast_in_dim3A_2302 = vector.broadcast %jit3A_2300 : i32 to vector<16xi32>
        %select_n3A_2303 = arith.select %and3A_2298, %broadcast_in_dim3A_2301, %broadcast_in_dim3A_2302 : vector<16xi1>, vector<16xi32>
        %broadcast_in_dim3A_2304 = arith.constant true
        %broadcast_in_dim3A_2305 = vector.broadcast %broadcast_in_dim3A_2304 : i1 to vector<16xi1>
        %masked_cumsum3A_2306 = tpu.scan <sum>, %select_n3A_2303 masked %broadcast_in_dim3A_2305 : vector<16xi32>, vector<16xi1> -> vector<16xi32>
        %shift_left3A_2307 = arith.constant 11 : i32
        %shift_left3A_2308 = vector.broadcast %shift_left3A_2307 : i32 to vector<16xi32>
        %shift_left3A_2309 = arith.shli %masked_cumsum3A_2306, %shift_left3A_2308 : vector<16xi32>
        %or3A_2310 = arith.ori %shift_left3A_2309, %masked_sort3A_2290 : vector<16xi32>
        %masked_sort3A_2311 = arith.constant dense<true> : vector<16xi1>
        %masked_sort3A_2312 = arith.constant -2147483648 : i32
        %masked_sort3A_2313 = vector.broadcast %masked_sort3A_2312 : i32 to vector<16xi32>
        %masked_sort3A_2314 = arith.xori %or3A_2310, %masked_sort3A_2313 : vector<16xi32>
        %masked_sort3A_2315, %masked_sort3A_2316, %masked_sort3A_2317 = tpu.sort %masked_sort3A_2314, %masked_sort3A_2290 masked %masked_sort3A_2311 : (vector<16xi32>, vector<16xi32>, vector<16xi1>) -> (vector<16xi1>, vector<16xi32>, vector<16xi32>)
        %masked_sort3A_2318 = arith.xori %masked_sort3A_2316, %masked_sort3A_2313 : vector<16xi32>
        %broadcast_in_dim3A_2319 = arith.constant 14 : i32
        %broadcast_in_dim3A_2320 = vector.broadcast %broadcast_in_dim3A_2319 : i32 to vector<16xi32>
        %reshape3A_2321 = vector.shape_cast %broadcast_in_dim3A_2320 : vector<16xi32> to vector<16x1xi32>
        %gather3A_2322 = vector.shape_cast %reshape3A_2321 : vector<16x1xi32> to vector<16xi32>
        %gather3A_2323 = tpu.dynamic_gather %scan3A_1441[%gather3A_2322] in [0] : vector<16xf32>, vector<16xi32> -> vector<16xf32>
        %broadcast_in_dim3A_2324 = arith.constant 15 : i32
        %broadcast_in_dim3A_2325 = vector.broadcast %broadcast_in_dim3A_2324 : i32 to vector<16xi32>
        %reshape3A_2326 = vector.shape_cast %broadcast_in_dim3A_2325 : vector<16xi32> to vector<16x1xi32>
        %gather3A_2327 = vector.shape_cast %reshape3A_2326 : vector<16x1xi32> to vector<16xi32>
        %gather3A_2328 = tpu.dynamic_gather %scan3A_1441[%gather3A_2327] in [0] : vector<16xf32>, vector<16xi32> -> vector<16xf32>
        %add3A_2329 = arith.addf %gather3A_2323, %scan3A_1442 : vector<16xf32>
        %or3A_2330 = arith.constant 1792 : i32
        %or3A_2331 = vector.broadcast %or3A_2330 : i32 to vector<16xi32>
        %or3A_2332 = arith.ori %or3A_2331, %scan3A_1444 : vector<16xi32>
        %add3A_2333 = arith.addf %gather3A_2328, %scan3A_1443 : vector<16xf32>
        %or3A_2334 = arith.constant 1920 : i32
        %or3A_2335 = vector.broadcast %or3A_2334 : i32 to vector<16xi32>
        %or3A_2336 = arith.ori %or3A_2335, %scan3A_1445 : vector<16xi32>
        %gt3A_2337 = arith.cmpf ogt, %add3A_2329, %add3A_2333 : vector<16xf32>
        %eq3A_2338 = arith.cmpf oeq, %add3A_2329, %add3A_2333 : vector<16xf32>
        %lt3A_2339 = arith.cmpi slt, %or3A_2332, %or3A_2336 : vector<16xi32>
        %and3A_2340 = arith.andi %eq3A_2338, %lt3A_2339 : vector<16xi1>
        %or3A_2341 = arith.ori %gt3A_2337, %and3A_2340 : vector<16xi1>
        %select_n3A_2342 = arith.select %or3A_2341, %add3A_2329, %add3A_2333 : vector<16xi1>, vector<16xf32>
        %select_n3A_2343 = arith.select %or3A_2341, %or3A_2332, %or3A_2336 : vector<16xi1>, vector<16xi32>
        %masked_sort3A_2344 = arith.constant dense<true> : vector<16xi1>
        %masked_sort3A_2345, %masked_sort3A_2346, %masked_sort3A_2347 = tpu.sort %select_n3A_2342, %select_n3A_2343 masked %masked_sort3A_2344 : (vector<16xf32>, vector<16xi32>, vector<16xi1>) -> (vector<16xi1>, vector<16xf32>, vector<16xi32>)
        %reshape3A_2348 = vector.shape_cast %max3A_13 : vector<16xi32> to vector<16x1xi32>
        %gather3A_2349 = vector.shape_cast %reshape3A_2348 : vector<16x1xi32> to vector<16xi32>
        %gather3A_2350 = tpu.dynamic_gather %masked_sort3A_2346[%gather3A_2349] in [0] : vector<16xf32>, vector<16xi32> -> vector<16xf32>
        %lt3A_2351 = arith.cmpf olt, %gather3A_2350, %masked_sort3A_2346 : vector<16xf32>
        %gt3A_2352 = arith.constant 0 : i32
        %gt3A_2353 = vector.broadcast %gt3A_2352 : i32 to vector<16xi32>
        %gt3A_2354 = arith.cmpi sgt, %iota3A, %gt3A_2353 : vector<16xi32>
        %and3A_2355 = arith.andi %lt3A_2351, %gt3A_2354 : vector<16xi1>
        %jit3A_2356 = arith.constant 1 : i32
        %jit3A_2357 = arith.constant 0 : i32
        %broadcast_in_dim3A_2358 = vector.broadcast %jit3A_2356 : i32 to vector<16xi32>
        %broadcast_in_dim3A_2359 = vector.broadcast %jit3A_2357 : i32 to vector<16xi32>
        %select_n3A_2360 = arith.select %and3A_2355, %broadcast_in_dim3A_2358, %broadcast_in_dim3A_2359 : vector<16xi1>, vector<16xi32>
        %broadcast_in_dim3A_2361 = arith.constant true
        %broadcast_in_dim3A_2362 = vector.broadcast %broadcast_in_dim3A_2361 : i1 to vector<16xi1>
        %masked_cumsum3A_2363 = tpu.scan <sum>, %select_n3A_2360 masked %broadcast_in_dim3A_2362 : vector<16xi32>, vector<16xi1> -> vector<16xi32>
        %shift_left3A_2364 = arith.constant 11 : i32
        %shift_left3A_2365 = vector.broadcast %shift_left3A_2364 : i32 to vector<16xi32>
        %shift_left3A_2366 = arith.shli %masked_cumsum3A_2363, %shift_left3A_2365 : vector<16xi32>
        %sub3A_2367 = arith.constant 2047 : i32
        %sub3A_2368 = vector.broadcast %sub3A_2367 : i32 to vector<16xi32>
        %sub3A_2369 = arith.subi %sub3A_2368, %masked_sort3A_2347 : vector<16xi32>
        %or3A_2370 = arith.ori %shift_left3A_2366, %sub3A_2369 : vector<16xi32>
        %masked_sort3A_2371 = arith.constant dense<true> : vector<16xi1>
        %masked_sort3A_2372 = arith.constant -2147483648 : i32
        %masked_sort3A_2373 = vector.broadcast %masked_sort3A_2372 : i32 to vector<16xi32>
        %masked_sort3A_2374 = arith.xori %or3A_2370, %masked_sort3A_2373 : vector<16xi32>
        %masked_sort3A_2375, %masked_sort3A_2376, %masked_sort3A_2377 = tpu.sort %masked_sort3A_2374, %masked_sort3A_2347 masked %masked_sort3A_2371 : (vector<16xi32>, vector<16xi32>, vector<16xi1>) -> (vector<16xi1>, vector<16xi32>, vector<16xi32>)
        %masked_sort3A_2378 = arith.xori %masked_sort3A_2376, %masked_sort3A_2373 : vector<16xi32>
        %gt3A_2379 = arith.cmpf ogt, %masked_sort3A_1938, %masked_sort3A_1995 : vector<16xf32>
        %eq3A_2380 = arith.cmpf oeq, %masked_sort3A_1938, %masked_sort3A_1995 : vector<16xf32>
        %lt3A_2381 = arith.cmpi slt, %masked_sort3A_1966, %masked_sort3A_2026 : vector<16xi32>
        %and3A_2382 = arith.andi %eq3A_2380, %lt3A_2381 : vector<16xi1>
        %or3A_2383 = arith.ori %gt3A_2379, %and3A_2382 : vector<16xi1>
        %select_n3A_2384 = arith.select %or3A_2383, %masked_sort3A_1938, %masked_sort3A_1995 : vector<16xi1>, vector<16xf32>
        %select_n3A_2385 = arith.select %or3A_2383, %masked_sort3A_1966, %masked_sort3A_2026 : vector<16xi1>, vector<16xi32>
        %gt3A_2386 = arith.cmpf ogt, %masked_sort3A_2055, %masked_sort3A_2112 : vector<16xf32>
        %eq3A_2387 = arith.cmpf oeq, %masked_sort3A_2055, %masked_sort3A_2112 : vector<16xf32>
        %lt3A_2388 = arith.cmpi slt, %masked_sort3A_2083, %masked_sort3A_2143 : vector<16xi32>
        %and3A_2389 = arith.andi %eq3A_2387, %lt3A_2388 : vector<16xi1>
        %or3A_2390 = arith.ori %gt3A_2386, %and3A_2389 : vector<16xi1>
        %select_n3A_2391 = arith.select %or3A_2390, %masked_sort3A_2055, %masked_sort3A_2112 : vector<16xi1>, vector<16xf32>
        %select_n3A_2392 = arith.select %or3A_2390, %masked_sort3A_2083, %masked_sort3A_2143 : vector<16xi1>, vector<16xi32>
        %gt3A_2393 = arith.cmpf ogt, %masked_sort3A_2172, %masked_sort3A_2229 : vector<16xf32>
        %eq3A_2394 = arith.cmpf oeq, %masked_sort3A_2172, %masked_sort3A_2229 : vector<16xf32>
        %lt3A_2395 = arith.cmpi slt, %masked_sort3A_2200, %masked_sort3A_2260 : vector<16xi32>
        %and3A_2396 = arith.andi %eq3A_2394, %lt3A_2395 : vector<16xi1>
        %or3A_2397 = arith.ori %gt3A_2393, %and3A_2396 : vector<16xi1>
        %select_n3A_2398 = arith.select %or3A_2397, %masked_sort3A_2172, %masked_sort3A_2229 : vector<16xi1>, vector<16xf32>
        %select_n3A_2399 = arith.select %or3A_2397, %masked_sort3A_2200, %masked_sort3A_2260 : vector<16xi1>, vector<16xi32>
        %gt3A_2400 = arith.cmpf ogt, %masked_sort3A_2289, %masked_sort3A_2346 : vector<16xf32>
        %eq3A_2401 = arith.cmpf oeq, %masked_sort3A_2289, %masked_sort3A_2346 : vector<16xf32>
        %lt3A_2402 = arith.cmpi slt, %masked_sort3A_2317, %masked_sort3A_2377 : vector<16xi32>
        %and3A_2403 = arith.andi %eq3A_2401, %lt3A_2402 : vector<16xi1>
        %or3A_2404 = arith.ori %gt3A_2400, %and3A_2403 : vector<16xi1>
        %select_n3A_2405 = arith.select %or3A_2404, %masked_sort3A_2289, %masked_sort3A_2346 : vector<16xi1>, vector<16xf32>
        %select_n3A_2406 = arith.select %or3A_2404, %masked_sort3A_2317, %masked_sort3A_2377 : vector<16xi1>, vector<16xi32>
        %masked_sort3A_2407 = arith.constant dense<true> : vector<16xi1>
        %masked_sort3A_2408, %masked_sort3A_2409, %masked_sort3A_2410 = tpu.sort %select_n3A_2384, %select_n3A_2385 masked %masked_sort3A_2407 {descending = true} : (vector<16xf32>, vector<16xi32>, vector<16xi1>) -> (vector<16xi1>, vector<16xf32>, vector<16xi32>)
        %reshape3A_2411 = vector.shape_cast %max3A_13 : vector<16xi32> to vector<16x1xi32>
        %gather3A_2412 = vector.shape_cast %reshape3A_2411 : vector<16x1xi32> to vector<16xi32>
        %gather3A_2413 = tpu.dynamic_gather %masked_sort3A_2409[%gather3A_2412] in [0] : vector<16xf32>, vector<16xi32> -> vector<16xf32>
        %gt3A_2414 = arith.cmpf ogt, %gather3A_2413, %masked_sort3A_2409 : vector<16xf32>
        %gt3A_2415 = arith.constant 0 : i32
        %gt3A_2416 = vector.broadcast %gt3A_2415 : i32 to vector<16xi32>
        %gt3A_2417 = arith.cmpi sgt, %iota3A, %gt3A_2416 : vector<16xi32>
        %and3A_2418 = arith.andi %gt3A_2414, %gt3A_2417 : vector<16xi1>
        %jit3A_2419 = arith.constant 1 : i32
        %jit3A_2420 = arith.constant 0 : i32
        %broadcast_in_dim3A_2421 = vector.broadcast %jit3A_2419 : i32 to vector<16xi32>
        %broadcast_in_dim3A_2422 = vector.broadcast %jit3A_2420 : i32 to vector<16xi32>
        %select_n3A_2423 = arith.select %and3A_2418, %broadcast_in_dim3A_2421, %broadcast_in_dim3A_2422 : vector<16xi1>, vector<16xi32>
        %broadcast_in_dim3A_2424 = arith.constant true
        %broadcast_in_dim3A_2425 = vector.broadcast %broadcast_in_dim3A_2424 : i1 to vector<16xi1>
        %masked_cumsum3A_2426 = tpu.scan <sum>, %select_n3A_2423 masked %broadcast_in_dim3A_2425 : vector<16xi32>, vector<16xi1> -> vector<16xi32>
        %shift_left3A_2427 = arith.constant 11 : i32
        %shift_left3A_2428 = vector.broadcast %shift_left3A_2427 : i32 to vector<16xi32>
        %shift_left3A_2429 = arith.shli %masked_cumsum3A_2426, %shift_left3A_2428 : vector<16xi32>
        %or3A_2430 = arith.ori %shift_left3A_2429, %masked_sort3A_2410 : vector<16xi32>
        %masked_sort3A_2431 = arith.constant dense<true> : vector<16xi1>
        %masked_sort3A_2432 = arith.constant -2147483648 : i32
        %masked_sort3A_2433 = vector.broadcast %masked_sort3A_2432 : i32 to vector<16xi32>
        %masked_sort3A_2434 = arith.xori %or3A_2430, %masked_sort3A_2433 : vector<16xi32>
        %masked_sort3A_2435, %masked_sort3A_2436, %masked_sort3A_2437 = tpu.sort %masked_sort3A_2434, %masked_sort3A_2410 masked %masked_sort3A_2431 : (vector<16xi32>, vector<16xi32>, vector<16xi1>) -> (vector<16xi1>, vector<16xi32>, vector<16xi32>)
        %masked_sort3A_2438 = arith.xori %masked_sort3A_2436, %masked_sort3A_2433 : vector<16xi32>
        %masked_sort3A_2439 = arith.constant dense<true> : vector<16xi1>
        %masked_sort3A_2440, %masked_sort3A_2441, %masked_sort3A_2442 = tpu.sort %select_n3A_2391, %select_n3A_2392 masked %masked_sort3A_2439 : (vector<16xf32>, vector<16xi32>, vector<16xi1>) -> (vector<16xi1>, vector<16xf32>, vector<16xi32>)
        %reshape3A_2443 = vector.shape_cast %max3A_13 : vector<16xi32> to vector<16x1xi32>
        %gather3A_2444 = vector.shape_cast %reshape3A_2443 : vector<16x1xi32> to vector<16xi32>
        %gather3A_2445 = tpu.dynamic_gather %masked_sort3A_2441[%gather3A_2444] in [0] : vector<16xf32>, vector<16xi32> -> vector<16xf32>
        %lt3A_2446 = arith.cmpf olt, %gather3A_2445, %masked_sort3A_2441 : vector<16xf32>
        %gt3A_2447 = arith.constant 0 : i32
        %gt3A_2448 = vector.broadcast %gt3A_2447 : i32 to vector<16xi32>
        %gt3A_2449 = arith.cmpi sgt, %iota3A, %gt3A_2448 : vector<16xi32>
        %and3A_2450 = arith.andi %lt3A_2446, %gt3A_2449 : vector<16xi1>
        %jit3A_2451 = arith.constant 1 : i32
        %jit3A_2452 = arith.constant 0 : i32
        %broadcast_in_dim3A_2453 = vector.broadcast %jit3A_2451 : i32 to vector<16xi32>
        %broadcast_in_dim3A_2454 = vector.broadcast %jit3A_2452 : i32 to vector<16xi32>
        %select_n3A_2455 = arith.select %and3A_2450, %broadcast_in_dim3A_2453, %broadcast_in_dim3A_2454 : vector<16xi1>, vector<16xi32>
        %broadcast_in_dim3A_2456 = arith.constant true
        %broadcast_in_dim3A_2457 = vector.broadcast %broadcast_in_dim3A_2456 : i1 to vector<16xi1>
        %masked_cumsum3A_2458 = tpu.scan <sum>, %select_n3A_2455 masked %broadcast_in_dim3A_2457 : vector<16xi32>, vector<16xi1> -> vector<16xi32>
        %shift_left3A_2459 = arith.constant 11 : i32
        %shift_left3A_2460 = vector.broadcast %shift_left3A_2459 : i32 to vector<16xi32>
        %shift_left3A_2461 = arith.shli %masked_cumsum3A_2458, %shift_left3A_2460 : vector<16xi32>
        %sub3A_2462 = arith.constant 2047 : i32
        %sub3A_2463 = vector.broadcast %sub3A_2462 : i32 to vector<16xi32>
        %sub3A_2464 = arith.subi %sub3A_2463, %masked_sort3A_2442 : vector<16xi32>
        %or3A_2465 = arith.ori %shift_left3A_2461, %sub3A_2464 : vector<16xi32>
        %masked_sort3A_2466 = arith.constant dense<true> : vector<16xi1>
        %masked_sort3A_2467 = arith.constant -2147483648 : i32
        %masked_sort3A_2468 = vector.broadcast %masked_sort3A_2467 : i32 to vector<16xi32>
        %masked_sort3A_2469 = arith.xori %or3A_2465, %masked_sort3A_2468 : vector<16xi32>
        %masked_sort3A_2470, %masked_sort3A_2471, %masked_sort3A_2472 = tpu.sort %masked_sort3A_2469, %masked_sort3A_2442 masked %masked_sort3A_2466 : (vector<16xi32>, vector<16xi32>, vector<16xi1>) -> (vector<16xi1>, vector<16xi32>, vector<16xi32>)
        %masked_sort3A_2473 = arith.xori %masked_sort3A_2471, %masked_sort3A_2468 : vector<16xi32>
        %masked_sort3A_2474 = arith.constant dense<true> : vector<16xi1>
        %masked_sort3A_2475, %masked_sort3A_2476, %masked_sort3A_2477 = tpu.sort %select_n3A_2398, %select_n3A_2399 masked %masked_sort3A_2474 {descending = true} : (vector<16xf32>, vector<16xi32>, vector<16xi1>) -> (vector<16xi1>, vector<16xf32>, vector<16xi32>)
        %reshape3A_2478 = vector.shape_cast %max3A_13 : vector<16xi32> to vector<16x1xi32>
        %gather3A_2479 = vector.shape_cast %reshape3A_2478 : vector<16x1xi32> to vector<16xi32>
        %gather3A_2480 = tpu.dynamic_gather %masked_sort3A_2476[%gather3A_2479] in [0] : vector<16xf32>, vector<16xi32> -> vector<16xf32>
        %gt3A_2481 = arith.cmpf ogt, %gather3A_2480, %masked_sort3A_2476 : vector<16xf32>
        %gt3A_2482 = arith.constant 0 : i32
        %gt3A_2483 = vector.broadcast %gt3A_2482 : i32 to vector<16xi32>
        %gt3A_2484 = arith.cmpi sgt, %iota3A, %gt3A_2483 : vector<16xi32>
        %and3A_2485 = arith.andi %gt3A_2481, %gt3A_2484 : vector<16xi1>
        %jit3A_2486 = arith.constant 1 : i32
        %jit3A_2487 = arith.constant 0 : i32
        %broadcast_in_dim3A_2488 = vector.broadcast %jit3A_2486 : i32 to vector<16xi32>
        %broadcast_in_dim3A_2489 = vector.broadcast %jit3A_2487 : i32 to vector<16xi32>
        %select_n3A_2490 = arith.select %and3A_2485, %broadcast_in_dim3A_2488, %broadcast_in_dim3A_2489 : vector<16xi1>, vector<16xi32>
        %broadcast_in_dim3A_2491 = arith.constant true
        %broadcast_in_dim3A_2492 = vector.broadcast %broadcast_in_dim3A_2491 : i1 to vector<16xi1>
        %masked_cumsum3A_2493 = tpu.scan <sum>, %select_n3A_2490 masked %broadcast_in_dim3A_2492 : vector<16xi32>, vector<16xi1> -> vector<16xi32>
        %shift_left3A_2494 = arith.constant 11 : i32
        %shift_left3A_2495 = vector.broadcast %shift_left3A_2494 : i32 to vector<16xi32>
        %shift_left3A_2496 = arith.shli %masked_cumsum3A_2493, %shift_left3A_2495 : vector<16xi32>
        %or3A_2497 = arith.ori %shift_left3A_2496, %masked_sort3A_2477 : vector<16xi32>
        %masked_sort3A_2498 = arith.constant dense<true> : vector<16xi1>
        %masked_sort3A_2499 = arith.constant -2147483648 : i32
        %masked_sort3A_2500 = vector.broadcast %masked_sort3A_2499 : i32 to vector<16xi32>
        %masked_sort3A_2501 = arith.xori %or3A_2497, %masked_sort3A_2500 : vector<16xi32>
        %masked_sort3A_2502, %masked_sort3A_2503, %masked_sort3A_2504 = tpu.sort %masked_sort3A_2501, %masked_sort3A_2477 masked %masked_sort3A_2498 : (vector<16xi32>, vector<16xi32>, vector<16xi1>) -> (vector<16xi1>, vector<16xi32>, vector<16xi32>)
        %masked_sort3A_2505 = arith.xori %masked_sort3A_2503, %masked_sort3A_2500 : vector<16xi32>
        %masked_sort3A_2506 = arith.constant dense<true> : vector<16xi1>
        %masked_sort3A_2507, %masked_sort3A_2508, %masked_sort3A_2509 = tpu.sort %select_n3A_2405, %select_n3A_2406 masked %masked_sort3A_2506 : (vector<16xf32>, vector<16xi32>, vector<16xi1>) -> (vector<16xi1>, vector<16xf32>, vector<16xi32>)
        %reshape3A_2510 = vector.shape_cast %max3A_13 : vector<16xi32> to vector<16x1xi32>
        %gather3A_2511 = vector.shape_cast %reshape3A_2510 : vector<16x1xi32> to vector<16xi32>
        %gather3A_2512 = tpu.dynamic_gather %masked_sort3A_2508[%gather3A_2511] in [0] : vector<16xf32>, vector<16xi32> -> vector<16xf32>
        %lt3A_2513 = arith.cmpf olt, %gather3A_2512, %masked_sort3A_2508 : vector<16xf32>
        %gt3A_2514 = arith.constant 0 : i32
        %gt3A_2515 = vector.broadcast %gt3A_2514 : i32 to vector<16xi32>
        %gt3A_2516 = arith.cmpi sgt, %iota3A, %gt3A_2515 : vector<16xi32>
        %and3A_2517 = arith.andi %lt3A_2513, %gt3A_2516 : vector<16xi1>
        %jit3A_2518 = arith.constant 1 : i32
        %jit3A_2519 = arith.constant 0 : i32
        %broadcast_in_dim3A_2520 = vector.broadcast %jit3A_2518 : i32 to vector<16xi32>
        %broadcast_in_dim3A_2521 = vector.broadcast %jit3A_2519 : i32 to vector<16xi32>
        %select_n3A_2522 = arith.select %and3A_2517, %broadcast_in_dim3A_2520, %broadcast_in_dim3A_2521 : vector<16xi1>, vector<16xi32>
        %broadcast_in_dim3A_2523 = arith.constant true
        %broadcast_in_dim3A_2524 = vector.broadcast %broadcast_in_dim3A_2523 : i1 to vector<16xi1>
        %masked_cumsum3A_2525 = tpu.scan <sum>, %select_n3A_2522 masked %broadcast_in_dim3A_2524 : vector<16xi32>, vector<16xi1> -> vector<16xi32>
        %shift_left3A_2526 = arith.constant 11 : i32
        %shift_left3A_2527 = vector.broadcast %shift_left3A_2526 : i32 to vector<16xi32>
        %shift_left3A_2528 = arith.shli %masked_cumsum3A_2525, %shift_left3A_2527 : vector<16xi32>
        %sub3A_2529 = arith.constant 2047 : i32
        %sub3A_2530 = vector.broadcast %sub3A_2529 : i32 to vector<16xi32>
        %sub3A_2531 = arith.subi %sub3A_2530, %masked_sort3A_2509 : vector<16xi32>
        %or3A_2532 = arith.ori %shift_left3A_2528, %sub3A_2531 : vector<16xi32>
        %masked_sort3A_2533 = arith.constant dense<true> : vector<16xi1>
        %masked_sort3A_2534 = arith.constant -2147483648 : i32
        %masked_sort3A_2535 = vector.broadcast %masked_sort3A_2534 : i32 to vector<16xi32>
        %masked_sort3A_2536 = arith.xori %or3A_2532, %masked_sort3A_2535 : vector<16xi32>
        %masked_sort3A_2537, %masked_sort3A_2538, %masked_sort3A_2539 = tpu.sort %masked_sort3A_2536, %masked_sort3A_2509 masked %masked_sort3A_2533 : (vector<16xi32>, vector<16xi32>, vector<16xi1>) -> (vector<16xi1>, vector<16xi32>, vector<16xi32>)
        %masked_sort3A_2540 = arith.xori %masked_sort3A_2538, %masked_sort3A_2535 : vector<16xi32>
        %gt3A_2541 = arith.cmpf ogt, %masked_sort3A_2409, %masked_sort3A_2441 : vector<16xf32>
        %eq3A_2542 = arith.cmpf oeq, %masked_sort3A_2409, %masked_sort3A_2441 : vector<16xf32>
        %lt3A_2543 = arith.cmpi slt, %masked_sort3A_2437, %masked_sort3A_2472 : vector<16xi32>
        %and3A_2544 = arith.andi %eq3A_2542, %lt3A_2543 : vector<16xi1>
        %or3A_2545 = arith.ori %gt3A_2541, %and3A_2544 : vector<16xi1>
        %select_n3A_2546 = arith.select %or3A_2545, %masked_sort3A_2409, %masked_sort3A_2441 : vector<16xi1>, vector<16xf32>
        %select_n3A_2547 = arith.select %or3A_2545, %masked_sort3A_2437, %masked_sort3A_2472 : vector<16xi1>, vector<16xi32>
        %gt3A_2548 = arith.cmpf ogt, %masked_sort3A_2476, %masked_sort3A_2508 : vector<16xf32>
        %eq3A_2549 = arith.cmpf oeq, %masked_sort3A_2476, %masked_sort3A_2508 : vector<16xf32>
        %lt3A_2550 = arith.cmpi slt, %masked_sort3A_2504, %masked_sort3A_2539 : vector<16xi32>
        %and3A_2551 = arith.andi %eq3A_2549, %lt3A_2550 : vector<16xi1>
        %or3A_2552 = arith.ori %gt3A_2548, %and3A_2551 : vector<16xi1>
        %select_n3A_2553 = arith.select %or3A_2552, %masked_sort3A_2476, %masked_sort3A_2508 : vector<16xi1>, vector<16xf32>
        %select_n3A_2554 = arith.select %or3A_2552, %masked_sort3A_2504, %masked_sort3A_2539 : vector<16xi1>, vector<16xi32>
        %masked_sort3A_2555 = arith.constant dense<true> : vector<16xi1>
        %masked_sort3A_2556, %masked_sort3A_2557, %masked_sort3A_2558 = tpu.sort %select_n3A_2546, %select_n3A_2547 masked %masked_sort3A_2555 {descending = true} : (vector<16xf32>, vector<16xi32>, vector<16xi1>) -> (vector<16xi1>, vector<16xf32>, vector<16xi32>)
        %reshape3A_2559 = vector.shape_cast %max3A_13 : vector<16xi32> to vector<16x1xi32>
        %gather3A_2560 = vector.shape_cast %reshape3A_2559 : vector<16x1xi32> to vector<16xi32>
        %gather3A_2561 = tpu.dynamic_gather %masked_sort3A_2557[%gather3A_2560] in [0] : vector<16xf32>, vector<16xi32> -> vector<16xf32>
        %gt3A_2562 = arith.cmpf ogt, %gather3A_2561, %masked_sort3A_2557 : vector<16xf32>
        %gt3A_2563 = arith.constant 0 : i32
        %gt3A_2564 = vector.broadcast %gt3A_2563 : i32 to vector<16xi32>
        %gt3A_2565 = arith.cmpi sgt, %iota3A, %gt3A_2564 : vector<16xi32>
        %and3A_2566 = arith.andi %gt3A_2562, %gt3A_2565 : vector<16xi1>
        %jit3A_2567 = arith.constant 1 : i32
        %jit3A_2568 = arith.constant 0 : i32
        %broadcast_in_dim3A_2569 = vector.broadcast %jit3A_2567 : i32 to vector<16xi32>
        %broadcast_in_dim3A_2570 = vector.broadcast %jit3A_2568 : i32 to vector<16xi32>
        %select_n3A_2571 = arith.select %and3A_2566, %broadcast_in_dim3A_2569, %broadcast_in_dim3A_2570 : vector<16xi1>, vector<16xi32>
        %broadcast_in_dim3A_2572 = arith.constant true
        %broadcast_in_dim3A_2573 = vector.broadcast %broadcast_in_dim3A_2572 : i1 to vector<16xi1>
        %masked_cumsum3A_2574 = tpu.scan <sum>, %select_n3A_2571 masked %broadcast_in_dim3A_2573 : vector<16xi32>, vector<16xi1> -> vector<16xi32>
        %shift_left3A_2575 = arith.constant 11 : i32
        %shift_left3A_2576 = vector.broadcast %shift_left3A_2575 : i32 to vector<16xi32>
        %shift_left3A_2577 = arith.shli %masked_cumsum3A_2574, %shift_left3A_2576 : vector<16xi32>
        %or3A_2578 = arith.ori %shift_left3A_2577, %masked_sort3A_2558 : vector<16xi32>
        %masked_sort3A_2579 = arith.constant dense<true> : vector<16xi1>
        %masked_sort3A_2580 = arith.constant -2147483648 : i32
        %masked_sort3A_2581 = vector.broadcast %masked_sort3A_2580 : i32 to vector<16xi32>
        %masked_sort3A_2582 = arith.xori %or3A_2578, %masked_sort3A_2581 : vector<16xi32>
        %masked_sort3A_2583, %masked_sort3A_2584, %masked_sort3A_2585 = tpu.sort %masked_sort3A_2582, %masked_sort3A_2558 masked %masked_sort3A_2579 : (vector<16xi32>, vector<16xi32>, vector<16xi1>) -> (vector<16xi1>, vector<16xi32>, vector<16xi32>)
        %masked_sort3A_2586 = arith.xori %masked_sort3A_2584, %masked_sort3A_2581 : vector<16xi32>
        %masked_sort3A_2587 = arith.constant dense<true> : vector<16xi1>
        %masked_sort3A_2588, %masked_sort3A_2589, %masked_sort3A_2590 = tpu.sort %select_n3A_2553, %select_n3A_2554 masked %masked_sort3A_2587 : (vector<16xf32>, vector<16xi32>, vector<16xi1>) -> (vector<16xi1>, vector<16xf32>, vector<16xi32>)
        %reshape3A_2591 = vector.shape_cast %max3A_13 : vector<16xi32> to vector<16x1xi32>
        %gather3A_2592 = vector.shape_cast %reshape3A_2591 : vector<16x1xi32> to vector<16xi32>
        %gather3A_2593 = tpu.dynamic_gather %masked_sort3A_2589[%gather3A_2592] in [0] : vector<16xf32>, vector<16xi32> -> vector<16xf32>
        %lt3A_2594 = arith.cmpf olt, %gather3A_2593, %masked_sort3A_2589 : vector<16xf32>
        %gt3A_2595 = arith.constant 0 : i32
        %gt3A_2596 = vector.broadcast %gt3A_2595 : i32 to vector<16xi32>
        %gt3A_2597 = arith.cmpi sgt, %iota3A, %gt3A_2596 : vector<16xi32>
        %and3A_2598 = arith.andi %lt3A_2594, %gt3A_2597 : vector<16xi1>
        %jit3A_2599 = arith.constant 1 : i32
        %jit3A_2600 = arith.constant 0 : i32
        %broadcast_in_dim3A_2601 = vector.broadcast %jit3A_2599 : i32 to vector<16xi32>
        %broadcast_in_dim3A_2602 = vector.broadcast %jit3A_2600 : i32 to vector<16xi32>
        %select_n3A_2603 = arith.select %and3A_2598, %broadcast_in_dim3A_2601, %broadcast_in_dim3A_2602 : vector<16xi1>, vector<16xi32>
        %broadcast_in_dim3A_2604 = arith.constant true
        %broadcast_in_dim3A_2605 = vector.broadcast %broadcast_in_dim3A_2604 : i1 to vector<16xi1>
        %masked_cumsum3A_2606 = tpu.scan <sum>, %select_n3A_2603 masked %broadcast_in_dim3A_2605 : vector<16xi32>, vector<16xi1> -> vector<16xi32>
        %shift_left3A_2607 = arith.constant 11 : i32
        %shift_left3A_2608 = vector.broadcast %shift_left3A_2607 : i32 to vector<16xi32>
        %shift_left3A_2609 = arith.shli %masked_cumsum3A_2606, %shift_left3A_2608 : vector<16xi32>
        %sub3A_2610 = arith.constant 2047 : i32
        %sub3A_2611 = vector.broadcast %sub3A_2610 : i32 to vector<16xi32>
        %sub3A_2612 = arith.subi %sub3A_2611, %masked_sort3A_2590 : vector<16xi32>
        %or3A_2613 = arith.ori %shift_left3A_2609, %sub3A_2612 : vector<16xi32>
        %masked_sort3A_2614 = arith.constant dense<true> : vector<16xi1>
        %masked_sort3A_2615 = arith.constant -2147483648 : i32
        %masked_sort3A_2616 = vector.broadcast %masked_sort3A_2615 : i32 to vector<16xi32>
        %masked_sort3A_2617 = arith.xori %or3A_2613, %masked_sort3A_2616 : vector<16xi32>
        %masked_sort3A_2618, %masked_sort3A_2619, %masked_sort3A_2620 = tpu.sort %masked_sort3A_2617, %masked_sort3A_2590 masked %masked_sort3A_2614 : (vector<16xi32>, vector<16xi32>, vector<16xi1>) -> (vector<16xi1>, vector<16xi32>, vector<16xi32>)
        %masked_sort3A_2621 = arith.xori %masked_sort3A_2619, %masked_sort3A_2616 : vector<16xi32>
        %gt3A_2622 = arith.cmpf ogt, %masked_sort3A_2557, %masked_sort3A_2589 : vector<16xf32>
        %eq3A_2623 = arith.cmpf oeq, %masked_sort3A_2557, %masked_sort3A_2589 : vector<16xf32>
        %lt3A_2624 = arith.cmpi slt, %masked_sort3A_2585, %masked_sort3A_2620 : vector<16xi32>
        %and3A_2625 = arith.andi %eq3A_2623, %lt3A_2624 : vector<16xi1>
        %or3A_2626 = arith.ori %gt3A_2622, %and3A_2625 : vector<16xi1>
        %select_n3A_2627 = arith.select %or3A_2626, %masked_sort3A_2557, %masked_sort3A_2589 : vector<16xi1>, vector<16xf32>
        %select_n3A_2628 = arith.select %or3A_2626, %masked_sort3A_2585, %masked_sort3A_2620 : vector<16xi1>, vector<16xi32>
        %masked_sort3A_2629 = arith.constant dense<true> : vector<16xi1>
        %masked_sort3A_2630, %masked_sort3A_2631, %masked_sort3A_2632 = tpu.sort %select_n3A_2627, %select_n3A_2628 masked %masked_sort3A_2629 {descending = true} : (vector<16xf32>, vector<16xi32>, vector<16xi1>) -> (vector<16xi1>, vector<16xf32>, vector<16xi32>)
        %reshape3A_2633 = vector.shape_cast %max3A_13 : vector<16xi32> to vector<16x1xi32>
        %gather3A_2634 = vector.shape_cast %reshape3A_2633 : vector<16x1xi32> to vector<16xi32>
        %gather3A_2635 = tpu.dynamic_gather %masked_sort3A_2631[%gather3A_2634] in [0] : vector<16xf32>, vector<16xi32> -> vector<16xf32>
        %gt3A_2636 = arith.cmpf ogt, %gather3A_2635, %masked_sort3A_2631 : vector<16xf32>
        %gt3A_2637 = arith.constant 0 : i32
        %gt3A_2638 = vector.broadcast %gt3A_2637 : i32 to vector<16xi32>
        %gt3A_2639 = arith.cmpi sgt, %iota3A, %gt3A_2638 : vector<16xi32>
        %and3A_2640 = arith.andi %gt3A_2636, %gt3A_2639 : vector<16xi1>
        %jit3A_2641 = arith.constant 1 : i32
        %jit3A_2642 = arith.constant 0 : i32
        %broadcast_in_dim3A_2643 = vector.broadcast %jit3A_2641 : i32 to vector<16xi32>
        %broadcast_in_dim3A_2644 = vector.broadcast %jit3A_2642 : i32 to vector<16xi32>
        %select_n3A_2645 = arith.select %and3A_2640, %broadcast_in_dim3A_2643, %broadcast_in_dim3A_2644 : vector<16xi1>, vector<16xi32>
        %broadcast_in_dim3A_2646 = arith.constant true
        %broadcast_in_dim3A_2647 = vector.broadcast %broadcast_in_dim3A_2646 : i1 to vector<16xi1>
        %masked_cumsum3A_2648 = tpu.scan <sum>, %select_n3A_2645 masked %broadcast_in_dim3A_2647 : vector<16xi32>, vector<16xi1> -> vector<16xi32>
        %shift_left3A_2649 = arith.constant 11 : i32
        %shift_left3A_2650 = vector.broadcast %shift_left3A_2649 : i32 to vector<16xi32>
        %shift_left3A_2651 = arith.shli %masked_cumsum3A_2648, %shift_left3A_2650 : vector<16xi32>
        %or3A_2652 = arith.ori %shift_left3A_2651, %masked_sort3A_2632 : vector<16xi32>
        %masked_sort3A_2653 = arith.constant dense<true> : vector<16xi1>
        %masked_sort3A_2654 = arith.constant -2147483648 : i32
        %masked_sort3A_2655 = vector.broadcast %masked_sort3A_2654 : i32 to vector<16xi32>
        %masked_sort3A_2656 = arith.xori %or3A_2652, %masked_sort3A_2655 : vector<16xi32>
        %masked_sort3A_2657, %masked_sort3A_2658, %masked_sort3A_2659 = tpu.sort %masked_sort3A_2656, %masked_sort3A_2632 masked %masked_sort3A_2653 : (vector<16xi32>, vector<16xi32>, vector<16xi1>) -> (vector<16xi1>, vector<16xi32>, vector<16xi32>)
        %masked_sort3A_2660 = arith.xori %masked_sort3A_2658, %masked_sort3A_2655 : vector<16xi32>
        %mul3A_2661 = arith.constant 16 : i32
        %mul3A_2662 = arith.muli %scan3A_1440, %mul3A_2661 : i32
        %swap3A_2663 = arith.index_cast %mul3A_2662 : i32 to index
        %swap3A_2664 = tpu.vector_load %arg7[%swap3A_2663] {strides = array<i32>} : memref<4096xi32, #tpu.memory_space<vmem>>, vector<16xi32>,
        tpu.vector_store %arg7[%swap3A_2663], %masked_sort3A_2659 {strides = array<i32>} : memref<4096xi32, #tpu.memory_space<vmem>>, vector<16xi32>,
        scf.yield %masked_sort3A_2631, %masked_sort3A_1875, %gather3A_1907, %masked_sort3A_1903, %gather3A_1910 : vector<16xf32>, vector<16xf32>, vector<16xf32>, vector<16xi32>, vector<16xi32>
      }
      %scan3A_882 = arith.constant 255 : i32
      %eq3A_883 = arith.constant 0 : i32
      %eq3A_884 = vector.broadcast %eq3A_883 : i32 to vector<16xi32>
      %eq3A_885 = arith.cmpi eq, %iota3A, %eq3A_884 : vector<16xi32>
      %broadcast_in_dim3A_886 = arith.constant 0 : i32
      %broadcast_in_dim3A_887 = vector.broadcast %broadcast_in_dim3A_886 : i32 to vector<16xi32>
      %scan3A_888 = arith.constant 0 : i32
      %scan3A_889 = arith.constant 255 : i32
      %scan3A_890 = arith.addi %scan3A_888, %scan3A_889 : i32
      %scan3A_891 = arith.constant 1 : i32
      %scan3A_892 = scf.for %scan3A_1440 = %scan3A_888 to %scan3A_890 step %scan3A_891 iter_args(%scan3A_1441 = %broadcast_in_dim3A_887) -> (vector<16xi32>)  : i32 {
        %sub3A_1442 = arith.constant 255 : i32
        %sub3A_1443 = arith.subi %sub3A_1442, %scan3A_1440 : i32
        %mul3A_1444 = arith.constant 16 : i32
        %mul3A_1445 = arith.muli %sub3A_1443, %mul3A_1444 : i32
        %broadcast_in_dim3A_1446 = vector.broadcast %mul3A_1445 : i32 to vector<16xi32>
        %add3A_1447 = arith.addi %broadcast_in_dim3A_1446, %scan3A_1441 : vector<16xi32>
        %gather3A_1448 = tpu.vector_load_idx %arg7[%add3A_1447] : memref<4096xi32, #tpu.memory_space<vmem>>[vector<16xi32>], vector<16xi32>,
        %broadcast_in_dim3A_1449 = vector.broadcast %sub3A_1443 : i32 to vector<16xi32>
        %and3A_1450 = arith.constant 127 : i32
        %and3A_1451 = vector.broadcast %and3A_1450 : i32 to vector<16xi32>
        %and3A_1452 = arith.andi %gather3A_1448, %and3A_1451 : vector<16xi32>
        tpu.vector_store_idx %arg6[%broadcast_in_dim3A_1449], %and3A_1452 masked %eq3A_885 : memref<256xi32, #tpu.memory_space<vmem>>[vector<16xi32>], vector<16xi32>, vector<16xi1>
        %shift_right_arithmetic3A = arith.constant 7 : i32
        %shift_right_arithmetic3A_1453 = vector.broadcast %shift_right_arithmetic3A : i32 to vector<16xi32>
        %shift_right_arithmetic3A_1454 = arith.shrsi %gather3A_1448, %shift_right_arithmetic3A_1453 : vector<16xi32>
        scf.yield %shift_right_arithmetic3A_1454 : vector<16xi32>
      }
      %scan3A_893 = arith.constant 255 : i32
      %gather3A_894 = tpu.vector_load_idx %arg7[%scan3A_892] : memref<4096xi32, #tpu.memory_space<vmem>>[vector<16xi32>], vector<16xi32>,
      %broadcast_in_dim3A_895 = arith.constant 0 : i32
      %broadcast_in_dim3A_896 = vector.broadcast %broadcast_in_dim3A_895 : i32 to vector<16xi32>
      %and3A_897 = arith.constant 127 : i32
      %and3A_898 = vector.broadcast %and3A_897 : i32 to vector<16xi32>
      %and3A_899 = arith.andi %gather3A_894, %and3A_898 : vector<16xi32>
      tpu.vector_store_idx %arg6[%broadcast_in_dim3A_896], %and3A_899 masked %eq3A_885 : memref<256xi32, #tpu.memory_space<vmem>>[vector<16xi32>], vector<16xi32>, vector<16xi1>
      %broadcast_in_dim3A_900 = arith.constant -1 : i32
      %broadcast_in_dim3A_901 = vector.broadcast %broadcast_in_dim3A_900 : i32 to vector<16xi32>
      %swap3A_902 = arith.constant 0 : index
      %swap3A_903 = tpu.vector_load %arg8[%swap3A_902] {strides = array<i32>} : memref<256xi32, #tpu.memory_space<vmem>>, vector<16xi32>,
      tpu.vector_store %arg8[%swap3A_902], %broadcast_in_dim3A_901 {strides = array<i32>} : memref<256xi32, #tpu.memory_space<vmem>>, vector<16xi32>,
      %broadcast_in_dim3A_904 = arith.constant -1 : i32
      %broadcast_in_dim3A_905 = vector.broadcast %broadcast_in_dim3A_904 : i32 to vector<16xi32>
      %swap3A_906 = arith.constant 16 : index
      %swap3A_907 = tpu.vector_load %arg8[%swap3A_906] {strides = array<i32>} : memref<256xi32, #tpu.memory_space<vmem>>, vector<16xi32>,
      tpu.vector_store %arg8[%swap3A_906], %broadcast_in_dim3A_905 {strides = array<i32>} : memref<256xi32, #tpu.memory_space<vmem>>, vector<16xi32>,
      %broadcast_in_dim3A_908 = arith.constant -1 : i32
      %broadcast_in_dim3A_909 = vector.broadcast %broadcast_in_dim3A_908 : i32 to vector<16xi32>
      %swap3A_910 = arith.constant 32 : index
      %swap3A_911 = tpu.vector_load %arg8[%swap3A_910] {strides = array<i32>} : memref<256xi32, #tpu.memory_space<vmem>>, vector<16xi32>,
      tpu.vector_store %arg8[%swap3A_910], %broadcast_in_dim3A_909 {strides = array<i32>} : memref<256xi32, #tpu.memory_space<vmem>>, vector<16xi32>,
      %broadcast_in_dim3A_912 = arith.constant -1 : i32
      %broadcast_in_dim3A_913 = vector.broadcast %broadcast_in_dim3A_912 : i32 to vector<16xi32>
      %swap3A_914 = arith.constant 48 : index
      %swap3A_915 = tpu.vector_load %arg8[%swap3A_914] {strides = array<i32>} : memref<256xi32, #tpu.memory_space<vmem>>, vector<16xi32>,
      tpu.vector_store %arg8[%swap3A_914], %broadcast_in_dim3A_913 {strides = array<i32>} : memref<256xi32, #tpu.memory_space<vmem>>, vector<16xi32>,
      %broadcast_in_dim3A_916 = arith.constant -1 : i32
      %broadcast_in_dim3A_917 = vector.broadcast %broadcast_in_dim3A_916 : i32 to vector<16xi32>
      %swap3A_918 = arith.constant 64 : index
      %swap3A_919 = tpu.vector_load %arg8[%swap3A_918] {strides = array<i32>} : memref<256xi32, #tpu.memory_space<vmem>>, vector<16xi32>,
      tpu.vector_store %arg8[%swap3A_918], %broadcast_in_dim3A_917 {strides = array<i32>} : memref<256xi32, #tpu.memory_space<vmem>>, vector<16xi32>,
      %broadcast_in_dim3A_920 = arith.constant -1 : i32
      %broadcast_in_dim3A_921 = vector.broadcast %broadcast_in_dim3A_920 : i32 to vector<16xi32>
      %swap3A_922 = arith.constant 80 : index
      %swap3A_923 = tpu.vector_load %arg8[%swap3A_922] {strides = array<i32>} : memref<256xi32, #tpu.memory_space<vmem>>, vector<16xi32>,
      tpu.vector_store %arg8[%swap3A_922], %broadcast_in_dim3A_921 {strides = array<i32>} : memref<256xi32, #tpu.memory_space<vmem>>, vector<16xi32>,
      %broadcast_in_dim3A_924 = arith.constant -1 : i32
      %broadcast_in_dim3A_925 = vector.broadcast %broadcast_in_dim3A_924 : i32 to vector<16xi32>
      %swap3A_926 = arith.constant 96 : index
      %swap3A_927 = tpu.vector_load %arg8[%swap3A_926] {strides = array<i32>} : memref<256xi32, #tpu.memory_space<vmem>>, vector<16xi32>,
      tpu.vector_store %arg8[%swap3A_926], %broadcast_in_dim3A_925 {strides = array<i32>} : memref<256xi32, #tpu.memory_space<vmem>>, vector<16xi32>,
      %broadcast_in_dim3A_928 = arith.constant -1 : i32
      %broadcast_in_dim3A_929 = vector.broadcast %broadcast_in_dim3A_928 : i32 to vector<16xi32>
      %swap3A_930 = arith.constant 112 : index
      %swap3A_931 = tpu.vector_load %arg8[%swap3A_930] {strides = array<i32>} : memref<256xi32, #tpu.memory_space<vmem>>, vector<16xi32>,
      tpu.vector_store %arg8[%swap3A_930], %broadcast_in_dim3A_929 {strides = array<i32>} : memref<256xi32, #tpu.memory_space<vmem>>, vector<16xi32>,
      %broadcast_in_dim3A_932 = arith.constant -1 : i32
      %broadcast_in_dim3A_933 = vector.broadcast %broadcast_in_dim3A_932 : i32 to vector<16xi32>
      %swap3A_934 = arith.constant 128 : index
      %swap3A_935 = tpu.vector_load %arg8[%swap3A_934] {strides = array<i32>} : memref<256xi32, #tpu.memory_space<vmem>>, vector<16xi32>,
      tpu.vector_store %arg8[%swap3A_934], %broadcast_in_dim3A_933 {strides = array<i32>} : memref<256xi32, #tpu.memory_space<vmem>>, vector<16xi32>,
      %broadcast_in_dim3A_936 = arith.constant -1 : i32
      %broadcast_in_dim3A_937 = vector.broadcast %broadcast_in_dim3A_936 : i32 to vector<16xi32>
      %swap3A_938 = arith.constant 144 : index
      %swap3A_939 = tpu.vector_load %arg8[%swap3A_938] {strides = array<i32>} : memref<256xi32, #tpu.memory_space<vmem>>, vector<16xi32>,
      tpu.vector_store %arg8[%swap3A_938], %broadcast_in_dim3A_937 {strides = array<i32>} : memref<256xi32, #tpu.memory_space<vmem>>, vector<16xi32>,
      %broadcast_in_dim3A_940 = arith.constant -1 : i32
      %broadcast_in_dim3A_941 = vector.broadcast %broadcast_in_dim3A_940 : i32 to vector<16xi32>
      %swap3A_942 = arith.constant 160 : index
      %swap3A_943 = tpu.vector_load %arg8[%swap3A_942] {strides = array<i32>} : memref<256xi32, #tpu.memory_space<vmem>>, vector<16xi32>,
      tpu.vector_store %arg8[%swap3A_942], %broadcast_in_dim3A_941 {strides = array<i32>} : memref<256xi32, #tpu.memory_space<vmem>>, vector<16xi32>,
      %broadcast_in_dim3A_944 = arith.constant -1 : i32
      %broadcast_in_dim3A_945 = vector.broadcast %broadcast_in_dim3A_944 : i32 to vector<16xi32>
      %swap3A_946 = arith.constant 176 : index
      %swap3A_947 = tpu.vector_load %arg8[%swap3A_946] {strides = array<i32>} : memref<256xi32, #tpu.memory_space<vmem>>, vector<16xi32>,
      tpu.vector_store %arg8[%swap3A_946], %broadcast_in_dim3A_945 {strides = array<i32>} : memref<256xi32, #tpu.memory_space<vmem>>, vector<16xi32>,
      %broadcast_in_dim3A_948 = arith.constant -1 : i32
      %broadcast_in_dim3A_949 = vector.broadcast %broadcast_in_dim3A_948 : i32 to vector<16xi32>
      %swap3A_950 = arith.constant 192 : index
      %swap3A_951 = tpu.vector_load %arg8[%swap3A_950] {strides = array<i32>} : memref<256xi32, #tpu.memory_space<vmem>>, vector<16xi32>,
      tpu.vector_store %arg8[%swap3A_950], %broadcast_in_dim3A_949 {strides = array<i32>} : memref<256xi32, #tpu.memory_space<vmem>>, vector<16xi32>,
      %broadcast_in_dim3A_952 = arith.constant -1 : i32
      %broadcast_in_dim3A_953 = vector.broadcast %broadcast_in_dim3A_952 : i32 to vector<16xi32>
      %swap3A_954 = arith.constant 208 : index
      %swap3A_955 = tpu.vector_load %arg8[%swap3A_954] {strides = array<i32>} : memref<256xi32, #tpu.memory_space<vmem>>, vector<16xi32>,
      tpu.vector_store %arg8[%swap3A_954], %broadcast_in_dim3A_953 {strides = array<i32>} : memref<256xi32, #tpu.memory_space<vmem>>, vector<16xi32>,
      %broadcast_in_dim3A_956 = arith.constant -1 : i32
      %broadcast_in_dim3A_957 = vector.broadcast %broadcast_in_dim3A_956 : i32 to vector<16xi32>
      %swap3A_958 = arith.constant 224 : index
      %swap3A_959 = tpu.vector_load %arg8[%swap3A_958] {strides = array<i32>} : memref<256xi32, #tpu.memory_space<vmem>>, vector<16xi32>,
      tpu.vector_store %arg8[%swap3A_958], %broadcast_in_dim3A_957 {strides = array<i32>} : memref<256xi32, #tpu.memory_space<vmem>>, vector<16xi32>,
      %broadcast_in_dim3A_960 = arith.constant -1 : i32
      %broadcast_in_dim3A_961 = vector.broadcast %broadcast_in_dim3A_960 : i32 to vector<16xi32>
      %swap3A_962 = arith.constant 240 : index
      %swap3A_963 = tpu.vector_load %arg8[%swap3A_962] {strides = array<i32>} : memref<256xi32, #tpu.memory_space<vmem>>, vector<16xi32>,
      tpu.vector_store %arg8[%swap3A_962], %broadcast_in_dim3A_961 {strides = array<i32>} : memref<256xi32, #tpu.memory_space<vmem>>, vector<16xi32>,
      %get3A_964 = arith.constant 0 : index
      %get3A_965 = tpu.vector_load %arg6[%get3A_964] {strides = array<i32>} : memref<256xi32, #tpu.memory_space<vmem>>, vector<16xi32>,
      %sub3A_966 = arith.constant 1 : i32
      %sub3A_967 = vector.broadcast %sub3A_966 : i32 to vector<16xi32>
      %sub3A_968 = arith.subi %iota3A, %sub3A_967 : vector<16xi32>
      %max3A_969 = arith.constant 0 : i32
      %max3A_970 = vector.broadcast %max3A_969 : i32 to vector<16xi32>
      %max3A_971 = arith.maxsi %sub3A_968, %max3A_970 : vector<16xi32>
      %gather3A_972 = tpu.vector_load_idx %arg6[%max3A_971] : memref<256xi32, #tpu.memory_space<vmem>>[vector<16xi32>], vector<16xi32>,
      %jit3A_973 = arith.constant -1 : i32
      %broadcast_in_dim3A_974 = vector.broadcast %jit3A_973 : i32 to vector<16xi32>
      %select_n3A_975 = arith.select %eq3A_885, %broadcast_in_dim3A_974, %gather3A_972 : vector<16xi1>, vector<16xi32>
      %ne3A = arith.cmpi ne, %get3A_965, %select_n3A_975 : vector<16xi32>
      %ne3A_976 = arith.constant 95 : i32
      %ne3A_977 = vector.broadcast %ne3A_976 : i32 to vector<16xi32>
      %ne3A_978 = arith.cmpi ne, %get3A_965, %ne3A_977 : vector<16xi32>
      %and3A_979 = arith.andi %ne3A, %ne3A_978 : vector<16xi1>
      %jit3A_980 = arith.constant 1 : i32
      %jit3A_981 = arith.constant 0 : i32
      %broadcast_in_dim3A_982 = vector.broadcast %jit3A_980 : i32 to vector<16xi32>
      %broadcast_in_dim3A_983 = vector.broadcast %jit3A_981 : i32 to vector<16xi32>
      %select_n3A_984 = arith.select %and3A_979, %broadcast_in_dim3A_982, %broadcast_in_dim3A_983 : vector<16xi1>, vector<16xi32>
      %broadcast_in_dim3A_985 = arith.constant true
      %broadcast_in_dim3A_986 = vector.broadcast %broadcast_in_dim3A_985 : i1 to vector<16xi1>
      %masked_cumsum3A_987 = tpu.scan <sum>, %select_n3A_984 masked %broadcast_in_dim3A_986 : vector<16xi32>, vector<16xi1> -> vector<16xi32>
      %add3A_988 = arith.constant 0 : i32
      %add3A_989 = vector.broadcast %add3A_988 : i32 to vector<16xi32>
      %add3A_990 = arith.addi %masked_cumsum3A_987, %add3A_989 : vector<16xi32>
      %sub3A_991 = arith.constant 1 : i32
      %sub3A_992 = vector.broadcast %sub3A_991 : i32 to vector<16xi32>
      %sub3A_993 = arith.subi %add3A_990, %sub3A_992 : vector<16xi32>
      tpu.vector_store_idx %arg8[%sub3A_993], %get3A_965 masked %and3A_979 : memref<256xi32, #tpu.memory_space<vmem>>[vector<16xi32>], vector<16xi32>, vector<16xi1>
      %reduce_sum3A = arith.constant true
      %reduce_sum3A_994 = vector.broadcast %reduce_sum3A : i1 to vector<16xi1>
      %reduce_sum3A_995 = tpu.scan <sum>, %select_n3A_984 masked %reduce_sum3A_994 : vector<16xi32>, vector<16xi1> -> vector<16xi32>
      %reduce_sum3A_996 = vector.extract %reduce_sum3A_995[15] : i32 from vector<16xi32>
      %add3A_997 = arith.constant 0 : i32
      %add3A_998 = arith.addi %add3A_997, %reduce_sum3A_996 : i32
      %get3A_999 = arith.constant 16 : index
      %get3A_1000 = tpu.vector_load %arg6[%get3A_999] {strides = array<i32>} : memref<256xi32, #tpu.memory_space<vmem>>, vector<16xi32>,
      %add3A_1001 = arith.constant 15 : i32
      %add3A_1002 = vector.broadcast %add3A_1001 : i32 to vector<16xi32>
      %add3A_1003 = arith.addi %iota3A, %add3A_1002 : vector<16xi32>
      %gather3A_1004 = tpu.vector_load_idx %arg6[%add3A_1003] : memref<256xi32, #tpu.memory_space<vmem>>[vector<16xi32>], vector<16xi32>,
      %ne3A_1005 = arith.cmpi ne, %get3A_1000, %gather3A_1004 : vector<16xi32>
      %ne3A_1006 = arith.constant 95 : i32
      %ne3A_1007 = vector.broadcast %ne3A_1006 : i32 to vector<16xi32>
      %ne3A_1008 = arith.cmpi ne, %get3A_1000, %ne3A_1007 : vector<16xi32>
      %and3A_1009 = arith.andi %ne3A_1005, %ne3A_1008 : vector<16xi1>
      %jit3A_1010 = arith.constant 1 : i32
      %jit3A_1011 = arith.constant 0 : i32
      %broadcast_in_dim3A_1012 = vector.broadcast %jit3A_1010 : i32 to vector<16xi32>
      %broadcast_in_dim3A_1013 = vector.broadcast %jit3A_1011 : i32 to vector<16xi32>
      %select_n3A_1014 = arith.select %and3A_1009, %broadcast_in_dim3A_1012, %broadcast_in_dim3A_1013 : vector<16xi1>, vector<16xi32>
      %broadcast_in_dim3A_1015 = arith.constant true
      %broadcast_in_dim3A_1016 = vector.broadcast %broadcast_in_dim3A_1015 : i1 to vector<16xi1>
      %masked_cumsum3A_1017 = tpu.scan <sum>, %select_n3A_1014 masked %broadcast_in_dim3A_1016 : vector<16xi32>, vector<16xi1> -> vector<16xi32>
      %add3A_1018 = vector.broadcast %add3A_998 : i32 to vector<16xi32>
      %add3A_1019 = arith.addi %masked_cumsum3A_1017, %add3A_1018 : vector<16xi32>
      %sub3A_1020 = arith.constant 1 : i32
      %sub3A_1021 = vector.broadcast %sub3A_1020 : i32 to vector<16xi32>
      %sub3A_1022 = arith.subi %add3A_1019, %sub3A_1021 : vector<16xi32>
      tpu.vector_store_idx %arg8[%sub3A_1022], %get3A_1000 masked %and3A_1009 : memref<256xi32, #tpu.memory_space<vmem>>[vector<16xi32>], vector<16xi32>, vector<16xi1>
      %reduce_sum3A_1023 = arith.constant true
      %reduce_sum3A_1024 = vector.broadcast %reduce_sum3A_1023 : i1 to vector<16xi1>
      %reduce_sum3A_1025 = tpu.scan <sum>, %select_n3A_1014 masked %reduce_sum3A_1024 : vector<16xi32>, vector<16xi1> -> vector<16xi32>
      %reduce_sum3A_1026 = vector.extract %reduce_sum3A_1025[15] : i32 from vector<16xi32>
      %add3A_1027 = arith.addi %add3A_998, %reduce_sum3A_1026 : i32
      %get3A_1028 = arith.constant 32 : index
      %get3A_1029 = tpu.vector_load %arg6[%get3A_1028] {strides = array<i32>} : memref<256xi32, #tpu.memory_space<vmem>>, vector<16xi32>,
      %add3A_1030 = arith.constant 31 : i32
      %add3A_1031 = vector.broadcast %add3A_1030 : i32 to vector<16xi32>
      %add3A_1032 = arith.addi %iota3A, %add3A_1031 : vector<16xi32>
      %gather3A_1033 = tpu.vector_load_idx %arg6[%add3A_1032] : memref<256xi32, #tpu.memory_space<vmem>>[vector<16xi32>], vector<16xi32>,
      %ne3A_1034 = arith.cmpi ne, %get3A_1029, %gather3A_1033 : vector<16xi32>
      %ne3A_1035 = arith.constant 95 : i32
      %ne3A_1036 = vector.broadcast %ne3A_1035 : i32 to vector<16xi32>
      %ne3A_1037 = arith.cmpi ne, %get3A_1029, %ne3A_1036 : vector<16xi32>
      %and3A_1038 = arith.andi %ne3A_1034, %ne3A_1037 : vector<16xi1>
      %jit3A_1039 = arith.constant 1 : i32
      %jit3A_1040 = arith.constant 0 : i32
      %broadcast_in_dim3A_1041 = vector.broadcast %jit3A_1039 : i32 to vector<16xi32>
      %broadcast_in_dim3A_1042 = vector.broadcast %jit3A_1040 : i32 to vector<16xi32>
      %select_n3A_1043 = arith.select %and3A_1038, %broadcast_in_dim3A_1041, %broadcast_in_dim3A_1042 : vector<16xi1>, vector<16xi32>
      %broadcast_in_dim3A_1044 = arith.constant true
      %broadcast_in_dim3A_1045 = vector.broadcast %broadcast_in_dim3A_1044 : i1 to vector<16xi1>
      %masked_cumsum3A_1046 = tpu.scan <sum>, %select_n3A_1043 masked %broadcast_in_dim3A_1045 : vector<16xi32>, vector<16xi1> -> vector<16xi32>
      %add3A_1047 = vector.broadcast %add3A_1027 : i32 to vector<16xi32>
      %add3A_1048 = arith.addi %masked_cumsum3A_1046, %add3A_1047 : vector<16xi32>
      %sub3A_1049 = arith.constant 1 : i32
      %sub3A_1050 = vector.broadcast %sub3A_1049 : i32 to vector<16xi32>
      %sub3A_1051 = arith.subi %add3A_1048, %sub3A_1050 : vector<16xi32>
      tpu.vector_store_idx %arg8[%sub3A_1051], %get3A_1029 masked %and3A_1038 : memref<256xi32, #tpu.memory_space<vmem>>[vector<16xi32>], vector<16xi32>, vector<16xi1>
      %reduce_sum3A_1052 = arith.constant true
      %reduce_sum3A_1053 = vector.broadcast %reduce_sum3A_1052 : i1 to vector<16xi1>
      %reduce_sum3A_1054 = tpu.scan <sum>, %select_n3A_1043 masked %reduce_sum3A_1053 : vector<16xi32>, vector<16xi1> -> vector<16xi32>
      %reduce_sum3A_1055 = vector.extract %reduce_sum3A_1054[15] : i32 from vector<16xi32>
      %add3A_1056 = arith.addi %add3A_1027, %reduce_sum3A_1055 : i32
      %get3A_1057 = arith.constant 48 : index
      %get3A_1058 = tpu.vector_load %arg6[%get3A_1057] {strides = array<i32>} : memref<256xi32, #tpu.memory_space<vmem>>, vector<16xi32>,
      %add3A_1059 = arith.constant 47 : i32
      %add3A_1060 = vector.broadcast %add3A_1059 : i32 to vector<16xi32>
      %add3A_1061 = arith.addi %iota3A, %add3A_1060 : vector<16xi32>
      %gather3A_1062 = tpu.vector_load_idx %arg6[%add3A_1061] : memref<256xi32, #tpu.memory_space<vmem>>[vector<16xi32>], vector<16xi32>,
      %ne3A_1063 = arith.cmpi ne, %get3A_1058, %gather3A_1062 : vector<16xi32>
      %ne3A_1064 = arith.constant 95 : i32
      %ne3A_1065 = vector.broadcast %ne3A_1064 : i32 to vector<16xi32>
      %ne3A_1066 = arith.cmpi ne, %get3A_1058, %ne3A_1065 : vector<16xi32>
      %and3A_1067 = arith.andi %ne3A_1063, %ne3A_1066 : vector<16xi1>
      %jit3A_1068 = arith.constant 1 : i32
      %jit3A_1069 = arith.constant 0 : i32
      %broadcast_in_dim3A_1070 = vector.broadcast %jit3A_1068 : i32 to vector<16xi32>
      %broadcast_in_dim3A_1071 = vector.broadcast %jit3A_1069 : i32 to vector<16xi32>
      %select_n3A_1072 = arith.select %and3A_1067, %broadcast_in_dim3A_1070, %broadcast_in_dim3A_1071 : vector<16xi1>, vector<16xi32>
      %broadcast_in_dim3A_1073 = arith.constant true
      %broadcast_in_dim3A_1074 = vector.broadcast %broadcast_in_dim3A_1073 : i1 to vector<16xi1>
      %masked_cumsum3A_1075 = tpu.scan <sum>, %select_n3A_1072 masked %broadcast_in_dim3A_1074 : vector<16xi32>, vector<16xi1> -> vector<16xi32>
      %add3A_1076 = vector.broadcast %add3A_1056 : i32 to vector<16xi32>
      %add3A_1077 = arith.addi %masked_cumsum3A_1075, %add3A_1076 : vector<16xi32>
      %sub3A_1078 = arith.constant 1 : i32
      %sub3A_1079 = vector.broadcast %sub3A_1078 : i32 to vector<16xi32>
      %sub3A_1080 = arith.subi %add3A_1077, %sub3A_1079 : vector<16xi32>
      tpu.vector_store_idx %arg8[%sub3A_1080], %get3A_1058 masked %and3A_1067 : memref<256xi32, #tpu.memory_space<vmem>>[vector<16xi32>], vector<16xi32>, vector<16xi1>
      %reduce_sum3A_1081 = arith.constant true
      %reduce_sum3A_1082 = vector.broadcast %reduce_sum3A_1081 : i1 to vector<16xi1>
      %reduce_sum3A_1083 = tpu.scan <sum>, %select_n3A_1072 masked %reduce_sum3A_1082 : vector<16xi32>, vector<16xi1> -> vector<16xi32>
      %reduce_sum3A_1084 = vector.extract %reduce_sum3A_1083[15] : i32 from vector<16xi32>
      %add3A_1085 = arith.addi %add3A_1056, %reduce_sum3A_1084 : i32
      %get3A_1086 = arith.constant 64 : index
      %get3A_1087 = tpu.vector_load %arg6[%get3A_1086] {strides = array<i32>} : memref<256xi32, #tpu.memory_space<vmem>>, vector<16xi32>,
      %add3A_1088 = arith.constant 63 : i32
      %add3A_1089 = vector.broadcast %add3A_1088 : i32 to vector<16xi32>
      %add3A_1090 = arith.addi %iota3A, %add3A_1089 : vector<16xi32>
      %gather3A_1091 = tpu.vector_load_idx %arg6[%add3A_1090] : memref<256xi32, #tpu.memory_space<vmem>>[vector<16xi32>], vector<16xi32>,
      %ne3A_1092 = arith.cmpi ne, %get3A_1087, %gather3A_1091 : vector<16xi32>
      %ne3A_1093 = arith.constant 95 : i32
      %ne3A_1094 = vector.broadcast %ne3A_1093 : i32 to vector<16xi32>
      %ne3A_1095 = arith.cmpi ne, %get3A_1087, %ne3A_1094 : vector<16xi32>
      %and3A_1096 = arith.andi %ne3A_1092, %ne3A_1095 : vector<16xi1>
      %jit3A_1097 = arith.constant 1 : i32
      %jit3A_1098 = arith.constant 0 : i32
      %broadcast_in_dim3A_1099 = vector.broadcast %jit3A_1097 : i32 to vector<16xi32>
      %broadcast_in_dim3A_1100 = vector.broadcast %jit3A_1098 : i32 to vector<16xi32>
      %select_n3A_1101 = arith.select %and3A_1096, %broadcast_in_dim3A_1099, %broadcast_in_dim3A_1100 : vector<16xi1>, vector<16xi32>
      %broadcast_in_dim3A_1102 = arith.constant true
      %broadcast_in_dim3A_1103 = vector.broadcast %broadcast_in_dim3A_1102 : i1 to vector<16xi1>
      %masked_cumsum3A_1104 = tpu.scan <sum>, %select_n3A_1101 masked %broadcast_in_dim3A_1103 : vector<16xi32>, vector<16xi1> -> vector<16xi32>
      %add3A_1105 = vector.broadcast %add3A_1085 : i32 to vector<16xi32>
      %add3A_1106 = arith.addi %masked_cumsum3A_1104, %add3A_1105 : vector<16xi32>
      %sub3A_1107 = arith.constant 1 : i32
      %sub3A_1108 = vector.broadcast %sub3A_1107 : i32 to vector<16xi32>
      %sub3A_1109 = arith.subi %add3A_1106, %sub3A_1108 : vector<16xi32>
      tpu.vector_store_idx %arg8[%sub3A_1109], %get3A_1087 masked %and3A_1096 : memref<256xi32, #tpu.memory_space<vmem>>[vector<16xi32>], vector<16xi32>, vector<16xi1>
      %reduce_sum3A_1110 = arith.constant true
      %reduce_sum3A_1111 = vector.broadcast %reduce_sum3A_1110 : i1 to vector<16xi1>
      %reduce_sum3A_1112 = tpu.scan <sum>, %select_n3A_1101 masked %reduce_sum3A_1111 : vector<16xi32>, vector<16xi1> -> vector<16xi32>
      %reduce_sum3A_1113 = vector.extract %reduce_sum3A_1112[15] : i32 from vector<16xi32>
      %add3A_1114 = arith.addi %add3A_1085, %reduce_sum3A_1113 : i32
      %get3A_1115 = arith.constant 80 : index
      %get3A_1116 = tpu.vector_load %arg6[%get3A_1115] {strides = array<i32>} : memref<256xi32, #tpu.memory_space<vmem>>, vector<16xi32>,
      %add3A_1117 = arith.constant 79 : i32
      %add3A_1118 = vector.broadcast %add3A_1117 : i32 to vector<16xi32>
      %add3A_1119 = arith.addi %iota3A, %add3A_1118 : vector<16xi32>
      %gather3A_1120 = tpu.vector_load_idx %arg6[%add3A_1119] : memref<256xi32, #tpu.memory_space<vmem>>[vector<16xi32>], vector<16xi32>,
      %ne3A_1121 = arith.cmpi ne, %get3A_1116, %gather3A_1120 : vector<16xi32>
      %ne3A_1122 = arith.constant 95 : i32
      %ne3A_1123 = vector.broadcast %ne3A_1122 : i32 to vector<16xi32>
      %ne3A_1124 = arith.cmpi ne, %get3A_1116, %ne3A_1123 : vector<16xi32>
      %and3A_1125 = arith.andi %ne3A_1121, %ne3A_1124 : vector<16xi1>
      %jit3A_1126 = arith.constant 1 : i32
      %jit3A_1127 = arith.constant 0 : i32
      %broadcast_in_dim3A_1128 = vector.broadcast %jit3A_1126 : i32 to vector<16xi32>
      %broadcast_in_dim3A_1129 = vector.broadcast %jit3A_1127 : i32 to vector<16xi32>
      %select_n3A_1130 = arith.select %and3A_1125, %broadcast_in_dim3A_1128, %broadcast_in_dim3A_1129 : vector<16xi1>, vector<16xi32>
      %broadcast_in_dim3A_1131 = arith.constant true
      %broadcast_in_dim3A_1132 = vector.broadcast %broadcast_in_dim3A_1131 : i1 to vector<16xi1>
      %masked_cumsum3A_1133 = tpu.scan <sum>, %select_n3A_1130 masked %broadcast_in_dim3A_1132 : vector<16xi32>, vector<16xi1> -> vector<16xi32>
      %add3A_1134 = vector.broadcast %add3A_1114 : i32 to vector<16xi32>
      %add3A_1135 = arith.addi %masked_cumsum3A_1133, %add3A_1134 : vector<16xi32>
      %sub3A_1136 = arith.constant 1 : i32
      %sub3A_1137 = vector.broadcast %sub3A_1136 : i32 to vector<16xi32>
      %sub3A_1138 = arith.subi %add3A_1135, %sub3A_1137 : vector<16xi32>
      tpu.vector_store_idx %arg8[%sub3A_1138], %get3A_1116 masked %and3A_1125 : memref<256xi32, #tpu.memory_space<vmem>>[vector<16xi32>], vector<16xi32>, vector<16xi1>
      %reduce_sum3A_1139 = arith.constant true
      %reduce_sum3A_1140 = vector.broadcast %reduce_sum3A_1139 : i1 to vector<16xi1>
      %reduce_sum3A_1141 = tpu.scan <sum>, %select_n3A_1130 masked %reduce_sum3A_1140 : vector<16xi32>, vector<16xi1> -> vector<16xi32>
      %reduce_sum3A_1142 = vector.extract %reduce_sum3A_1141[15] : i32 from vector<16xi32>
      %add3A_1143 = arith.addi %add3A_1114, %reduce_sum3A_1142 : i32
      %get3A_1144 = arith.constant 96 : index
      %get3A_1145 = tpu.vector_load %arg6[%get3A_1144] {strides = array<i32>} : memref<256xi32, #tpu.memory_space<vmem>>, vector<16xi32>,
      %add3A_1146 = arith.constant 95 : i32
      %add3A_1147 = vector.broadcast %add3A_1146 : i32 to vector<16xi32>
      %add3A_1148 = arith.addi %iota3A, %add3A_1147 : vector<16xi32>
      %gather3A_1149 = tpu.vector_load_idx %arg6[%add3A_1148] : memref<256xi32, #tpu.memory_space<vmem>>[vector<16xi32>], vector<16xi32>,
      %ne3A_1150 = arith.cmpi ne, %get3A_1145, %gather3A_1149 : vector<16xi32>
      %ne3A_1151 = arith.constant 95 : i32
      %ne3A_1152 = vector.broadcast %ne3A_1151 : i32 to vector<16xi32>
      %ne3A_1153 = arith.cmpi ne, %get3A_1145, %ne3A_1152 : vector<16xi32>
      %and3A_1154 = arith.andi %ne3A_1150, %ne3A_1153 : vector<16xi1>
      %jit3A_1155 = arith.constant 1 : i32
      %jit3A_1156 = arith.constant 0 : i32
      %broadcast_in_dim3A_1157 = vector.broadcast %jit3A_1155 : i32 to vector<16xi32>
      %broadcast_in_dim3A_1158 = vector.broadcast %jit3A_1156 : i32 to vector<16xi32>
      %select_n3A_1159 = arith.select %and3A_1154, %broadcast_in_dim3A_1157, %broadcast_in_dim3A_1158 : vector<16xi1>, vector<16xi32>
      %broadcast_in_dim3A_1160 = arith.constant true
      %broadcast_in_dim3A_1161 = vector.broadcast %broadcast_in_dim3A_1160 : i1 to vector<16xi1>
      %masked_cumsum3A_1162 = tpu.scan <sum>, %select_n3A_1159 masked %broadcast_in_dim3A_1161 : vector<16xi32>, vector<16xi1> -> vector<16xi32>
      %add3A_1163 = vector.broadcast %add3A_1143 : i32 to vector<16xi32>
      %add3A_1164 = arith.addi %masked_cumsum3A_1162, %add3A_1163 : vector<16xi32>
      %sub3A_1165 = arith.constant 1 : i32
      %sub3A_1166 = vector.broadcast %sub3A_1165 : i32 to vector<16xi32>
      %sub3A_1167 = arith.subi %add3A_1164, %sub3A_1166 : vector<16xi32>
      tpu.vector_store_idx %arg8[%sub3A_1167], %get3A_1145 masked %and3A_1154 : memref<256xi32, #tpu.memory_space<vmem>>[vector<16xi32>], vector<16xi32>, vector<16xi1>
      %reduce_sum3A_1168 = arith.constant true
      %reduce_sum3A_1169 = vector.broadcast %reduce_sum3A_1168 : i1 to vector<16xi1>
      %reduce_sum3A_1170 = tpu.scan <sum>, %select_n3A_1159 masked %reduce_sum3A_1169 : vector<16xi32>, vector<16xi1> -> vector<16xi32>
      %reduce_sum3A_1171 = vector.extract %reduce_sum3A_1170[15] : i32 from vector<16xi32>
      %add3A_1172 = arith.addi %add3A_1143, %reduce_sum3A_1171 : i32
      %get3A_1173 = arith.constant 112 : index
      %get3A_1174 = tpu.vector_load %arg6[%get3A_1173] {strides = array<i32>} : memref<256xi32, #tpu.memory_space<vmem>>, vector<16xi32>,
      %add3A_1175 = arith.constant 111 : i32
      %add3A_1176 = vector.broadcast %add3A_1175 : i32 to vector<16xi32>
      %add3A_1177 = arith.addi %iota3A, %add3A_1176 : vector<16xi32>
      %gather3A_1178 = tpu.vector_load_idx %arg6[%add3A_1177] : memref<256xi32, #tpu.memory_space<vmem>>[vector<16xi32>], vector<16xi32>,
      %ne3A_1179 = arith.cmpi ne, %get3A_1174, %gather3A_1178 : vector<16xi32>
      %ne3A_1180 = arith.constant 95 : i32
      %ne3A_1181 = vector.broadcast %ne3A_1180 : i32 to vector<16xi32>
      %ne3A_1182 = arith.cmpi ne, %get3A_1174, %ne3A_1181 : vector<16xi32>
      %and3A_1183 = arith.andi %ne3A_1179, %ne3A_1182 : vector<16xi1>
      %jit3A_1184 = arith.constant 1 : i32
      %jit3A_1185 = arith.constant 0 : i32
      %broadcast_in_dim3A_1186 = vector.broadcast %jit3A_1184 : i32 to vector<16xi32>
      %broadcast_in_dim3A_1187 = vector.broadcast %jit3A_1185 : i32 to vector<16xi32>
      %select_n3A_1188 = arith.select %and3A_1183, %broadcast_in_dim3A_1186, %broadcast_in_dim3A_1187 : vector<16xi1>, vector<16xi32>
      %broadcast_in_dim3A_1189 = arith.constant true
      %broadcast_in_dim3A_1190 = vector.broadcast %broadcast_in_dim3A_1189 : i1 to vector<16xi1>
      %masked_cumsum3A_1191 = tpu.scan <sum>, %select_n3A_1188 masked %broadcast_in_dim3A_1190 : vector<16xi32>, vector<16xi1> -> vector<16xi32>
      %add3A_1192 = vector.broadcast %add3A_1172 : i32 to vector<16xi32>
      %add3A_1193 = arith.addi %masked_cumsum3A_1191, %add3A_1192 : vector<16xi32>
      %sub3A_1194 = arith.constant 1 : i32
      %sub3A_1195 = vector.broadcast %sub3A_1194 : i32 to vector<16xi32>
      %sub3A_1196 = arith.subi %add3A_1193, %sub3A_1195 : vector<16xi32>
      tpu.vector_store_idx %arg8[%sub3A_1196], %get3A_1174 masked %and3A_1183 : memref<256xi32, #tpu.memory_space<vmem>>[vector<16xi32>], vector<16xi32>, vector<16xi1>
      %reduce_sum3A_1197 = arith.constant true
      %reduce_sum3A_1198 = vector.broadcast %reduce_sum3A_1197 : i1 to vector<16xi1>
      %reduce_sum3A_1199 = tpu.scan <sum>, %select_n3A_1188 masked %reduce_sum3A_1198 : vector<16xi32>, vector<16xi1> -> vector<16xi32>
      %reduce_sum3A_1200 = vector.extract %reduce_sum3A_1199[15] : i32 from vector<16xi32>
      %add3A_1201 = arith.addi %add3A_1172, %reduce_sum3A_1200 : i32
      %get3A_1202 = arith.constant 128 : index
      %get3A_1203 = tpu.vector_load %arg6[%get3A_1202] {strides = array<i32>} : memref<256xi32, #tpu.memory_space<vmem>>, vector<16xi32>,
      %add3A_1204 = arith.constant 127 : i32
      %add3A_1205 = vector.broadcast %add3A_1204 : i32 to vector<16xi32>
      %add3A_1206 = arith.addi %iota3A, %add3A_1205 : vector<16xi32>
      %gather3A_1207 = tpu.vector_load_idx %arg6[%add3A_1206] : memref<256xi32, #tpu.memory_space<vmem>>[vector<16xi32>], vector<16xi32>,
      %ne3A_1208 = arith.cmpi ne, %get3A_1203, %gather3A_1207 : vector<16xi32>
      %ne3A_1209 = arith.constant 95 : i32
      %ne3A_1210 = vector.broadcast %ne3A_1209 : i32 to vector<16xi32>
      %ne3A_1211 = arith.cmpi ne, %get3A_1203, %ne3A_1210 : vector<16xi32>
      %and3A_1212 = arith.andi %ne3A_1208, %ne3A_1211 : vector<16xi1>
      %jit3A_1213 = arith.constant 1 : i32
      %jit3A_1214 = arith.constant 0 : i32
      %broadcast_in_dim3A_1215 = vector.broadcast %jit3A_1213 : i32 to vector<16xi32>
      %broadcast_in_dim3A_1216 = vector.broadcast %jit3A_1214 : i32 to vector<16xi32>
      %select_n3A_1217 = arith.select %and3A_1212, %broadcast_in_dim3A_1215, %broadcast_in_dim3A_1216 : vector<16xi1>, vector<16xi32>
      %broadcast_in_dim3A_1218 = arith.constant true
      %broadcast_in_dim3A_1219 = vector.broadcast %broadcast_in_dim3A_1218 : i1 to vector<16xi1>
      %masked_cumsum3A_1220 = tpu.scan <sum>, %select_n3A_1217 masked %broadcast_in_dim3A_1219 : vector<16xi32>, vector<16xi1> -> vector<16xi32>
      %add3A_1221 = vector.broadcast %add3A_1201 : i32 to vector<16xi32>
      %add3A_1222 = arith.addi %masked_cumsum3A_1220, %add3A_1221 : vector<16xi32>
      %sub3A_1223 = arith.constant 1 : i32
      %sub3A_1224 = vector.broadcast %sub3A_1223 : i32 to vector<16xi32>
      %sub3A_1225 = arith.subi %add3A_1222, %sub3A_1224 : vector<16xi32>
      tpu.vector_store_idx %arg8[%sub3A_1225], %get3A_1203 masked %and3A_1212 : memref<256xi32, #tpu.memory_space<vmem>>[vector<16xi32>], vector<16xi32>, vector<16xi1>
      %reduce_sum3A_1226 = arith.constant true
      %reduce_sum3A_1227 = vector.broadcast %reduce_sum3A_1226 : i1 to vector<16xi1>
      %reduce_sum3A_1228 = tpu.scan <sum>, %select_n3A_1217 masked %reduce_sum3A_1227 : vector<16xi32>, vector<16xi1> -> vector<16xi32>
      %reduce_sum3A_1229 = vector.extract %reduce_sum3A_1228[15] : i32 from vector<16xi32>
      %add3A_1230 = arith.addi %add3A_1201, %reduce_sum3A_1229 : i32
      %get3A_1231 = arith.constant 144 : index
      %get3A_1232 = tpu.vector_load %arg6[%get3A_1231] {strides = array<i32>} : memref<256xi32, #tpu.memory_space<vmem>>, vector<16xi32>,
      %add3A_1233 = arith.constant 143 : i32
      %add3A_1234 = vector.broadcast %add3A_1233 : i32 to vector<16xi32>
      %add3A_1235 = arith.addi %iota3A, %add3A_1234 : vector<16xi32>
      %gather3A_1236 = tpu.vector_load_idx %arg6[%add3A_1235] : memref<256xi32, #tpu.memory_space<vmem>>[vector<16xi32>], vector<16xi32>,
      %ne3A_1237 = arith.cmpi ne, %get3A_1232, %gather3A_1236 : vector<16xi32>
      %ne3A_1238 = arith.constant 95 : i32
      %ne3A_1239 = vector.broadcast %ne3A_1238 : i32 to vector<16xi32>
      %ne3A_1240 = arith.cmpi ne, %get3A_1232, %ne3A_1239 : vector<16xi32>
      %and3A_1241 = arith.andi %ne3A_1237, %ne3A_1240 : vector<16xi1>
      %jit3A_1242 = arith.constant 1 : i32
      %jit3A_1243 = arith.constant 0 : i32
      %broadcast_in_dim3A_1244 = vector.broadcast %jit3A_1242 : i32 to vector<16xi32>
      %broadcast_in_dim3A_1245 = vector.broadcast %jit3A_1243 : i32 to vector<16xi32>
      %select_n3A_1246 = arith.select %and3A_1241, %broadcast_in_dim3A_1244, %broadcast_in_dim3A_1245 : vector<16xi1>, vector<16xi32>
      %broadcast_in_dim3A_1247 = arith.constant true
      %broadcast_in_dim3A_1248 = vector.broadcast %broadcast_in_dim3A_1247 : i1 to vector<16xi1>
      %masked_cumsum3A_1249 = tpu.scan <sum>, %select_n3A_1246 masked %broadcast_in_dim3A_1248 : vector<16xi32>, vector<16xi1> -> vector<16xi32>
      %add3A_1250 = vector.broadcast %add3A_1230 : i32 to vector<16xi32>
      %add3A_1251 = arith.addi %masked_cumsum3A_1249, %add3A_1250 : vector<16xi32>
      %sub3A_1252 = arith.constant 1 : i32
      %sub3A_1253 = vector.broadcast %sub3A_1252 : i32 to vector<16xi32>
      %sub3A_1254 = arith.subi %add3A_1251, %sub3A_1253 : vector<16xi32>
      tpu.vector_store_idx %arg8[%sub3A_1254], %get3A_1232 masked %and3A_1241 : memref<256xi32, #tpu.memory_space<vmem>>[vector<16xi32>], vector<16xi32>, vector<16xi1>
      %reduce_sum3A_1255 = arith.constant true
      %reduce_sum3A_1256 = vector.broadcast %reduce_sum3A_1255 : i1 to vector<16xi1>
      %reduce_sum3A_1257 = tpu.scan <sum>, %select_n3A_1246 masked %reduce_sum3A_1256 : vector<16xi32>, vector<16xi1> -> vector<16xi32>
      %reduce_sum3A_1258 = vector.extract %reduce_sum3A_1257[15] : i32 from vector<16xi32>
      %add3A_1259 = arith.addi %add3A_1230, %reduce_sum3A_1258 : i32
      %get3A_1260 = arith.constant 160 : index
      %get3A_1261 = tpu.vector_load %arg6[%get3A_1260] {strides = array<i32>} : memref<256xi32, #tpu.memory_space<vmem>>, vector<16xi32>,
      %add3A_1262 = arith.constant 159 : i32
      %add3A_1263 = vector.broadcast %add3A_1262 : i32 to vector<16xi32>
      %add3A_1264 = arith.addi %iota3A, %add3A_1263 : vector<16xi32>
      %gather3A_1265 = tpu.vector_load_idx %arg6[%add3A_1264] : memref<256xi32, #tpu.memory_space<vmem>>[vector<16xi32>], vector<16xi32>,
      %ne3A_1266 = arith.cmpi ne, %get3A_1261, %gather3A_1265 : vector<16xi32>
      %ne3A_1267 = arith.constant 95 : i32
      %ne3A_1268 = vector.broadcast %ne3A_1267 : i32 to vector<16xi32>
      %ne3A_1269 = arith.cmpi ne, %get3A_1261, %ne3A_1268 : vector<16xi32>
      %and3A_1270 = arith.andi %ne3A_1266, %ne3A_1269 : vector<16xi1>
      %jit3A_1271 = arith.constant 1 : i32
      %jit3A_1272 = arith.constant 0 : i32
      %broadcast_in_dim3A_1273 = vector.broadcast %jit3A_1271 : i32 to vector<16xi32>
      %broadcast_in_dim3A_1274 = vector.broadcast %jit3A_1272 : i32 to vector<16xi32>
      %select_n3A_1275 = arith.select %and3A_1270, %broadcast_in_dim3A_1273, %broadcast_in_dim3A_1274 : vector<16xi1>, vector<16xi32>
      %broadcast_in_dim3A_1276 = arith.constant true
      %broadcast_in_dim3A_1277 = vector.broadcast %broadcast_in_dim3A_1276 : i1 to vector<16xi1>
      %masked_cumsum3A_1278 = tpu.scan <sum>, %select_n3A_1275 masked %broadcast_in_dim3A_1277 : vector<16xi32>, vector<16xi1> -> vector<16xi32>
      %add3A_1279 = vector.broadcast %add3A_1259 : i32 to vector<16xi32>
      %add3A_1280 = arith.addi %masked_cumsum3A_1278, %add3A_1279 : vector<16xi32>
      %sub3A_1281 = arith.constant 1 : i32
      %sub3A_1282 = vector.broadcast %sub3A_1281 : i32 to vector<16xi32>
      %sub3A_1283 = arith.subi %add3A_1280, %sub3A_1282 : vector<16xi32>
      tpu.vector_store_idx %arg8[%sub3A_1283], %get3A_1261 masked %and3A_1270 : memref<256xi32, #tpu.memory_space<vmem>>[vector<16xi32>], vector<16xi32>, vector<16xi1>
      %reduce_sum3A_1284 = arith.constant true
      %reduce_sum3A_1285 = vector.broadcast %reduce_sum3A_1284 : i1 to vector<16xi1>
      %reduce_sum3A_1286 = tpu.scan <sum>, %select_n3A_1275 masked %reduce_sum3A_1285 : vector<16xi32>, vector<16xi1> -> vector<16xi32>
      %reduce_sum3A_1287 = vector.extract %reduce_sum3A_1286[15] : i32 from vector<16xi32>
      %add3A_1288 = arith.addi %add3A_1259, %reduce_sum3A_1287 : i32
      %get3A_1289 = arith.constant 176 : index
      %get3A_1290 = tpu.vector_load %arg6[%get3A_1289] {strides = array<i32>} : memref<256xi32, #tpu.memory_space<vmem>>, vector<16xi32>,
      %add3A_1291 = arith.constant 175 : i32
      %add3A_1292 = vector.broadcast %add3A_1291 : i32 to vector<16xi32>
      %add3A_1293 = arith.addi %iota3A, %add3A_1292 : vector<16xi32>
      %gather3A_1294 = tpu.vector_load_idx %arg6[%add3A_1293] : memref<256xi32, #tpu.memory_space<vmem>>[vector<16xi32>], vector<16xi32>,
      %ne3A_1295 = arith.cmpi ne, %get3A_1290, %gather3A_1294 : vector<16xi32>
      %ne3A_1296 = arith.constant 95 : i32
      %ne3A_1297 = vector.broadcast %ne3A_1296 : i32 to vector<16xi32>
      %ne3A_1298 = arith.cmpi ne, %get3A_1290, %ne3A_1297 : vector<16xi32>
      %and3A_1299 = arith.andi %ne3A_1295, %ne3A_1298 : vector<16xi1>
      %jit3A_1300 = arith.constant 1 : i32
      %jit3A_1301 = arith.constant 0 : i32
      %broadcast_in_dim3A_1302 = vector.broadcast %jit3A_1300 : i32 to vector<16xi32>
      %broadcast_in_dim3A_1303 = vector.broadcast %jit3A_1301 : i32 to vector<16xi32>
      %select_n3A_1304 = arith.select %and3A_1299, %broadcast_in_dim3A_1302, %broadcast_in_dim3A_1303 : vector<16xi1>, vector<16xi32>
      %broadcast_in_dim3A_1305 = arith.constant true
      %broadcast_in_dim3A_1306 = vector.broadcast %broadcast_in_dim3A_1305 : i1 to vector<16xi1>
      %masked_cumsum3A_1307 = tpu.scan <sum>, %select_n3A_1304 masked %broadcast_in_dim3A_1306 : vector<16xi32>, vector<16xi1> -> vector<16xi32>
      %add3A_1308 = vector.broadcast %add3A_1288 : i32 to vector<16xi32>
      %add3A_1309 = arith.addi %masked_cumsum3A_1307, %add3A_1308 : vector<16xi32>
      %sub3A_1310 = arith.constant 1 : i32
      %sub3A_1311 = vector.broadcast %sub3A_1310 : i32 to vector<16xi32>
      %sub3A_1312 = arith.subi %add3A_1309, %sub3A_1311 : vector<16xi32>
      tpu.vector_store_idx %arg8[%sub3A_1312], %get3A_1290 masked %and3A_1299 : memref<256xi32, #tpu.memory_space<vmem>>[vector<16xi32>], vector<16xi32>, vector<16xi1>
      %reduce_sum3A_1313 = arith.constant true
      %reduce_sum3A_1314 = vector.broadcast %reduce_sum3A_1313 : i1 to vector<16xi1>
      %reduce_sum3A_1315 = tpu.scan <sum>, %select_n3A_1304 masked %reduce_sum3A_1314 : vector<16xi32>, vector<16xi1> -> vector<16xi32>
      %reduce_sum3A_1316 = vector.extract %reduce_sum3A_1315[15] : i32 from vector<16xi32>
      %add3A_1317 = arith.addi %add3A_1288, %reduce_sum3A_1316 : i32
      %get3A_1318 = arith.constant 192 : index
      %get3A_1319 = tpu.vector_load %arg6[%get3A_1318] {strides = array<i32>} : memref<256xi32, #tpu.memory_space<vmem>>, vector<16xi32>,
      %add3A_1320 = arith.constant 191 : i32
      %add3A_1321 = vector.broadcast %add3A_1320 : i32 to vector<16xi32>
      %add3A_1322 = arith.addi %iota3A, %add3A_1321 : vector<16xi32>
      %gather3A_1323 = tpu.vector_load_idx %arg6[%add3A_1322] : memref<256xi32, #tpu.memory_space<vmem>>[vector<16xi32>], vector<16xi32>,
      %ne3A_1324 = arith.cmpi ne, %get3A_1319, %gather3A_1323 : vector<16xi32>
      %ne3A_1325 = arith.constant 95 : i32
      %ne3A_1326 = vector.broadcast %ne3A_1325 : i32 to vector<16xi32>
      %ne3A_1327 = arith.cmpi ne, %get3A_1319, %ne3A_1326 : vector<16xi32>
      %and3A_1328 = arith.andi %ne3A_1324, %ne3A_1327 : vector<16xi1>
      %jit3A_1329 = arith.constant 1 : i32
      %jit3A_1330 = arith.constant 0 : i32
      %broadcast_in_dim3A_1331 = vector.broadcast %jit3A_1329 : i32 to vector<16xi32>
      %broadcast_in_dim3A_1332 = vector.broadcast %jit3A_1330 : i32 to vector<16xi32>
      %select_n3A_1333 = arith.select %and3A_1328, %broadcast_in_dim3A_1331, %broadcast_in_dim3A_1332 : vector<16xi1>, vector<16xi32>
      %broadcast_in_dim3A_1334 = arith.constant true
      %broadcast_in_dim3A_1335 = vector.broadcast %broadcast_in_dim3A_1334 : i1 to vector<16xi1>
      %masked_cumsum3A_1336 = tpu.scan <sum>, %select_n3A_1333 masked %broadcast_in_dim3A_1335 : vector<16xi32>, vector<16xi1> -> vector<16xi32>
      %add3A_1337 = vector.broadcast %add3A_1317 : i32 to vector<16xi32>
      %add3A_1338 = arith.addi %masked_cumsum3A_1336, %add3A_1337 : vector<16xi32>
      %sub3A_1339 = arith.constant 1 : i32
      %sub3A_1340 = vector.broadcast %sub3A_1339 : i32 to vector<16xi32>
      %sub3A_1341 = arith.subi %add3A_1338, %sub3A_1340 : vector<16xi32>
      tpu.vector_store_idx %arg8[%sub3A_1341], %get3A_1319 masked %and3A_1328 : memref<256xi32, #tpu.memory_space<vmem>>[vector<16xi32>], vector<16xi32>, vector<16xi1>
      %reduce_sum3A_1342 = arith.constant true
      %reduce_sum3A_1343 = vector.broadcast %reduce_sum3A_1342 : i1 to vector<16xi1>
      %reduce_sum3A_1344 = tpu.scan <sum>, %select_n3A_1333 masked %reduce_sum3A_1343 : vector<16xi32>, vector<16xi1> -> vector<16xi32>
      %reduce_sum3A_1345 = vector.extract %reduce_sum3A_1344[15] : i32 from vector<16xi32>
      %add3A_1346 = arith.addi %add3A_1317, %reduce_sum3A_1345 : i32
      %get3A_1347 = arith.constant 208 : index
      %get3A_1348 = tpu.vector_load %arg6[%get3A_1347] {strides = array<i32>} : memref<256xi32, #tpu.memory_space<vmem>>, vector<16xi32>,
      %add3A_1349 = arith.constant 207 : i32
      %add3A_1350 = vector.broadcast %add3A_1349 : i32 to vector<16xi32>
      %add3A_1351 = arith.addi %iota3A, %add3A_1350 : vector<16xi32>
      %gather3A_1352 = tpu.vector_load_idx %arg6[%add3A_1351] : memref<256xi32, #tpu.memory_space<vmem>>[vector<16xi32>], vector<16xi32>,
      %ne3A_1353 = arith.cmpi ne, %get3A_1348, %gather3A_1352 : vector<16xi32>
      %ne3A_1354 = arith.constant 95 : i32
      %ne3A_1355 = vector.broadcast %ne3A_1354 : i32 to vector<16xi32>
      %ne3A_1356 = arith.cmpi ne, %get3A_1348, %ne3A_1355 : vector<16xi32>
      %and3A_1357 = arith.andi %ne3A_1353, %ne3A_1356 : vector<16xi1>
      %jit3A_1358 = arith.constant 1 : i32
      %jit3A_1359 = arith.constant 0 : i32
      %broadcast_in_dim3A_1360 = vector.broadcast %jit3A_1358 : i32 to vector<16xi32>
      %broadcast_in_dim3A_1361 = vector.broadcast %jit3A_1359 : i32 to vector<16xi32>
      %select_n3A_1362 = arith.select %and3A_1357, %broadcast_in_dim3A_1360, %broadcast_in_dim3A_1361 : vector<16xi1>, vector<16xi32>
      %broadcast_in_dim3A_1363 = arith.constant true
      %broadcast_in_dim3A_1364 = vector.broadcast %broadcast_in_dim3A_1363 : i1 to vector<16xi1>
      %masked_cumsum3A_1365 = tpu.scan <sum>, %select_n3A_1362 masked %broadcast_in_dim3A_1364 : vector<16xi32>, vector<16xi1> -> vector<16xi32>
      %add3A_1366 = vector.broadcast %add3A_1346 : i32 to vector<16xi32>
      %add3A_1367 = arith.addi %masked_cumsum3A_1365, %add3A_1366 : vector<16xi32>
      %sub3A_1368 = arith.constant 1 : i32
      %sub3A_1369 = vector.broadcast %sub3A_1368 : i32 to vector<16xi32>
      %sub3A_1370 = arith.subi %add3A_1367, %sub3A_1369 : vector<16xi32>
      tpu.vector_store_idx %arg8[%sub3A_1370], %get3A_1348 masked %and3A_1357 : memref<256xi32, #tpu.memory_space<vmem>>[vector<16xi32>], vector<16xi32>, vector<16xi1>
      %reduce_sum3A_1371 = arith.constant true
      %reduce_sum3A_1372 = vector.broadcast %reduce_sum3A_1371 : i1 to vector<16xi1>
      %reduce_sum3A_1373 = tpu.scan <sum>, %select_n3A_1362 masked %reduce_sum3A_1372 : vector<16xi32>, vector<16xi1> -> vector<16xi32>
      %reduce_sum3A_1374 = vector.extract %reduce_sum3A_1373[15] : i32 from vector<16xi32>
      %add3A_1375 = arith.addi %add3A_1346, %reduce_sum3A_1374 : i32
      %get3A_1376 = arith.constant 224 : index
      %get3A_1377 = tpu.vector_load %arg6[%get3A_1376] {strides = array<i32>} : memref<256xi32, #tpu.memory_space<vmem>>, vector<16xi32>,
      %add3A_1378 = arith.constant 223 : i32
      %add3A_1379 = vector.broadcast %add3A_1378 : i32 to vector<16xi32>
      %add3A_1380 = arith.addi %iota3A, %add3A_1379 : vector<16xi32>
      %gather3A_1381 = tpu.vector_load_idx %arg6[%add3A_1380] : memref<256xi32, #tpu.memory_space<vmem>>[vector<16xi32>], vector<16xi32>,
      %ne3A_1382 = arith.cmpi ne, %get3A_1377, %gather3A_1381 : vector<16xi32>
      %ne3A_1383 = arith.constant 95 : i32
      %ne3A_1384 = vector.broadcast %ne3A_1383 : i32 to vector<16xi32>
      %ne3A_1385 = arith.cmpi ne, %get3A_1377, %ne3A_1384 : vector<16xi32>
      %and3A_1386 = arith.andi %ne3A_1382, %ne3A_1385 : vector<16xi1>
      %jit3A_1387 = arith.constant 1 : i32
      %jit3A_1388 = arith.constant 0 : i32
      %broadcast_in_dim3A_1389 = vector.broadcast %jit3A_1387 : i32 to vector<16xi32>
      %broadcast_in_dim3A_1390 = vector.broadcast %jit3A_1388 : i32 to vector<16xi32>
      %select_n3A_1391 = arith.select %and3A_1386, %broadcast_in_dim3A_1389, %broadcast_in_dim3A_1390 : vector<16xi1>, vector<16xi32>
      %broadcast_in_dim3A_1392 = arith.constant true
      %broadcast_in_dim3A_1393 = vector.broadcast %broadcast_in_dim3A_1392 : i1 to vector<16xi1>
      %masked_cumsum3A_1394 = tpu.scan <sum>, %select_n3A_1391 masked %broadcast_in_dim3A_1393 : vector<16xi32>, vector<16xi1> -> vector<16xi32>
      %add3A_1395 = vector.broadcast %add3A_1375 : i32 to vector<16xi32>
      %add3A_1396 = arith.addi %masked_cumsum3A_1394, %add3A_1395 : vector<16xi32>
      %sub3A_1397 = arith.constant 1 : i32
      %sub3A_1398 = vector.broadcast %sub3A_1397 : i32 to vector<16xi32>
      %sub3A_1399 = arith.subi %add3A_1396, %sub3A_1398 : vector<16xi32>
      tpu.vector_store_idx %arg8[%sub3A_1399], %get3A_1377 masked %and3A_1386 : memref<256xi32, #tpu.memory_space<vmem>>[vector<16xi32>], vector<16xi32>, vector<16xi1>
      %reduce_sum3A_1400 = arith.constant true
      %reduce_sum3A_1401 = vector.broadcast %reduce_sum3A_1400 : i1 to vector<16xi1>
      %reduce_sum3A_1402 = tpu.scan <sum>, %select_n3A_1391 masked %reduce_sum3A_1401 : vector<16xi32>, vector<16xi1> -> vector<16xi32>
      %reduce_sum3A_1403 = vector.extract %reduce_sum3A_1402[15] : i32 from vector<16xi32>
      %add3A_1404 = arith.addi %add3A_1375, %reduce_sum3A_1403 : i32
      %get3A_1405 = arith.constant 240 : index
      %get3A_1406 = tpu.vector_load %arg6[%get3A_1405] {strides = array<i32>} : memref<256xi32, #tpu.memory_space<vmem>>, vector<16xi32>,
      %add3A_1407 = arith.constant 239 : i32
      %add3A_1408 = vector.broadcast %add3A_1407 : i32 to vector<16xi32>
      %add3A_1409 = arith.addi %iota3A, %add3A_1408 : vector<16xi32>
      %gather3A_1410 = tpu.vector_load_idx %arg6[%add3A_1409] : memref<256xi32, #tpu.memory_space<vmem>>[vector<16xi32>], vector<16xi32>,
      %ne3A_1411 = arith.cmpi ne, %get3A_1406, %gather3A_1410 : vector<16xi32>
      %ne3A_1412 = arith.constant 95 : i32
      %ne3A_1413 = vector.broadcast %ne3A_1412 : i32 to vector<16xi32>
      %ne3A_1414 = arith.cmpi ne, %get3A_1406, %ne3A_1413 : vector<16xi32>
      %and3A_1415 = arith.andi %ne3A_1411, %ne3A_1414 : vector<16xi1>
      %jit3A_1416 = arith.constant 1 : i32
      %jit3A_1417 = arith.constant 0 : i32
      %broadcast_in_dim3A_1418 = vector.broadcast %jit3A_1416 : i32 to vector<16xi32>
      %broadcast_in_dim3A_1419 = vector.broadcast %jit3A_1417 : i32 to vector<16xi32>
      %select_n3A_1420 = arith.select %and3A_1415, %broadcast_in_dim3A_1418, %broadcast_in_dim3A_1419 : vector<16xi1>, vector<16xi32>
      %broadcast_in_dim3A_1421 = arith.constant true
      %broadcast_in_dim3A_1422 = vector.broadcast %broadcast_in_dim3A_1421 : i1 to vector<16xi1>
      %masked_cumsum3A_1423 = tpu.scan <sum>, %select_n3A_1420 masked %broadcast_in_dim3A_1422 : vector<16xi32>, vector<16xi1> -> vector<16xi32>
      %add3A_1424 = vector.broadcast %add3A_1404 : i32 to vector<16xi32>
      %add3A_1425 = arith.addi %masked_cumsum3A_1423, %add3A_1424 : vector<16xi32>
      %sub3A_1426 = arith.constant 1 : i32
      %sub3A_1427 = vector.broadcast %sub3A_1426 : i32 to vector<16xi32>
      %sub3A_1428 = arith.subi %add3A_1425, %sub3A_1427 : vector<16xi32>
      tpu.vector_store_idx %arg8[%sub3A_1428], %get3A_1406 masked %and3A_1415 : memref<256xi32, #tpu.memory_space<vmem>>[vector<16xi32>], vector<16xi32>, vector<16xi1>
      %reduce_sum3A_1429 = arith.constant true
      %reduce_sum3A_1430 = vector.broadcast %reduce_sum3A_1429 : i1 to vector<16xi1>
      %reduce_sum3A_1431 = tpu.scan <sum>, %select_n3A_1420 masked %reduce_sum3A_1430 : vector<16xi32>, vector<16xi1> -> vector<16xi32>
      %reduce_sum3A_1432 = vector.extract %reduce_sum3A_1431[15] : i32 from vector<16xi32>
      %add3A_1433 = arith.addi %add3A_1404, %reduce_sum3A_1432 : i32
      %exp3A = math.exp %scan3A_881#0 : vector<16xf32>
      %swap3A_1434 = arith.constant 0 : index
      %swap3A_1435 = tpu.vector_load %arg9[%swap3A_1434] {strides = array<i32>} : memref<16xf32, #tpu.memory_space<vmem>>, vector<16xf32>,
      tpu.vector_store %arg9[%swap3A_1434], %exp3A {strides = array<i32>} : memref<16xf32, #tpu.memory_space<vmem>>, vector<16xf32>,
      %mul3A_1436 = arith.constant 256 : i32
      %mul3A_1437 = arith.muli %add3A, %mul3A_1436 : i32
      "tpu.region"() ({
        %run_scoped3A = tpu.sem_alloc : memref<!tpu.dma_semaphore, #tpu.memory_space<semaphore_mem>>
        %dma_start3A = tpu.memref_slice %arg3[%mul3A_1437] : memref<4096xi32, #tpu.memory_space<hbm>> -> memref<256xi32, #tpu.memory_space<hbm>>
        %dma_start3A_1440 = tpu.memref_slice %arg3[%mul3A_1437] : memref<4096xi32, #tpu.memory_space<hbm>> -> memref<256xi32, #tpu.memory_space<hbm>>
        tpu.enqueue_dma source(%arg8 : memref<256xi32, #tpu.memory_space<vmem>>) target(%dma_start3A_1440 : memref<256xi32, #tpu.memory_space<hbm>>) target_semaphore(%run_scoped3A : memref<!tpu.dma_semaphore, #tpu.memory_space<semaphore_mem>>)
        %dma_wait3A = tpu.memref_slice %arg3[%mul3A_1437] : memref<4096xi32, #tpu.memory_space<hbm>> -> memref<256xi32, #tpu.memory_space<hbm>>
        %dma_wait3A_1441 = tpu.memref_slice %arg3[%mul3A_1437] : memref<4096xi32, #tpu.memory_space<hbm>> -> memref<256xi32, #tpu.memory_space<hbm>>
        tpu.wait_dma2 semaphore(%run_scoped3A : memref<!tpu.dma_semaphore, #tpu.memory_space<semaphore_mem>>) src(%arg8 : memref<256xi32, #tpu.memory_space<vmem>>) dst(%dma_wait3A_1441 : memref<256xi32, #tpu.memory_space<hbm>>)
        tpu.yield
      }) : () -> ()
      %mul3A_1438 = arith.constant 16 : i32
      %mul3A_1439 = arith.muli %add3A, %mul3A_1438 : i32
      "tpu.region"() ({
        %run_scoped3A = tpu.sem_alloc : memref<!tpu.dma_semaphore, #tpu.memory_space<semaphore_mem>>
        %dma_start3A = tpu.memref_slice %arg4[%mul3A_1439] : memref<256xf32, #tpu.memory_space<hbm>> -> memref<16xf32, #tpu.memory_space<hbm>>
        %dma_start3A_1440 = tpu.memref_slice %arg4[%mul3A_1439] : memref<256xf32, #tpu.memory_space<hbm>> -> memref<16xf32, #tpu.memory_space<hbm>>
        tpu.enqueue_dma source(%arg9 : memref<16xf32, #tpu.memory_space<vmem>>) target(%dma_start3A_1440 : memref<16xf32, #tpu.memory_space<hbm>>) target_semaphore(%run_scoped3A : memref<!tpu.dma_semaphore, #tpu.memory_space<semaphore_mem>>)
        %dma_wait3A = tpu.memref_slice %arg4[%mul3A_1439] : memref<256xf32, #tpu.memory_space<hbm>> -> memref<16xf32, #tpu.memory_space<hbm>>
        %dma_wait3A_1441 = tpu.memref_slice %arg4[%mul3A_1439] : memref<256xf32, #tpu.memory_space<hbm>> -> memref<16xf32, #tpu.memory_space<hbm>>
        tpu.wait_dma2 semaphore(%run_scoped3A : memref<!tpu.dma_semaphore, #tpu.memory_space<semaphore_mem>>) src(%arg9 : memref<16xf32, #tpu.memory_space<vmem>>) dst(%dma_wait3A_1441 : memref<16xf32, #tpu.memory_space<hbm>>)
        tpu.yield
      }) : () -> ()
    } else {
    }
    return
  }
}

module attributes {stable_mosaic.version = 14 : i64} {
  func.func @_ls_body(%arg0: i32, %arg1: memref<2048x96xf32, #tpu.memory_space<vmem>>, %arg2: memref<2048x128xf32, #tpu.memory_space<vmem>>) attributes {dimension_semantics = [#tpu.dimension_semantics<arbitrary>], iteration_bounds = array<i64: 2>, scalar_prefetch = 0 : i64, scratch_operands = 0 : i64, tpu.core_type = #tpu.core_type<tc>, window_params = [{transform_indices = @transform_0, window_bounds = array<i64: 2048, 96>}, {transform_indices = @transform_1, window_bounds = array<i64: 2048, 128>}]} {
    %get3A = arith.constant 0 : index
    %get3A_0 = arith.constant 0 : index
    %get3A_1 = vector.load %arg1[%get3A, %get3A_0] : memref<2048x96xf32, #tpu.memory_space<vmem>>, vector<2048x96xf32>
    %reduce_max3A = arith.constant dense<0xFF800000> : vector<2048xf32>
    %reduce_max3A_2 = vector.multi_reduction <maximumf>, %get3A_1, %reduce_max3A [1] : vector<2048x96xf32> to vector<2048xf32>
    %broadcast_in_dim3A = vector.shape_cast %reduce_max3A_2 : vector<2048xf32> to vector<2048x1xf32>
    %sub3A = vector.broadcast %broadcast_in_dim3A : vector<2048x1xf32> to vector<2048x96xf32>
    %sub3A_3 = arith.subf %get3A_1, %sub3A : vector<2048x96xf32>
    %exp3A = math.exp %sub3A_3 : vector<2048x96xf32>
    %reduce_sum3A = arith.constant dense<0.000000e+00> : vector<2048xf32>
    %reduce_sum3A_4 = vector.multi_reduction <add>, %exp3A, %reduce_sum3A [1] : vector<2048x96xf32> to vector<2048xf32>
    %broadcast_in_dim3A_5 = vector.shape_cast %reduce_sum3A_4 : vector<2048xf32> to vector<2048x1xf32>
    %log3A = math.log %broadcast_in_dim3A_5 : vector<2048x1xf32>
    %sub3A_6 = vector.broadcast %log3A : vector<2048x1xf32> to vector<2048x96xf32>
    %sub3A_7 = arith.subf %sub3A_3, %sub3A_6 : vector<2048x96xf32>
    %jit3A = arith.constant 0 : i32
    %convert_element_type3A = arith.sitofp %jit3A : i32 to f32
    %pad3A = vector.broadcast %convert_element_type3A : f32 to vector<2048x32xf32>
    %pad3A_8 = tpu.concatenate %sub3A_7, %pad3A in 1 : vector<2048x96xf32>, vector<2048x32xf32> -> vector<2048x128xf32>
    %swap3A = arith.constant 0 : index
    %swap3A_9 = arith.constant 0 : index
    %swap3A_10 = vector.load %arg2[%swap3A, %swap3A_9] : memref<2048x128xf32, #tpu.memory_space<vmem>>, vector<2048x128xf32>
    tpu.vector_store %arg2[%swap3A, %swap3A_9], %pad3A_8 {strides = array<i32>} : memref<2048x128xf32, #tpu.memory_space<vmem>>, vector<2048x128xf32>,
    return
  }
  func.func @transform_0(%arg0: i32) -> (i32, i32) {
    %c0_i32 = arith.constant 0 : i32
    %c0_i32_0 = arith.constant 0 : i32
    return %arg0, %c0_i32 : i32, i32
  }
  func.func @transform_1(%arg0: i32) -> (i32, i32) {
    %c0_i32 = arith.constant 0 : i32
    %c0_i32_0 = arith.constant 0 : i32
    return %arg0, %c0_i32 : i32, i32
  }
}

</mosaic_0001>

<sc_bundles>
// kernel: kernel.4.cloned.1.call-start
scs
__scs_entry_jumppad:
0x0: {  	(pc) =	sbr.rel $0x88, $3  }
0x1: {  	(tag) =	ssettag $0x0;
	lr =	simm.s32 $0x1  }
0x2: {  	[smem:$0x3FA0] =	sst lr;
	_ =	strace $0xD0000000  }
0x3: {  	_ = 	snop  }
0x4: {  	_ = 	snop  }
0x5: {  	_ = 	snop  }
0x6: {  	_ = 	snop  }
0x7: {  	_ = 	snop  }
__scs_overlays_trampoline_lowered:
0x8: {  	[smem:$0x3FAF] =	sst s0  }
0x9: {  	[smem:$0x3FB0] =	sst s1  }
0xa: {  	[smem:$0x3FB1] =	sst s2  }
0xb: {  	[smem:$0x3FB2] =	sst s3  }
0xc: {  	[smem:$0x3FB3] =	sst s4  }
0xd: {  	[smem:$0x3FB4] =	sst s5  }
0xe: {  	[smem:$0x3FB5] =	sst s6  }
0xf: {  	[smem:$0x3FB6] =	sst s7  }
0x10: {  	[smem:$0x3FB7] =	sst s8  }
0x11: {  	[smem:$0x3FB8] =	sst s9;
	s0 =	simm.s32 @!p0 $0x0  }
0x12: {  	s1 =	sld [smem:$0x3F9E];
	s0 =	simm.s32 @p0 $0x1  }
0x13: {  	[smem:$0x3FB9] =	sst s0;
	s0 =	simm.s32 @!p1 $0x0  }
0x14: {  	s2 =	sld [smem:$0x3F9D];
	s0 =	simm.s32 @p1 $0x1  }
0x15: {  	[smem:$0x3FBA] =	sst s0;
	s0 =	simm.s32 @!p2 $0x0  }
0x16: {  	s3 =	sld [smem:$0x3FDB];
	s0 =	simm.s32 @p2 $0x1  }
0x17: {  	s4 =	simm.s32 $0x1BF5;
	[smem:$0x3FBC] =	sst s0  }
0x18: {  	s0 =	sld [smem:$0x3F9F];
	_ =	swait.ge [sflag:s4], $0x0  }
0x19: {  	s7 =	sld [smem:$0x3FA0]  }
0x1a: {  	s8 =	sadd.s32 $0xFFFFE003, lr  }
0x1b: {  	s9 =	sadd.s32 $0xFFFFFEF7, lr;
	s5 =	simm.s32 $0xFFFFFFFF;
	p2 =	slt.u32 s8, $0xFFFFF086  }
0x1c: {  	p1 =	slt.u32 s9, $0xF7A;
	s5 =	simm.s32 @!p2 $0x0  }
0x1d: {  	s5 =	simm.s32 @p1 $0x1;
	p0 =	seq.s32 s7, s2  }
0x1e: {  	s7 =	smul.u32 @!p0 $0xF7A, s2;
	p2 =	seq.s32 @!p0 s5, $0x0  }
0x1f: {  	s9 =	smul.u32 $0xF7A, s1;
	s8 =	simm.s32 @!p0 $0x1BF5;
	p2 =	por !p2, p0  }
0x20: {  	[sflag:s8] =	ssyncset.s32 @!p0 $0xFFFFF086;
	s6 =	sadd.s32 @!p0 s3, s7;
	s7 =	simm.s32 @!p0 $0x108  }
0x21: {  	s3 =	sadd.s32 s3, s9;
	s6 =	sadd.s32 @!p0 $0x88, s6;
	s7 =	simm.s32 @p2 $0x1082  }
0x22: {  	[simem:s7], [sflag:s8] =	dma.local @!p0 [hbm:s6], $0xF7A  }
0x23: {  	s9 =	sor.u32 $0xD0000000, s2;
	s6 =	simm.s32 $0x108;
	_ =	swait.ge @!p0 [sflag:s8], $0x0  }
0x24: {  	s3 =	sadd.s32 $0x88, s3;
	s6 =	simm.s32 @!p1 $0x1082;
	[sflag:s4] =	ssyncset.s32 $0xFFFFF086  }
0x25: {  	[simem:s6], [sflag:s4] =	dma.local [hbm:s3], $0xF7A  }
0x26: {  	[smem:$0x3FA0] =	sst s1;
	(tag) =	ssettag s2;
	_ =	strace s9  }
0x27: {  	s1 =	sld [smem:$0x3FB0]  }
0x28: {  	s2 =	sld [smem:$0x3FB1]  }
0x29: {  	s4 =	sld [smem:$0x3FB3]  }
0x2a: {  	p0 =	seq.s32 s5, $0x0;
	s5 =	sld [smem:$0x3FB4]  }
0x2b: {  	s6 =	sld [smem:$0x3FB5]  }
0x2c: {  	s7 =	sld [smem:$0x3FB6]  }
0x2d: {  	s3 =	simm.s32 $0x108;
	s8 =	sld [smem:$0x3FB7]  }
0x2e: {  	s3 =	simm.s32 @!p0 $0x1082;
	s9 =	sld [smem:$0x3FB8]  }
0x2f: {  	lr =	sadd.s32 s0, s3;
	s0 =	sld [smem:$0x3FAF]  }
0x30: {  	s3 =	sld [smem:$0x3FB2]  }
0x31: {  	[smem:$0x3FBB] =	sst s10  }
0x32: {  	s10 =	sld [smem:$0x3FB9];
	_ =	sdelay $0x3  }
0x33: {  	p0 =	seq.s32 s10, $0x1;
	s10 =	sld [smem:$0x3FBB];
	_ =	sdelay $0x3  }
0x34: {  	[smem:$0x3FBB] =	sst s10  }
0x35: {  	s10 =	sld [smem:$0x3FBA];
	_ =	sdelay $0x3  }
0x36: {  	p1 =	seq.s32 s10, $0x1;
	s10 =	sld [smem:$0x3FBB];
	_ =	sdelay $0x3  }
0x37: {  	[smem:$0x3FBB] =	sst s10  }
0x38: {  	s10 =	sld [smem:$0x3FBC]  }
0x39: {  	_ = 	snop;
	(pc) =	sbr.ind lr, $3  }
0x3a: {  	_ = 	snop  }
0x3b: {  	_ = 	snop  }
0x3c: {  	p2 =	seq.s32 s10, $0x1;
	s10 =	sld [smem:$0x3FBB]  }
0x3d: {  	_ =	shalt  }
0x3e: {  	_ =	shalt  }
0x3f: {  	_ =	shalt  }
0x40: {  	_ =	shalt  }
0x41: {  	_ =	shalt  }
0x42: {  	_ =	shalt  }
0x43: {  	_ =	shalt  }
0x44: {  	_ =	shalt  }
0x45: {  	_ =	shalt  }
0x46: {  	_ =	shalt  }
0x47: {  	_ =	shalt  }
0x48: {  	_ =	shalt  }
0x49: {  	_ =	shalt  }
0x4a: {  	_ =	shalt  }
0x4b: {  	_ =	shalt  }
0x4c: {  	_ =	shalt  }
0x4d: {  	_ =	shalt  }
0x4e: {  	_ =	shalt  }
0x4f: {  	_ =	shalt  }
0x50: {  	_ =	shalt  }
0x51: {  	_ =	shalt  }
0x52: {  	_ =	shalt  }
0x53: {  	_ =	shalt  }
0x54: {  	_ =	shalt  }
0x55: {  	_ =	shalt  }
0x56: {  	_ =	shalt  }
0x57: {  	_ =	shalt  }
0x58: {  	_ =	shalt  }
0x59: {  	_ =	shalt  }
0x5a: {  	_ =	shalt  }
0x5b: {  	_ =	shalt  }
0x5c: {  	_ =	shalt  }
0x5d: {  	_ =	shalt  }
0x5e: {  	_ =	shalt  }
0x5f: {  	_ =	shalt  }
0x60: {  	_ =	shalt  }
0x61: {  	_ =	shalt  }
0x62: {  	_ =	shalt  }
0x63: {  	_ =	shalt  }
0x64: {  	_ =	shalt  }
0x65: {  	_ =	shalt  }
0x66: {  	_ =	shalt  }
0x67: {  	_ =	shalt  }
0x68: {  	_ =	shalt  }
0x69: {  	_ =	shalt  }
0x6a: {  	_ =	shalt  }
0x6b: {  	_ =	shalt  }
0x6c: {  	_ =	shalt  }
0x6d: {  	_ =	shalt  }
0x6e: {  	_ =	shalt  }
0x6f: {  	_ =	shalt  }
0x70: {  	_ =	shalt  }
0x71: {  	_ =	shalt  }
0x72: {  	_ =	shalt  }
0x73: {  	_ =	shalt  }
0x74: {  	_ =	shalt  }
0x75: {  	_ =	shalt  }
0x76: {  	_ =	shalt  }
0x77: {  	_ =	shalt  }
0x78: {  	_ =	shalt  }
0x79: {  	_ =	shalt  }
0x7a: {  	_ =	shalt  }
0x7b: {  	_ =	shalt  }
0x7c: {  	_ =	shalt  }
0x7d: {  	_ =	shalt  }
0x7e: {  	_ =	shalt  }
0x7f: {  	_ =	shalt  }
0x80: {  	_ =	shalt  }
0x81: {  	_ =	shalt  }
0x82: {  	_ =	shalt  }
0x83: {  	_ =	shalt  }
0x84: {  	_ =	shalt  }
0x85: {  	_ =	shalt  }
0x86: {  	_ =	shalt  }
0x87: {  	_ =	shalt  }
.Lfunc_end0:
.L_simem_size_0:
called_computation_lowered:
.L_overlay_start_0:
0x88: {  	s2 =	sld [smem:$0x3FD9]  }
0x89: {  	s3 =	sld [smem:$0x3FFE];
	_ =	sdelay $0x1  }
0x8a: {  	s1 =	srdreg.scid  }
0x8b: {  	s0 =	sand.u32 $0x1, s1  }
0x8c: {  	s14 =	sshll.u32 s0, $0xA;
	s2 =	sadd.s32 s3, s2  }
0x8d: {  	s2 =	sadd.s32 s2, s14  }
0x8e: {  	[smem:$0x3FC7] =	sst s2  }
0x8f: {  	_ = 	snop  }
0x90: {  	s2 =	sld [smem:$0x3FD0];
	_ =	sdelay $0x2  }
0x91: {  	s15 =	simm.s32 $0xA;
	s4 =	simm.s32 $0x10  }
0x92: {  	[smem:s4], [sflag:s15] =	dma.local [hbm:s2], $0x1  }
0x93: {  	_ =	swait.eq [sflag:s15], $0x1  }
0x94: {  	[sflag:s15] =	ssyncset.done $0x0  }
0x95: {  	[sflag:s15] =	ssyncadd.s32 $0xFFFFFFFF  }
0x96: {  	s16 =	sld [smem:$0x10];
	(tm) =	ssettm $0x1  }
0x97: {  	s17 =	sld [smem:$0x3FFB];
	_ =	sdelay $0x3  }
0x98: {  	_ =	strace s17  }
0x99: {  	s3 =	sld [smem:$0x3FFC];
	_ =	sdelay $0x3  }
0x9a: {  	_ =	strace s3  }
0x9b: {  	s3 =	sld [smem:$0x3FFD];
	_ =	sdelay $0x3  }
0x9c: {  	_ =	strace s3  }
0x9d: {  	_ =	strace $0x8FFFFFFF  }
0x9e: {  	s18 =	sld [smem:$0x3FDB];
	_ =	sdelay $0x1  }
0x9f: {  	s19 =	simm.s32 $_scs_section_size  }
0xa0: {  	s5 =	simm.s32 $_size__tile_overlayer_lowered;
	s6 =	simm.s32 $_tile_overlayer_lowered  }
0xa1: {  	s22 =	simm.s32 $0x1BFF;
	s21 =	sshll.u32 s6, $0x1;
	s3 =	sadd.s32 s19, s18  }
0xa2: {  	s7 =	simm.s32 $0x0;
	s20 =	sshll.u32 s5, $0x1;
	s5 =	sadd.s32 s21, s3  }
0xa3: {  	[timem:s7], [sflag:s22] =	dma.local [hbm:s5], s20  }
0xa4: {  	_ =	swait.ge [sflag:s22], s20  }
0xa5: {  	s4 =	ssub.s32 $0x0, s20;
	[sflag:s22] =	ssyncset.done $0x0  }
0xa6: {  	[sflag:s22] =	ssyncadd.s32 s4;
	_ =	sdelay $0x1  }
0xa7: {  	s23 =	simm.s32 $0x1B8B  }
0xa8: {  	_ =	swait.ge [sflag:s23], $0x1  }
0xa9: {  	[sflag:s23] =	ssyncset.done $0x0  }
0xaa: {  	s25 =	simm.s32 $0x1B8E;
	s24 =	sld [smem:$0x3FFE];
	[sflag:s23] =	ssyncadd.s32 $0xFFFFFFFF  }
0xab: {  	s26 =	simm.s32 $execute0_lowered;
	[smem:$0x3FD2] =	sst s25  }
0xac: {  	s5 =	sshll.u32 s26, $0x1;
	_ =	strace $0x80000046;
	[dreg:$0x1] =	wrdreg $0xFFFFFFFF  }
0xad: {  	s28 =	simm.s32 $_size_execute0_lowered;
	s3 =	sadd.s32 s3, s5;
	[dreg:$0x0] =	wrdreg $0x0  }
0xae: {  	s5 =	sshll.u32 s28, $0x1;
	[dreg:$0x2] =	wrdreg s3  }
0xaf: {  	[dreg:$0x3] =	wrdreg s5  }
0xb0: {  	[dreg:$0x4] =	wrdreg $0xC0  }
0xb1: {  	_ =	task [dreg:s7], $0x5FFFF  }
0xb2: {  	[dreg:$0x1] =	wrdreg $0xFFFFFFFF  }
0xb3: {  	[dreg:$0x0] =	wrdreg $0x60  }
0xb4: {  	[dreg:$0x2] =	wrdreg s24  }
0xb5: {  	[dreg:$0x3] =	wrdreg s16  }
0xb6: {  	[dreg:$0x4] =	wrdreg $0x9  }
0xb7: {  	_ =	task.clear_ibuf [dreg:s7], $0x5FFFF;
	_ =	strace $0x90000046  }
0xb8: {  	s29 =	simm.s32 $0x9;
	_ =	strace $0x80000048  }
0xb9: {  	_ =	swait.ge [sflag:s29], $0x1  }
0xba: {  	[sflag:s29] =	ssyncadd.s32 $0xFFFFFFFF  }
0xbb: {  	_ =	strace $0x90000048  }
0xbc: {  	_ =	sfence  }
0xbd: {  	s30 =	sld [smem:$0x0];
	_ =	sdelay $0x2  }
0xbe: {  	s31 =	sshll.u32 s1, $0xD;
	s1 =	sshrl.u32 s1, $0x2  }
0xbf: {  	s3 =	sand.u32 $0x4000, s31;
	s1 =	sadd.s32 s1, s30  }
0xc0: {  	s0 =	sor.u32 s3, s0;
	s1 =	sshll.u32 s1, $0x11  }
0xc1: {  	s0 =	sor.u32 s1, s0  }
0xc2: {  	s0 =	sadd.s32 $0x8F2B, s0  }
0xc3: {  	[sflag:s0] =	ssyncadd.remote.s32 $0x1  }
0xc4: {  	_ =	sfence.sel $0xFFFF  }
0xc5: {  	[dreg:$0x0] =	wrdreg $0xFFFFFFFF;
	(pc) =	sbr.abs _section_cstart, $3  }
0xc6: {  	[dreg:$0x1] =	wrdreg $0xFFFFFFFF  }
0xc7: {  	_ =	task.clear_ibuf [dreg:s7], $0x2FFFF;
	_ =	strace $0x9FFFFFFF  }
0xc8: {  	(tm) =	ssettm $0x7FFFFFFF  }
0xc9: {  	_ =	shalt  }
tec
execute0_lowered:
.L_overlay_start_1:
0x0: {  	(tag) =	ssettag $0x1  }
0x1: {  	s1 =	stileid.u32  }
0x2: {  	p0 =	sgt.u32 s1, $0x7  }
.Ltmp0:
0x3: {  	_ = 	snop;
	(pc) =	sbr.rel @p0 .LBB2_7-.Ltmp0, $4  }
0x4: {  	s4 =	rddreg [dreg:$0x0]  }
0x5: {  	s3 =	rddreg [dreg:$0x1];
	s2 =	simm.s32 $0x0  }
0x6: {  	[smem:$0x7FF] =	sst s2  }
0x7: {  	s0 =	rddreg [dreg:$0x2];
	_ =	strace $0x80000047  }
0x8: {  	v0 =	vimm.s32 $0xEDCBA987  }
0x9: {  	v1 =	vimm.s32 $0x65432100;
	vm0 =	vcmask $0x3F04;
	v9 =	vimm.s32 $0xB  }
0xa: {  	v10 =	vimm.s32 $0x1;
	v11 =	vimm.s32 $0x2;
	v12 =	vimm.s32 $0x3  }
0xb: {  	v13 =	vimm.s32 $0x4;
	v14 =	vimm.s32 $0x5;
	v15 =	vimm.s32 $0x6  }
0xc: {  	s5 =	srdreg.scid;
	v16 =	vimm.s32 $0x7;
	v17 =	vimm.s32 $0x8;
	v0 =	vunpack.c.l.s4.s8 v0  }
0xd: {  	s7 =	sadd.s32 $0xA00, s4;
	v18 =	vimm.s32 $0x9;
	v19 =	vimm.s32 $0xA;
	s10 =	simm.s32 $0x9100;
	v1 =	vunpack.c.l.s4.s8 v1;
	s5 =	sand.u32 $0x1, s5  }
0xe: {  	v20 =	vimm.s32 $0xC;
	v21 =	vimm.s32 $0xD;
	s11 =	simm.s32 $0x9200;
	s6 =	sshll.u32 s5, $0x3;
	s5 =	ssub.s32 $0x2, s5;
	v0 =	vunpack.c.0.s8.s32 v0  }
0xf: {  	v22 =	vimm.s32 $0xE;
	v23 =	vimm.s32 $0xF;
	s12 =	simm.s32 $0x0;
	v1 =	vunpack.c.0.s8.s32 v1;
	s6 =	sadd.s32 s1, s6;
	s9 =	sshrl.u32 s5, $0x1  }
0x10: {  	v24 =	vimm.s32 $0xFFFFFFFF;
	s8 =	sshll.u32 s6, $0x1;
	s29 =	sshll.u32 s6, $0x5;
	s30 =	ssub.s32 s5, s9;
	v2 =	vand.u32 $0xF, v0;
	v0 =	vlaneseq.u32  }
0x11: {  	s31 =	sshll.u32 s6, $0xC;
	s9 =	simm.s32 $0x8000;
	s28 =	sadd.s32 s8, s4;
	v1 =	vcombine.low v1, v2;
	v2 =	vimm.s32 $0x0;
	v8 =	vmul.u32 $0xFFFFFFFF, v0  }
0x12: {  	s3 =	sadd.s32 s3, s29;
	s5 =	sadd.s32 s7, s31;
	s6 =	smax.u32 s30, $0x1;
	v3 =	vor.u32 $0x10, v0;
	v4 =	vor.u32 $0x20, v0;
	v5 =	vor.u32 $0x30, v0  }
0x13: {  	s7 =	simm.s32 $0x1;
	s8 =	simm.s32 $0x8100;
	v6 =	vor.u32 $0x40, v0;
	v7 =	vor.u32 $0x50, v0;
	s4 =	sadd.s32 $0x10A00, s28;
	v8 =	vadd.s32 $0xF, v8  }
.LBB2_2:
0x14: {  	[tilespmem:s2], [sflag:$0x1] =	stream.linear.gather [hbm4b:s5+s2], $0x8000, $0x38;
	[tilespmem:$0x9280] =	vst v63  }
0x15: {  	_ =	swait.ge [sflag:s7], $0x8000  }
0x16: {  	[sflag:s7] =	ssyncset.done $0x0  }
0x17: {  	[sflag:s7] =	ssyncadd.s32 $0xFFFF8000  }
0x18: {  	v25 =	vld [tilespmem:$0x0];
	_ =	sdelay $0x4  }
0x19: {  	(xrf1) =	vsort.dscd.msk.f32 $0xffff, v25, v0;
	_ =	sdelay $0xd  }
0x1a: {  	v25, v26, _ =	vpop (xrf1)  }
0x1b: {  	v27 =	vperm.xlane v25, v1;
	_ =	sdelay $0x1  }
0x1c: {  	vm1 =	vgt.f32 v27, v25  }
0x1d: {  	vm1 =	vmand vm1, vm0  }
0x1e: {  	v27 =	vsel vm1, $0x1, v2  }
0x1f: {  	(xrf0) =	vadd.scan.msk.s32 $0xffff, v27;
	_ =	sdelay $0x5  }
0x20: {  	v27 =	vld [tilespmem:$0x10];
	v28, _, _ =	vpop (xrf0)  }
0x21: {  	v28 =	vshll.u32 v28, $0xB  }
0x22: {  	v28 =	vor.u32 v26, v28  }
0x23: {  	v28 =	vxor.u32 $0x80000000, v28  }
0x24: {  	(xrf1) =	vsort.ascd.msk.u32 $0xffff, v28, v26  }
0x25: {  	(xrf1) =	vsort.ascd.msk.f32 $0xffff, v27, v3;
	_ =	sdelay $0xc  }
0x26: {  	_, v26, _ =	vpop (xrf1)  }
0x27: {  	v27, v28, _ =	vpop (xrf1)  }
0x28: {  	v29 =	vperm.xlane v27, v1;
	_ =	sdelay $0x1  }
0x29: {  	vm1 =	vlt.f32 v29, v27  }
0x2a: {  	vm1 =	vmand vm1, vm0  }
0x2b: {  	v29 =	vsel vm1, $0x1, v2  }
0x2c: {  	(xrf0) =	vadd.scan.msk.s32 $0xffff, v29;
	_ =	sdelay $0x5  }
0x2d: {  	v29 =	vld [tilespmem:$0x20];
	v30, _, _ =	vpop (xrf0)  }
0x2e: {  	v31 =	vsub.s32 $0x7FF, v28;
	v30 =	vshll.u32 v30, $0xB  }
0x2f: {  	v30 =	vor.u32 v31, v30  }
0x30: {  	v30 =	vxor.u32 $0x80000000, v30  }
0x31: {  	(xrf1) =	vsort.ascd.msk.u32 $0xffff, v30, v28  }
0x32: {  	(xrf1) =	vsort.dscd.msk.f32 $0xffff, v29, v4;
	_ =	sdelay $0xc  }
0x33: {  	_, v28, _ =	vpop (xrf1)  }
0x34: {  	v29, v30, _ =	vpop (xrf1)  }
0x35: {  	v31 =	vperm.xlane v29, v1;
	_ =	sdelay $0x1  }
0x36: {  	vm1 =	vgt.f32 v31, v29  }
0x37: {  	vm1 =	vmand vm1, vm0  }
0x38: {  	v31 =	vsel vm1, $0x1, v2  }
0x39: {  	(xrf0) =	vadd.scan.msk.s32 $0xffff, v31;
	_ =	sdelay $0x5  }
0x3a: {  	v31 =	vld [tilespmem:$0x30];
	v32, _, _ =	vpop (xrf0)  }
0x3b: {  	v32 =	vshll.u32 v32, $0xB  }
0x3c: {  	v32 =	vor.u32 v30, v32  }
0x3d: {  	v32 =	vxor.u32 $0x80000000, v32  }
0x3e: {  	(xrf1) =	vsort.ascd.msk.u32 $0xffff, v32, v30  }
0x3f: {  	(xrf1) =	vsort.ascd.msk.f32 $0xffff, v31, v5;
	_ =	sdelay $0xc  }
0x40: {  	_, v30, _ =	vpop (xrf1)  }
0x41: {  	v31, v55, _ =	vpop (xrf1)  }
0x42: {  	v33 =	vperm.xlane v31, v1;
	_ =	sdelay $0x1  }
0x43: {  	vm1 =	vlt.f32 v33, v31  }
0x44: {  	vm1 =	vmand vm1, vm0  }
0x45: {  	v56 =	vsel vm1, $0x1, v2  }
0x46: {  	(xrf0) =	vadd.scan.msk.s32 $0xffff, v56;
	_ =	sdelay $0x5  }
0x47: {  	v57 =	vld [tilespmem:$0x40];
	v34, _, _ =	vpop (xrf0)  }
0x48: {  	v35 =	vsub.s32 $0x7FF, v55;
	v34 =	vshll.u32 v34, $0xB  }
0x49: {  	v34 =	vor.u32 v35, v34  }
0x4a: {  	v34 =	vxor.u32 $0x80000000, v34  }
0x4b: {  	(xrf1) =	vsort.ascd.msk.u32 $0xffff, v34, v55  }
0x4c: {  	(xrf1) =	vsort.dscd.msk.f32 $0xffff, v57, v6;
	_ =	sdelay $0xc  }
0x4d: {  	_, v32, _ =	vpop (xrf1)  }
0x4e: {  	v33, v58, _ =	vpop (xrf1)  }
0x4f: {  	v59 =	vperm.xlane v33, v1;
	_ =	sdelay $0x1  }
0x50: {  	vm1 =	vgt.f32 v59, v33  }
0x51: {  	vm1 =	vmand vm1, vm0  }
0x52: {  	v60 =	vsel vm1, $0x1, v2  }
0x53: {  	(xrf0) =	vadd.scan.msk.s32 $0xffff, v60;
	_ =	sdelay $0x5  }
0x54: {  	v61 =	vld [tilespmem:$0x50];
	v36, _, _ =	vpop (xrf0)  }
0x55: {  	v36 =	vshll.u32 v36, $0xB  }
0x56: {  	v36 =	vor.u32 v58, v36  }
0x57: {  	v36 =	vxor.u32 $0x80000000, v36  }
0x58: {  	(xrf1) =	vsort.ascd.msk.u32 $0xffff, v36, v58  }
0x59: {  	(xrf1) =	vsort.ascd.msk.f32 $0xffff, v61, v7;
	_ =	sdelay $0xc  }
0x5a: {  	_, v34, _ =	vpop (xrf1)  }
0x5b: {  	v35, v62, _ =	vpop (xrf1)  }
0x5c: {  	v37 =	vperm.xlane v35, v1;
	_ =	sdelay $0x1  }
0x5d: {  	vm1 =	vlt.f32 v37, v35  }
0x5e: {  	vm1 =	vmand vm1, vm0  }
0x5f: {  	v63 =	vsel vm1, $0x1, v2  }
0x60: {  	(xrf0) =	vadd.scan.msk.s32 $0xffff, v63;
	_ =	sdelay $0x5  }
0x61: {  	vm2 =	vlt.s32 v26, v28;
	v37, _, _ =	vpop (xrf0)  }
0x62: {  	v38 =	vsub.s32 $0x7FF, v62;
	vm1 =	veq.f32 v25, v27;
	v37 =	vshll.u32 v37, $0xB  }
0x63: {  	vm3 =	vgt.f32 v25, v27;
	vm1 =	vmand vm1, vm2;
	v37 =	vor.u32 v38, v37  }
0x64: {  	vm1 =	vmor vm3, vm1;
	v37 =	vxor.u32 $0x80000000, v37  }
0x65: {  	v25 =	vsel vm1, v25, v27;
	v26 =	vsel vm1, v26, v28;
	(xrf1) =	vsort.ascd.msk.u32 $0xffff, v37, v62  }
0x66: {  	(xrf1) =	vsort.dscd.msk.f32 $0xffff, v25, v26;
	_ =	sdelay $0xc  }
0x67: {  	_, v25, _ =	vpop (xrf1)  }
0x68: {  	v26, v27, _ =	vpop (xrf1)  }
0x69: {  	v28 =	vperm.xlane v26, v1;
	_ =	sdelay $0x1  }
0x6a: {  	vm1 =	vgt.f32 v28, v26  }
0x6b: {  	vm1 =	vmand vm1, vm0  }
0x6c: {  	v28 =	vsel vm1, $0x1, v2  }
0x6d: {  	(xrf0) =	vadd.scan.msk.s32 $0xffff, v28;
	_ =	sdelay $0x5  }
0x6e: {  	v28, _, _ =	vpop (xrf0)  }
0x6f: {  	vm2 =	vlt.s32 v30, v32;
	vm1 =	veq.f32 v29, v31;
	v28 =	vshll.u32 v28, $0xB  }
0x70: {  	vm3 =	vgt.f32 v29, v31;
	vm1 =	vmand vm1, vm2;
	v28 =	vor.u32 v27, v28  }
0x71: {  	vm1 =	vmor vm3, vm1;
	v28 =	vxor.u32 $0x80000000, v28  }
0x72: {  	(xrf1) =	vsort.ascd.msk.u32 $0xffff, v28, v27;
	v27 =	vsel vm1, v29, v31;
	v28 =	vsel vm1, v30, v32  }
0x73: {  	(xrf1) =	vsort.ascd.msk.f32 $0xffff, v27, v28;
	_ =	sdelay $0xc  }
0x74: {  	_, v27, _ =	vpop (xrf1)  }
0x75: {  	v28, v29, _ =	vpop (xrf1)  }
0x76: {  	v30 =	vperm.xlane v28, v1;
	_ =	sdelay $0x1  }
0x77: {  	vm1 =	vlt.f32 v30, v28  }
0x78: {  	vm1 =	vmand vm1, vm0  }
0x79: {  	v30 =	vsel vm1, $0x1, v2  }
0x7a: {  	(xrf0) =	vadd.scan.msk.s32 $0xffff, v30;
	_ =	sdelay $0x5  }
0x7b: {  	vm2 =	vlt.s32 v34, v25;
	v30, _, _ =	vpop (xrf0)  }
0x7c: {  	v31 =	vsub.s32 $0x7FF, v29;
	vm1 =	veq.f32 v33, v35;
	v30 =	vshll.u32 v30, $0xB  }
0x7d: {  	vm3 =	vgt.f32 v33, v35;
	vm1 =	vmand vm1, vm2;
	v30 =	vor.u32 v31, v30  }
0x7e: {  	vm1 =	vmor vm3, vm1;
	v30 =	vxor.u32 $0x80000000, v30  }
0x7f: {  	v25 =	vsel vm1, v34, v25;
	(xrf1) =	vsort.ascd.msk.u32 $0xffff, v30, v29;
	v29 =	vsel vm1, v33, v35  }
0x80: {  	(xrf1) =	vsort.ascd.msk.f32 $0xffff, v29, v25;
	_ =	sdelay $0xc  }
0x81: {  	_, v25, _ =	vpop (xrf1)  }
0x82: {  	v29, v30, _ =	vpop (xrf1)  }
0x83: {  	v31 =	vperm.xlane v29, v1;
	_ =	sdelay $0x1  }
0x84: {  	vm1 =	vlt.f32 v31, v29  }
0x85: {  	vm1 =	vmand vm1, vm0  }
0x86: {  	v31 =	vsel vm1, $0x1, v2  }
0x87: {  	(xrf0) =	vadd.scan.msk.s32 $0xffff, v31;
	_ =	sdelay $0x5  }
0x88: {  	vm2 =	vlt.s32 v27, v25;
	v31, _, _ =	vpop (xrf0)  }
0x89: {  	v36 =	vsub.s32 $0x7FF, v30;
	vm1 =	veq.f32 v26, v28;
	v31 =	vshll.u32 v31, $0xB  }
0x8a: {  	vm3 =	vgt.f32 v26, v28;
	vm1 =	vmand vm1, vm2;
	v31 =	vor.u32 v36, v31  }
0x8b: {  	vm1 =	vmor vm3, vm1;
	v31 =	vxor.u32 $0x80000000, v31  }
0x8c: {  	v26 =	vsel vm1, v26, v28;
	v25 =	vsel vm1, v27, v25;
	(xrf1) =	vsort.ascd.msk.u32 $0xffff, v31, v30  }
0x8d: {  	(xrf1) =	vsort.dscd.msk.f32 $0xffff, v26, v25;
	_ =	sdelay $0xc  }
0x8e: {  	_, v25, _ =	vpop (xrf1)  }
0x8f: {  	v26, v27, _ =	vpop (xrf1)  }
0x90: {  	v28 =	vperm.xlane v26, v1;
	_ =	sdelay $0x1  }
0x91: {  	vm1 =	vgt.f32 v28, v26  }
0x92: {  	vm1 =	vmand vm1, vm0  }
0x93: {  	v28 =	vsel vm1, $0x1, v2  }
0x94: {  	(xrf0) =	vadd.scan.msk.s32 $0xffff, v28;
	_ =	sdelay $0x5  }
0x95: {  	v28, _, _ =	vpop (xrf0)  }
0x96: {  	v28 =	vshll.u32 v28, $0xB  }
0x97: {  	v28 =	vor.u32 v27, v28  }
0x98: {  	v28 =	vxor.u32 $0x80000000, v28  }
0x99: {  	(xrf1) =	vsort.ascd.msk.u32 $0xffff, v28, v27;
	_ =	sdelay $0xd  }
0x9a: {  	_, v27, _ =	vpop (xrf1)  }
0x9b: {  	vm1 =	veq.f32 v26, v29;
	vm2 =	vlt.s32 v27, v25  }
0x9c: {  	vm3 =	vgt.f32 v26, v29;
	vm1 =	vmand vm1, vm2  }
0x9d: {  	vm1 =	vmor vm3, vm1  }
0x9e: {  	v26 =	vsel vm1, v26, v29;
	v25 =	vsel vm1, v27, v25  }
0x9f: {  	(xrf1) =	vsort.dscd.msk.f32 $0xffff, v26, v25;
	_ =	sdelay $0xd  }
0xa0: {  	v25, v26, _ =	vpop (xrf1)  }
0xa1: {  	v27 =	vperm.xlane v25, v1;
	_ =	sdelay $0x1  }
0xa2: {  	vm1 =	vgt.f32 v27, v25  }
0xa3: {  	vm1 =	vmand vm1, vm0  }
0xa4: {  	v27 =	vsel vm1, $0x1, v2  }
0xa5: {  	(xrf0) =	vadd.scan.msk.s32 $0xffff, v27;
	_ =	sdelay $0x5  }
0xa6: {  	v28 =	vld [tilespmem:$0x80];
	v27, _, _ =	vpop (xrf0)  }
0xa7: {  	v27 =	vshll.u32 v27, $0xB  }
0xa8: {  	v27 =	vor.u32 v26, v27  }
0xa9: {  	v27 =	vxor.u32 $0x80000000, v27  }
0xaa: {  	(xrf1) =	vsort.ascd.msk.u32 $0xffff, v27, v26  }
0xab: {  	(xrf1) =	vsort.dscd.msk.f32 $0xffff, v28, v0;
	_ =	sdelay $0xc  }
0xac: {  	_, v28, _ =	vpop (xrf1)  }
0xad: {  	v26, v27, _ =	vpop (xrf1)  }
0xae: {  	v29 =	vperm.xlane v26, v1;
	_ =	sdelay $0x1  }
0xaf: {  	vm1 =	vgt.f32 v29, v26  }
0xb0: {  	vm1 =	vmand vm1, vm0  }
0xb1: {  	v29 =	vsel vm1, $0x1, v2  }
0xb2: {  	(xrf0) =	vadd.scan.msk.s32 $0xffff, v29;
	_ =	sdelay $0x5  }
0xb3: {  	v29 =	vld [tilespmem:$0x90];
	v30, _, _ =	vpop (xrf0)  }
0xb4: {  	v30 =	vshll.u32 v30, $0xB  }
0xb5: {  	v30 =	vor.u32 v27, v30  }
0xb6: {  	v30 =	vxor.u32 $0x80000000, v30  }
0xb7: {  	(xrf1) =	vsort.ascd.msk.u32 $0xffff, v30, v27  }
0xb8: {  	(xrf1) =	vsort.ascd.msk.f32 $0xffff, v29, v3;
	_ =	sdelay $0xc  }
0xb9: {  	_, v27, _ =	vpop (xrf1)  }
0xba: {  	v29, v30, _ =	vpop (xrf1)  }
0xbb: {  	v31 =	vperm.xlane v29, v1;
	_ =	sdelay $0x1  }
0xbc: {  	vm1 =	vlt.f32 v31, v29  }
0xbd: {  	vm1 =	vmand vm1, vm0  }
0xbe: {  	v31 =	vsel vm1, $0x1, v2  }
0xbf: {  	(xrf0) =	vadd.scan.msk.s32 $0xffff, v31;
	_ =	sdelay $0x5  }
0xc0: {  	v31 =	vld [tilespmem:$0xA0];
	v37, _, _ =	vpop (xrf0)  }
0xc1: {  	v38 =	vsub.s32 $0x7FF, v30;
	v32 =	vshll.u32 v37, $0xB  }
0xc2: {  	v32 =	vor.u32 v38, v32  }
0xc3: {  	v32 =	vxor.u32 $0x80000000, v32  }
0xc4: {  	(xrf1) =	vsort.ascd.msk.u32 $0xffff, v32, v30  }
0xc5: {  	(xrf1) =	vsort.dscd.msk.f32 $0xffff, v31, v4;
	_ =	sdelay $0xc  }
0xc6: {  	_, v30, _ =	vpop (xrf1)  }
0xc7: {  	v31, v39, _ =	vpop (xrf1)  }
0xc8: {  	v40 =	vperm.xlane v31, v1;
	_ =	sdelay $0x1  }
0xc9: {  	vm1 =	vgt.f32 v40, v31  }
0xca: {  	vm1 =	vmand vm1, vm0  }
0xcb: {  	v41 =	vsel vm1, $0x1, v2  }
0xcc: {  	(xrf0) =	vadd.scan.msk.s32 $0xffff, v41;
	_ =	sdelay $0x5  }
0xcd: {  	v42 =	vld [tilespmem:$0xB0];
	v43, _, _ =	vpop (xrf0)  }
0xce: {  	v34 =	vshll.u32 v43, $0xB  }
0xcf: {  	v34 =	vor.u32 v39, v34  }
0xd0: {  	v34 =	vxor.u32 $0x80000000, v34  }
0xd1: {  	(xrf1) =	vsort.ascd.msk.u32 $0xffff, v34, v39  }
0xd2: {  	(xrf1) =	vsort.ascd.msk.f32 $0xffff, v42, v5;
	_ =	sdelay $0xc  }
0xd3: {  	_, v32, _ =	vpop (xrf1)  }
0xd4: {  	v33, v44, _ =	vpop (xrf1)  }
0xd5: {  	v45 =	vperm.xlane v33, v1;
	_ =	sdelay $0x1  }
0xd6: {  	vm1 =	vlt.f32 v45, v33  }
0xd7: {  	vm1 =	vmand vm1, vm0  }
0xd8: {  	v46 =	vsel vm1, $0x1, v2  }
0xd9: {  	(xrf0) =	vadd.scan.msk.s32 $0xffff, v46;
	_ =	sdelay $0x5  }
0xda: {  	v47 =	vld [tilespmem:$0xC0];
	v48, _, _ =	vpop (xrf0)  }
0xdb: {  	v49 =	vsub.s32 $0x7FF, v44;
	v36 =	vshll.u32 v48, $0xB  }
0xdc: {  	v36 =	vor.u32 v49, v36  }
0xdd: {  	v36 =	vxor.u32 $0x80000000, v36  }
0xde: {  	(xrf1) =	vsort.ascd.msk.u32 $0xffff, v36, v44  }
0xdf: {  	(xrf1) =	vsort.dscd.msk.f32 $0xffff, v47, v6;
	_ =	sdelay $0xc  }
0xe0: {  	_, v34, _ =	vpop (xrf1)  }
0xe1: {  	v35, v50, _ =	vpop (xrf1)  }
0xe2: {  	v51 =	vperm.xlane v35, v1;
	_ =	sdelay $0x1  }
0xe3: {  	vm1 =	vgt.f32 v51, v35  }
0xe4: {  	vm1 =	vmand vm1, vm0  }
0xe5: {  	v52 =	vsel vm1, $0x1, v2  }
0xe6: {  	(xrf0) =	vadd.scan.msk.s32 $0xffff, v52;
	_ =	sdelay $0x5  }
0xe7: {  	v53 =	vld [tilespmem:$0xD0];
	v54, _, _ =	vpop (xrf0)  }
0xe8: {  	v38 =	vshll.u32 v54, $0xB  }
0xe9: {  	v38 =	vor.u32 v50, v38  }
0xea: {  	v38 =	vxor.u32 $0x80000000, v38  }
0xeb: {  	(xrf1) =	vsort.ascd.msk.u32 $0xffff, v38, v50  }
0xec: {  	(xrf1) =	vsort.ascd.msk.f32 $0xffff, v53, v7;
	_ =	sdelay $0xc  }
0xed: {  	_, v36, _ =	vpop (xrf1)  }
0xee: {  	v37, v55, _ =	vpop (xrf1)  }
0xef: {  	v39 =	vperm.xlane v37, v1;
	_ =	sdelay $0x1  }
0xf0: {  	vm1 =	vlt.f32 v39, v37  }
0xf1: {  	vm1 =	vmand vm1, vm0  }
0xf2: {  	v56 =	vsel vm1, $0x1, v2  }
0xf3: {  	(xrf0) =	vadd.scan.msk.s32 $0xffff, v56;
	_ =	sdelay $0x5  }
0xf4: {  	vm2 =	vlt.s32 v27, v30;
	v39, _, _ =	vpop (xrf0)  }
0xf5: {  	v40 =	vsub.s32 $0x7FF, v55;
	vm1 =	veq.f32 v26, v29;
	v39 =	vshll.u32 v39, $0xB  }
0xf6: {  	vm1 =	vmand vm1, vm2;
	vm2 =	vgt.f32 v26, v29;
	v39 =	vor.u32 v40, v39  }
0xf7: {  	vm1 =	vmor vm2, vm1;
	v39 =	vxor.u32 $0x80000000, v39  }
0xf8: {  	v26 =	vsel vm1, v26, v29;
	v27 =	vsel vm1, v27, v30;
	(xrf1) =	vsort.ascd.msk.u32 $0xffff, v39, v55  }
0xf9: {  	(xrf1) =	vsort.dscd.msk.f32 $0xffff, v26, v27;
	_ =	sdelay $0xc  }
0xfa: {  	_, v26, _ =	vpop (xrf1)  }
0xfb: {  	v27, v29, _ =	vpop (xrf1)  }
0xfc: {  	v30 =	vperm.xlane v27, v1;
	_ =	sdelay $0x1  }
0xfd: {  	vm1 =	vgt.f32 v30, v27  }
0xfe: {  	vm1 =	vmand vm1, vm0  }
0xff: {  	v30 =	vsel vm1, $0x1, v2  }
0x100: {  	(xrf0) =	vadd.scan.msk.s32 $0xffff, v30;
	_ =	sdelay $0x5  }
0x101: {  	v30, _, _ =	vpop (xrf0)  }
0x102: {  	vm2 =	vlt.s32 v32, v34;
	vm1 =	veq.f32 v31, v33;
	v30 =	vshll.u32 v30, $0xB  }
0x103: {  	vm3 =	vgt.f32 v31, v33;
	vm1 =	vmand vm1, vm2;
	v30 =	vor.u32 v29, v30  }
0x104: {  	vm1 =	vmor vm3, vm1;
	v30 =	vxor.u32 $0x80000000, v30  }
0x105: {  	(xrf1) =	vsort.ascd.msk.u32 $0xffff, v30, v29;
	v29 =	vsel vm1, v31, v33;
	v30 =	vsel vm1, v32, v34  }
0x106: {  	(xrf1) =	vsort.ascd.msk.f32 $0xffff, v29, v30;
	_ =	sdelay $0xc  }
0x107: {  	_, v29, _ =	vpop (xrf1)  }
0x108: {  	v30, v31, _ =	vpop (xrf1)  }
0x109: {  	v57 =	vperm.xlane v30, v1;
	_ =	sdelay $0x1  }
0x10a: {  	vm1 =	vlt.f32 v57, v30  }
0x10b: {  	vm1 =	vmand vm1, vm0  }
0x10c: {  	v58 =	vsel vm1, $0x1, v2  }
0x10d: {  	(xrf0) =	vadd.scan.msk.s32 $0xffff, v58;
	_ =	sdelay $0x5  }
0x10e: {  	vm2 =	vlt.s32 v36, v26;
	v32, _, _ =	vpop (xrf0)  }
0x10f: {  	v59 =	vsub.s32 $0x7FF, v31;
	vm1 =	veq.f32 v35, v37;
	v32 =	vshll.u32 v32, $0xB  }
0x110: {  	vm3 =	vgt.f32 v35, v37;
	vm1 =	vmand vm1, vm2;
	v32 =	vor.u32 v59, v32  }
0x111: {  	vm1 =	vmor vm3, vm1;
	v32 =	vxor.u32 $0x80000000, v32  }
0x112: {  	v26 =	vsel vm1, v36, v26;
	(xrf1) =	vsort.ascd.msk.u32 $0xffff, v32, v31;
	v31 =	vsel vm1, v35, v37  }
0x113: {  	(xrf1) =	vsort.ascd.msk.f32 $0xffff, v31, v26;
	_ =	sdelay $0xc  }
0x114: {  	_, v26, _ =	vpop (xrf1)  }
0x115: {  	v31, v60, _ =	vpop (xrf1)  }
0x116: {  	v61 =	vperm.xlane v31, v1;
	_ =	sdelay $0x1  }
0x117: {  	vm1 =	vlt.f32 v61, v31  }
0x118: {  	vm1 =	vmand vm1, vm0  }
0x119: {  	v62 =	vsel vm1, $0x1, v2  }
0x11a: {  	(xrf0) =	vadd.scan.msk.s32 $0xffff, v62;
	_ =	sdelay $0x5  }
0x11b: {  	vm2 =	vlt.s32 v29, v26;
	v33, _, _ =	vpop (xrf0)  }
0x11c: {  	v63 =	vsub.s32 $0x7FF, v60;
	vm1 =	veq.f32 v27, v30;
	v33 =	vshll.u32 v33, $0xB  }
0x11d: {  	vm3 =	vgt.f32 v27, v30;
	vm1 =	vmand vm1, vm2;
	v33 =	vor.u32 v63, v33  }
0x11e: {  	vm1 =	vmor vm3, vm1;
	v33 =	vxor.u32 $0x80000000, v33  }
0x11f: {  	v27 =	vsel vm1, v27, v30;
	v26 =	vsel vm1, v29, v26;
	(xrf1) =	vsort.ascd.msk.u32 $0xffff, v33, v60  }
0x120: {  	(xrf1) =	vsort.dscd.msk.f32 $0xffff, v27, v26;
	_ =	sdelay $0xc  }
0x121: {  	_, v26, _ =	vpop (xrf1)  }
0x122: {  	v27, v29, _ =	vpop (xrf1)  }
0x123: {  	v30 =	vperm.xlane v27, v1;
	_ =	sdelay $0x1  }
0x124: {  	vm1 =	vgt.f32 v30, v27  }
0x125: {  	vm1 =	vmand vm1, vm0  }
0x126: {  	v30 =	vsel vm1, $0x1, v2  }
0x127: {  	(xrf0) =	vadd.scan.msk.s32 $0xffff, v30;
	_ =	sdelay $0x5  }
0x128: {  	v30, _, _ =	vpop (xrf0)  }
0x129: {  	v30 =	vshll.u32 v30, $0xB  }
0x12a: {  	v30 =	vor.u32 v29, v30  }
0x12b: {  	v30 =	vxor.u32 $0x80000000, v30  }
0x12c: {  	(xrf1) =	vsort.ascd.msk.u32 $0xffff, v30, v29;
	_ =	sdelay $0xd  }
0x12d: {  	_, v29, _ =	vpop (xrf1)  }
0x12e: {  	vm1 =	veq.f32 v27, v31;
	vm2 =	vlt.s32 v29, v26  }
0x12f: {  	vm3 =	vgt.f32 v27, v31;
	vm1 =	vmand vm1, vm2  }
0x130: {  	vm1 =	vmor vm3, vm1  }
0x131: {  	v27 =	vsel vm1, v27, v31;
	v26 =	vsel vm1, v29, v26  }
0x132: {  	(xrf1) =	vsort.dscd.msk.f32 $0xffff, v27, v26;
	_ =	sdelay $0xd  }
0x133: {  	v26, v27, _ =	vpop (xrf1)  }
0x134: {  	v29 =	vperm.xlane v26, v1;
	_ =	sdelay $0x1  }
0x135: {  	vm1 =	vgt.f32 v29, v26  }
0x136: {  	vm1 =	vmand vm1, vm0  }
0x137: {  	v29 =	vsel vm1, $0x1, v2  }
0x138: {  	(xrf0) =	vadd.scan.msk.s32 $0xffff, v29;
	_ =	sdelay $0x5  }
0x139: {  	v29, _, _ =	vpop (xrf0)  }
0x13a: {  	v29 =	vshll.u32 v29, $0xB  }
0x13b: {  	v29 =	vor.u32 v27, v29  }
0x13c: {  	v29 =	vxor.u32 $0x80000000, v29  }
0x13d: {  	(xrf1) =	vsort.ascd.msk.u32 $0xffff, v29, v27;
	_ =	sdelay $0xd  }
0x13e: {  	_, v27, _ =	vpop (xrf1)  }
0x13f: {  	s13 =	simm.s32 $0x8110;
	s14 =	simm.s32 $0x2;
	[tilespmem:$0x8100] =	vst v28;
	v29 =	vperm.xlane v26, v8;
	v28 =	vperm.xlane v27, v8  }
.LBB2_3:
0x140: {  	s15 =	smin.u32 s14, $0xFF  }
0x141: {  	s15 =	sshll.u32 s15, $0x7  }
0x142: {  	v30 =	vld [tilespmem:s15+$0x0];
	_ =	sdelay $0x4  }
0x143: {  	(xrf1) =	vsort.dscd.msk.f32 $0xffff, v30, v0;
	_ =	sdelay $0xd  }
0x144: {  	v30, v31, _ =	vpop (xrf1)  }
0x145: {  	v32 =	vperm.xlane v30, v1;
	_ =	sdelay $0x1  }
0x146: {  	vm1 =	vgt.f32 v32, v30  }
0x147: {  	vm1 =	vmand vm1, vm0  }
0x148: {  	v61 =	vsel vm1, $0x1, v2  }
0x149: {  	(xrf0) =	vadd.scan.msk.s32 $0xffff, v61;
	_ =	sdelay $0x5  }
0x14a: {  	v62 =	vld [tilespmem:s15+$0x10];
	v33, _, _ =	vpop (xrf0)  }
0x14b: {  	v33 =	vshll.u32 v33, $0xB  }
0x14c: {  	v33 =	vor.u32 v31, v33  }
0x14d: {  	v33 =	vxor.u32 $0x80000000, v33  }
0x14e: {  	(xrf1) =	vsort.ascd.msk.u32 $0xffff, v33, v31  }
0x14f: {  	(xrf1) =	vsort.ascd.msk.f32 $0xffff, v62, v3;
	_ =	sdelay $0xc  }
0x150: {  	_, v31, _ =	vpop (xrf1)  }
0x151: {  	v32, v63, _ =	vpop (xrf1)  }
0x152: {  	v34 =	vperm.xlane v32, v1;
	_ =	sdelay $0x1  }
0x153: {  	vm1 =	vlt.f32 v34, v32  }
0x154: {  	vm1 =	vmand vm1, vm0  }
0x155: {  	v39 =	vsel vm1, $0x1, v2  }
0x156: {  	(xrf0) =	vadd.scan.msk.s32 $0xffff, v39;
	_ =	sdelay $0x5  }
0x157: {  	v40 =	vld [tilespmem:s15+$0x20];
	v35, _, _ =	vpop (xrf0)  }
0x158: {  	v36 =	vsub.s32 $0x7FF, v63;
	v35 =	vshll.u32 v35, $0xB  }
0x159: {  	v35 =	vor.u32 v36, v35  }
0x15a: {  	v35 =	vxor.u32 $0x80000000, v35  }
0x15b: {  	(xrf1) =	vsort.ascd.msk.u32 $0xffff, v35, v63  }
0x15c: {  	(xrf1) =	vsort.dscd.msk.f32 $0xffff, v40, v4;
	_ =	sdelay $0xc  }
0x15d: {  	_, v33, _ =	vpop (xrf1)  }
0x15e: {  	v34, v41, _ =	vpop (xrf1)  }
0x15f: {  	v42 =	vperm.xlane v34, v1;
	_ =	sdelay $0x1  }
0x160: {  	vm1 =	vgt.f32 v42, v34  }
0x161: {  	vm1 =	vmand vm1, vm0  }
0x162: {  	v43 =	vsel vm1, $0x1, v2  }
0x163: {  	(xrf0) =	vadd.scan.msk.s32 $0xffff, v43;
	_ =	sdelay $0x5  }
0x164: {  	v44 =	vld [tilespmem:s15+$0x30];
	v37, _, _ =	vpop (xrf0)  }
0x165: {  	v37 =	vshll.u32 v37, $0xB  }
0x166: {  	v37 =	vor.u32 v41, v37  }
0x167: {  	v37 =	vxor.u32 $0x80000000, v37  }
0x168: {  	(xrf1) =	vsort.ascd.msk.u32 $0xffff, v37, v41  }
0x169: {  	(xrf1) =	vsort.ascd.msk.f32 $0xffff, v44, v5;
	_ =	sdelay $0xc  }
0x16a: {  	_, v35, _ =	vpop (xrf1)  }
0x16b: {  	v36, v45, _ =	vpop (xrf1)  }
0x16c: {  	v38 =	vperm.xlane v36, v1;
	_ =	sdelay $0x1  }
0x16d: {  	vm1 =	vlt.f32 v38, v36  }
0x16e: {  	vm1 =	vmand vm1, vm0  }
0x16f: {  	v46 =	vsel vm1, $0x1, v2  }
0x170: {  	(xrf0) =	vadd.scan.msk.s32 $0xffff, v46;
	_ =	sdelay $0x5  }
0x171: {  	v47 =	vld [tilespmem:s15+$0x40];
	v39, _, _ =	vpop (xrf0)  }
0x172: {  	v40 =	vsub.s32 $0x7FF, v45;
	v39 =	vshll.u32 v39, $0xB  }
0x173: {  	v39 =	vor.u32 v40, v39  }
0x174: {  	v39 =	vxor.u32 $0x80000000, v39  }
0x175: {  	(xrf1) =	vsort.ascd.msk.u32 $0xffff, v39, v45  }
0x176: {  	(xrf1) =	vsort.dscd.msk.f32 $0xffff, v47, v6;
	_ =	sdelay $0xc  }
0x177: {  	_, v37, _ =	vpop (xrf1)  }
0x178: {  	v38, v48, _ =	vpop (xrf1)  }
0x179: {  	v49 =	vperm.xlane v38, v1;
	_ =	sdelay $0x1  }
0x17a: {  	vm1 =	vgt.f32 v49, v38  }
0x17b: {  	vm1 =	vmand vm1, vm0  }
0x17c: {  	v50 =	vsel vm1, $0x1, v2  }
0x17d: {  	(xrf0) =	vadd.scan.msk.s32 $0xffff, v50;
	_ =	sdelay $0x5  }
0x17e: {  	v51 =	vld [tilespmem:s15+$0x50];
	v41, _, _ =	vpop (xrf0)  }
0x17f: {  	v41 =	vshll.u32 v41, $0xB  }
0x180: {  	v41 =	vor.u32 v48, v41  }
0x181: {  	v41 =	vxor.u32 $0x80000000, v41  }
0x182: {  	(xrf1) =	vsort.ascd.msk.u32 $0xffff, v41, v48  }
0x183: {  	(xrf1) =	vsort.ascd.msk.f32 $0xffff, v51, v7;
	_ =	sdelay $0xc  }
0x184: {  	_, v39, _ =	vpop (xrf1)  }
0x185: {  	v40, v52, _ =	vpop (xrf1)  }
0x186: {  	v42 =	vperm.xlane v40, v1;
	_ =	sdelay $0x1  }
0x187: {  	vm1 =	vlt.f32 v42, v40  }
0x188: {  	vm1 =	vmand vm1, vm0  }
0x189: {  	v53 =	vsel vm1, $0x1, v2  }
0x18a: {  	(xrf0) =	vadd.scan.msk.s32 $0xffff, v53;
	_ =	sdelay $0x5  }
0x18b: {  	vm2 =	vlt.s32 v31, v33;
	v42, _, _ =	vpop (xrf0)  }
0x18c: {  	v43 =	vsub.s32 $0x7FF, v52;
	vm1 =	veq.f32 v30, v32;
	v42 =	vshll.u32 v42, $0xB  }
0x18d: {  	vm3 =	vgt.f32 v30, v32;
	vm1 =	vmand vm1, vm2;
	v42 =	vor.u32 v43, v42  }
0x18e: {  	vm1 =	vmor vm3, vm1;
	v42 =	vxor.u32 $0x80000000, v42  }
0x18f: {  	v30 =	vsel vm1, v30, v32;
	v31 =	vsel vm1, v31, v33;
	(xrf1) =	vsort.ascd.msk.u32 $0xffff, v42, v52  }
0x190: {  	(xrf1) =	vsort.dscd.msk.f32 $0xffff, v30, v31;
	_ =	sdelay $0xc  }
0x191: {  	_, v30, _ =	vpop (xrf1)  }
0x192: {  	v31, v54, _ =	vpop (xrf1)  }
0x193: {  	v55 =	vperm.xlane v31, v1;
	_ =	sdelay $0x1  }
0x194: {  	vm1 =	vgt.f32 v55, v31  }
0x195: {  	vm1 =	vmand vm1, vm0  }
0x196: {  	v56 =	vsel vm1, $0x1, v2  }
0x197: {  	(xrf0) =	vadd.scan.msk.s32 $0xffff, v56;
	_ =	sdelay $0x5  }
0x198: {  	v33, _, _ =	vpop (xrf0)  }
0x199: {  	vm2 =	vlt.s32 v35, v37;
	vm1 =	veq.f32 v34, v36;
	v33 =	vshll.u32 v33, $0xB  }
0x19a: {  	vm3 =	vgt.f32 v34, v36;
	vm1 =	vmand vm1, vm2;
	v33 =	vor.u32 v54, v33  }
0x19b: {  	vm1 =	vmor vm3, vm1;
	v33 =	vxor.u32 $0x80000000, v33  }
0x19c: {  	v57 =	vsel vm1, v34, v36;
	v58 =	vsel vm1, v35, v37;
	(xrf1) =	vsort.ascd.msk.u32 $0xffff, v33, v54  }
0x19d: {  	(xrf1) =	vsort.ascd.msk.f32 $0xffff, v57, v58;
	_ =	sdelay $0xc  }
0x19e: {  	_, v59, _ =	vpop (xrf1)  }
0x19f: {  	v33, v60, _ =	vpop (xrf1)  }
0x1a0: {  	v61 =	vperm.xlane v33, v1;
	_ =	sdelay $0x1  }
0x1a1: {  	vm1 =	vlt.f32 v61, v33  }
0x1a2: {  	vm1 =	vmand vm1, vm0  }
0x1a3: {  	v62 =	vsel vm1, $0x1, v2  }
0x1a4: {  	(xrf0) =	vadd.scan.msk.s32 $0xffff, v62;
	_ =	sdelay $0x5  }
0x1a5: {  	vm2 =	vlt.s32 v39, v30;
	v35, _, _ =	vpop (xrf0)  }
0x1a6: {  	v63 =	vsub.s32 $0x7FF, v60;
	vm1 =	veq.f32 v38, v40;
	v35 =	vshll.u32 v35, $0xB  }
0x1a7: {  	vm3 =	vgt.f32 v38, v40;
	vm1 =	vmand vm1, vm2;
	v35 =	vor.u32 v63, v35  }
0x1a8: {  	vm1 =	vmor vm3, vm1;
	v35 =	vxor.u32 $0x80000000, v35  }
0x1a9: {  	v38 =	vsel vm1, v38, v40;
	v30 =	vsel vm1, v39, v30;
	(xrf1) =	vsort.ascd.msk.u32 $0xffff, v35, v60  }
0x1aa: {  	(xrf1) =	vsort.ascd.msk.f32 $0xffff, v38, v30;
	_ =	sdelay $0xc  }
0x1ab: {  	_, v30, _ =	vpop (xrf1)  }
0x1ac: {  	v34, v40, _ =	vpop (xrf1)  }
0x1ad: {  	v41 =	vperm.xlane v34, v1;
	_ =	sdelay $0x1  }
0x1ae: {  	vm1 =	vlt.f32 v41, v34  }
0x1af: {  	vm1 =	vmand vm1, vm0  }
0x1b0: {  	v42 =	vsel vm1, $0x1, v2  }
0x1b1: {  	(xrf0) =	vadd.scan.msk.s32 $0xffff, v42;
	_ =	sdelay $0x5  }
0x1b2: {  	vm2 =	vlt.s32 v59, v30;
	v36, _, _ =	vpop (xrf0)  }
0x1b3: {  	v43 =	vsub.s32 $0x7FF, v40;
	vm1 =	veq.f32 v31, v33;
	v36 =	vshll.u32 v36, $0xB  }
0x1b4: {  	vm3 =	vgt.f32 v31, v33;
	vm1 =	vmand vm1, vm2;
	v36 =	vor.u32 v43, v36  }
0x1b5: {  	vm1 =	vmor vm3, vm1;
	v36 =	vxor.u32 $0x80000000, v36  }
0x1b6: {  	v31 =	vsel vm1, v31, v33;
	v30 =	vsel vm1, v59, v30;
	(xrf1) =	vsort.ascd.msk.u32 $0xffff, v36, v40  }
0x1b7: {  	(xrf1) =	vsort.dscd.msk.f32 $0xffff, v31, v30;
	_ =	sdelay $0xc  }
0x1b8: {  	_, v30, _ =	vpop (xrf1)  }
0x1b9: {  	v31, v44, _ =	vpop (xrf1)  }
0x1ba: {  	v45 =	vperm.xlane v31, v1;
	_ =	sdelay $0x1  }
0x1bb: {  	vm1 =	vgt.f32 v45, v31  }
0x1bc: {  	vm1 =	vmand vm1, vm0  }
0x1bd: {  	v46 =	vsel vm1, $0x1, v2  }
0x1be: {  	(xrf0) =	vadd.scan.msk.s32 $0xffff, v46;
	_ =	sdelay $0x5  }
0x1bf: {  	v33, _, _ =	vpop (xrf0)  }
0x1c0: {  	v33 =	vshll.u32 v33, $0xB  }
0x1c1: {  	v33 =	vor.u32 v44, v33  }
0x1c2: {  	v33 =	vxor.u32 $0x80000000, v33  }
0x1c3: {  	(xrf1) =	vsort.ascd.msk.u32 $0xffff, v33, v44;
	_ =	sdelay $0xd  }
0x1c4: {  	_, v32, _ =	vpop (xrf1)  }
0x1c5: {  	vm1 =	veq.f32 v31, v34;
	vm2 =	vlt.s32 v32, v30  }
0x1c6: {  	vm3 =	vgt.f32 v31, v34;
	vm1 =	vmand vm1, vm2  }
0x1c7: {  	vm1 =	vmor vm3, vm1  }
0x1c8: {  	v31 =	vsel vm1, v31, v34;
	v30 =	vsel vm1, v32, v30  }
0x1c9: {  	(xrf1) =	vsort.dscd.msk.f32 $0xffff, v31, v30;
	_ =	sdelay $0xd  }
0x1ca: {  	v30, v32, _ =	vpop (xrf1)  }
0x1cb: {  	v31 =	vperm.xlane v30, v1;
	_ =	sdelay $0x1  }
0x1cc: {  	vm1 =	vgt.f32 v31, v30  }
0x1cd: {  	vm1 =	vmand vm1, vm0  }
0x1ce: {  	v31 =	vsel vm1, $0x1, v2  }
0x1cf: {  	(xrf0) =	vadd.scan.msk.s32 $0xffff, v31;
	_ =	sdelay $0x1  }
0x1d0: {  	v31 =	vimm.s32 $0x0  }
0x1d1: {  	v48 =	vperm.xlane v25, v10;
	v47 =	vperm.xlane v25, v31;
	_ =	sdelay $0x1  }
0x1d2: {  	v34 =	vadd.f32 v48, v29;
	v33 =	vadd.f32 v47, v26  }
0x1d3: {  	v50 =	vor.u32 $0x80, v28;
	v49, _, _ =	vpop (xrf0)  }
0x1d4: {  	vm2 =	vlt.s32 v27, v50;
	vm1 =	veq.f32 v33, v34;
	v35 =	vshll.u32 v49, $0xB  }
0x1d5: {  	vm3 =	vgt.f32 v33, v34;
	vm1 =	vmand vm2, vm1;
	v35 =	vor.u32 v32, v35  }
0x1d6: {  	vm1 =	vmor vm3, vm1;
	v35 =	vxor.u32 $0x80000000, v35  }
0x1d7: {  	v51 =	vsel vm1, v33, v34;
	v52 =	vsel vm1, v27, v50;
	(xrf1) =	vsort.ascd.msk.u32 $0xffff, v35, v32  }
0x1d8: {  	(xrf1) =	vsort.dscd.msk.f32 $0xffff, v51, v52;
	_ =	sdelay $0xc  }
0x1d9: {  	_, v32, _ =	vpop (xrf1)  }
0x1da: {  	v33, v53, _ =	vpop (xrf1)  }
0x1db: {  	v54 =	vperm.xlane v33, v1;
	_ =	sdelay $0x1  }
0x1dc: {  	vm1 =	vgt.f32 v54, v33  }
0x1dd: {  	vm1 =	vmand vm1, vm0  }
0x1de: {  	v55 =	vsel vm1, $0x1, v2  }
0x1df: {  	(xrf0) =	vadd.scan.msk.s32 $0xffff, v55;
	_ =	sdelay $0x2  }
0x1e0: {  	v56 =	vperm.xlane v25, v11;
	v57 =	vperm.xlane v25, v12;
	_ =	sdelay $0x1  }
0x1e1: {  	v36 =	vadd.f32 v57, v29;
	v35 =	vadd.f32 v56, v26  }
0x1e2: {  	v60 =	vor.u32 $0x180, v28;
	v59 =	vor.u32 $0x100, v27;
	v58, _, _ =	vpop (xrf0)  }
0x1e3: {  	vm2 =	vlt.s32 v59, v60;
	vm1 =	veq.f32 v35, v36;
	v37 =	vshll.u32 v58, $0xB  }
0x1e4: {  	vm3 =	vgt.f32 v35, v36;
	vm1 =	vmand vm2, vm1;
	v37 =	vor.u32 v53, v37  }
0x1e5: {  	vm1 =	vmor vm3, vm1;
	v37 =	vxor.u32 $0x80000000, v37  }
0x1e6: {  	v61 =	vsel vm1, v35, v36;
	v62 =	vsel vm1, v59, v60;
	(xrf1) =	vsort.ascd.msk.u32 $0xffff, v37, v53  }
0x1e7: {  	(xrf1) =	vsort.ascd.msk.f32 $0xffff, v61, v62;
	_ =	sdelay $0xc  }
0x1e8: {  	_, v34, _ =	vpop (xrf1)  }
0x1e9: {  	v35, v63, _ =	vpop (xrf1)  }
0x1ea: {  	v44 =	vperm.xlane v35, v1;
	_ =	sdelay $0x1  }
0x1eb: {  	vm1 =	vlt.f32 v44, v35  }
0x1ec: {  	vm1 =	vmand vm1, vm0  }
0x1ed: {  	v45 =	vsel vm1, $0x1, v2  }
0x1ee: {  	(xrf0) =	vadd.scan.msk.s32 $0xffff, v45;
	_ =	sdelay $0x1  }
0x1ef: {  	v47 =	vperm.xlane v25, v14  }
0x1f0: {  	v46 =	vperm.xlane v25, v13  }
0x1f1: {  	v38 =	vadd.f32 v47, v29  }
0x1f2: {  	v49 =	vor.u32 $0x200, v27;
	v50 =	vor.u32 $0x280, v28;
	v37 =	vadd.f32 v46, v26  }
0x1f3: {  	vm2 =	vlt.s32 v49, v50;
	v48, _, _ =	vpop (xrf0)  }
0x1f4: {  	v51 =	vsub.s32 $0x7FF, v63;
	vm1 =	veq.f32 v37, v38;
	v39 =	vshll.u32 v48, $0xB  }
0x1f5: {  	vm3 =	vgt.f32 v37, v38;
	vm1 =	vmand vm2, vm1;
	v39 =	vor.u32 v51, v39  }
0x1f6: {  	vm1 =	vmor vm3, vm1;
	v39 =	vxor.u32 $0x80000000, v39  }
0x1f7: {  	v52 =	vsel vm1, v37, v38;
	v53 =	vsel vm1, v49, v50;
	(xrf1) =	vsort.ascd.msk.u32 $0xffff, v39, v63  }
0x1f8: {  	(xrf1) =	vsort.dscd.msk.f32 $0xffff, v52, v53;
	_ =	sdelay $0xc  }
0x1f9: {  	_, v37, _ =	vpop (xrf1)  }
0x1fa: {  	v36, v38, _ =	vpop (xrf1)  }
0x1fb: {  	v54 =	vperm.xlane v36, v1;
	_ =	sdelay $0x1  }
0x1fc: {  	vm1 =	vgt.f32 v54, v36  }
0x1fd: {  	vm1 =	vmand vm1, vm0  }
0x1fe: {  	v55 =	vsel vm1, $0x1, v2  }
0x1ff: {  	(xrf0) =	vadd.scan.msk.s32 $0xffff, v55;
	_ =	sdelay $0x2  }
0x200: {  	v57 =	vperm.xlane v25, v16;
	v56 =	vperm.xlane v25, v15;
	_ =	sdelay $0x1  }
0x201: {  	v40 =	vadd.f32 v57, v29;
	v39 =	vadd.f32 v56, v26  }
0x202: {  	v59 =	vor.u32 $0x300, v27;
	v60 =	vor.u32 $0x380, v28;
	v58, _, _ =	vpop (xrf0)  }
0x203: {  	vm2 =	vlt.s32 v59, v60;
	vm1 =	veq.f32 v39, v40;
	v41 =	vshll.u32 v58, $0xB  }
0x204: {  	vm3 =	vgt.f32 v39, v40;
	vm1 =	vmand vm2, vm1;
	v41 =	vor.u32 v38, v41  }
0x205: {  	vm1 =	vmor vm3, vm1;
	v41 =	vxor.u32 $0x80000000, v41  }
0x206: {  	v61 =	vsel vm1, v39, v40;
	v62 =	vsel vm1, v59, v60;
	(xrf1) =	vsort.ascd.msk.u32 $0xffff, v41, v38  }
0x207: {  	(xrf1) =	vsort.ascd.msk.f32 $0xffff, v61, v62;
	_ =	sdelay $0xc  }
0x208: {  	_, v38, _ =	vpop (xrf1)  }
0x209: {  	v39, v63, _ =	vpop (xrf1)  }
0x20a: {  	v48 =	vperm.xlane v39, v1;
	_ =	sdelay $0x1  }
0x20b: {  	vm1 =	vlt.f32 v48, v39  }
0x20c: {  	vm1 =	vmand vm1, vm0  }
0x20d: {  	v49 =	vsel vm1, $0x1, v2  }
0x20e: {  	(xrf0) =	vadd.scan.msk.s32 $0xffff, v49;
	_ =	sdelay $0x2  }
0x20f: {  	v50 =	vperm.xlane v25, v17;
	v51 =	vperm.xlane v25, v18  }
0x210: {  	v44 =	vor.u32 $0x400, v27  }
0x211: {  	v45 =	vor.u32 $0x480, v28;
	v42 =	vadd.f32 v51, v29;
	v41 =	vadd.f32 v50, v26  }
0x212: {  	vm2 =	vlt.s32 v44, v45;
	v52, _, _ =	vpop (xrf0)  }
0x213: {  	v46 =	vsub.s32 $0x7FF, v63;
	vm1 =	veq.f32 v41, v42;
	v43 =	vshll.u32 v52, $0xB  }
0x214: {  	vm3 =	vgt.f32 v41, v42;
	vm1 =	vmand vm2, vm1;
	v43 =	vor.u32 v46, v43  }
0x215: {  	vm1 =	vmor vm3, vm1;
	v43 =	vxor.u32 $0x80000000, v43  }
0x216: {  	v53 =	vsel vm1, v41, v42;
	v54 =	vsel vm1, v44, v45;
	(xrf1) =	vsort.ascd.msk.u32 $0xffff, v43, v63  }
0x217: {  	(xrf1) =	vsort.dscd.msk.f32 $0xffff, v53, v54;
	_ =	sdelay $0xc  }
0x218: {  	_, v41, _ =	vpop (xrf1)  }
0x219: {  	v40, v42, _ =	vpop (xrf1)  }
0x21a: {  	v55 =	vperm.xlane v40, v1;
	_ =	sdelay $0x1  }
0x21b: {  	vm1 =	vgt.f32 v55, v40  }
0x21c: {  	vm1 =	vmand vm1, vm0  }
0x21d: {  	v56 =	vsel vm1, $0x1, v2  }
0x21e: {  	(xrf0) =	vadd.scan.msk.s32 $0xffff, v56;
	_ =	sdelay $0x2  }
0x21f: {  	v57 =	vperm.xlane v25, v19;
	v58 =	vperm.xlane v25, v9;
	_ =	sdelay $0x1  }
0x220: {  	v44 =	vadd.f32 v58, v29;
	v43 =	vadd.f32 v57, v26  }
0x221: {  	v47 =	vor.u32 $0x580, v28;
	v60 =	vor.u32 $0x500, v27;
	v59, _, _ =	vpop (xrf0)  }
0x222: {  	vm2 =	vlt.s32 v60, v47;
	vm1 =	veq.f32 v43, v44;
	v45 =	vshll.u32 v59, $0xB  }
0x223: {  	vm3 =	vgt.f32 v43, v44;
	vm1 =	vmand vm2, vm1;
	v45 =	vor.u32 v42, v45  }
0x224: {  	vm1 =	vmor vm3, vm1;
	v45 =	vxor.u32 $0x80000000, v45  }
0x225: {  	v61 =	vsel vm1, v43, v44;
	v62 =	vsel vm1, v60, v47;
	(xrf1) =	vsort.ascd.msk.u32 $0xffff, v45, v42  }
0x226: {  	(xrf1) =	vsort.ascd.msk.f32 $0xffff, v61, v62;
	_ =	sdelay $0xc  }
0x227: {  	_, v42, _ =	vpop (xrf1)  }
0x228: {  	v43, v63, _ =	vpop (xrf1)  }
0x229: {  	v52 =	vperm.xlane v43, v1;
	_ =	sdelay $0x1  }
0x22a: {  	vm1 =	vlt.f32 v52, v43  }
0x22b: {  	vm1 =	vmand vm1, vm0  }
0x22c: {  	v53 =	vsel vm1, $0x1, v2  }
0x22d: {  	(xrf0) =	vadd.scan.msk.s32 $0xffff, v53;
	_ =	sdelay $0x2  }
0x22e: {  	v54 =	vperm.xlane v25, v20;
	v55 =	vperm.xlane v25, v21  }
0x22f: {  	v48 =	vor.u32 $0x600, v27  }
0x230: {  	v49 =	vor.u32 $0x680, v28;
	v46 =	vadd.f32 v55, v29;
	v45 =	vadd.f32 v54, v26  }
0x231: {  	vm2 =	vlt.s32 v48, v49;
	v56, _, _ =	vpop (xrf0)  }
0x232: {  	v50 =	vsub.s32 $0x7FF, v63;
	vm1 =	veq.f32 v45, v46;
	v47 =	vshll.u32 v56, $0xB  }
0x233: {  	vm3 =	vgt.f32 v45, v46;
	vm1 =	vmand vm2, vm1;
	v47 =	vor.u32 v50, v47  }
0x234: {  	vm1 =	vmor vm3, vm1;
	v47 =	vxor.u32 $0x80000000, v47  }
0x235: {  	v57 =	vsel vm1, v45, v46;
	v58 =	vsel vm1, v48, v49;
	(xrf1) =	vsort.ascd.msk.u32 $0xffff, v47, v63  }
0x236: {  	(xrf1) =	vsort.dscd.msk.f32 $0xffff, v57, v58;
	_ =	sdelay $0xc  }
0x237: {  	_, v59, _ =	vpop (xrf1)  }
0x238: {  	v45, v60, _ =	vpop (xrf1)  }
0x239: {  	v61 =	vperm.xlane v45, v1;
	_ =	sdelay $0x1  }
0x23a: {  	vm1 =	vgt.f32 v61, v45  }
0x23b: {  	vm1 =	vmand vm1, vm0  }
0x23c: {  	v62 =	vsel vm1, $0x1, v2  }
0x23d: {  	(xrf0) =	vadd.scan.msk.s32 $0xffff, v62;
	_ =	sdelay $0x2  }
0x23e: {  	v63 =	vperm.xlane v25, v22;
	v25 =	vperm.xlane v25, v23;
	_ =	sdelay $0x1  }
0x23f: {  	v26 =	vadd.f32 v63, v26;
	v25 =	vadd.f32 v25, v29  }
0x240: {  	v27 =	vor.u32 $0x700, v27;
	v28 =	vor.u32 $0x780, v28;
	v29, _, _ =	vpop (xrf0)  }
0x241: {  	vm2 =	vlt.s32 v27, v28;
	vm1 =	veq.f32 v26, v25;
	v29 =	vshll.u32 v29, $0xB  }
0x242: {  	vm3 =	vgt.f32 v26, v25;
	vm1 =	vmand vm2, vm1;
	v29 =	vor.u32 v60, v29  }
0x243: {  	vm1 =	vmor vm3, vm1;
	v29 =	vxor.u32 $0x80000000, v29  }
0x244: {  	v25 =	vsel vm1, v26, v25;
	v26 =	vsel vm1, v27, v28;
	(xrf1) =	vsort.ascd.msk.u32 $0xffff, v29, v60  }
0x245: {  	(xrf1) =	vsort.ascd.msk.f32 $0xffff, v25, v26;
	_ =	sdelay $0xc  }
0x246: {  	_, v25, _ =	vpop (xrf1)  }
0x247: {  	v26, v27, _ =	vpop (xrf1)  }
0x248: {  	v28 =	vperm.xlane v26, v1;
	_ =	sdelay $0x1  }
0x249: {  	vm1 =	vlt.f32 v28, v26  }
0x24a: {  	vm1 =	vmand vm1, vm0  }
0x24b: {  	v28 =	vsel vm1, $0x1, v2  }
0x24c: {  	(xrf0) =	vadd.scan.msk.s32 $0xffff, v28;
	_ =	sdelay $0x5  }
0x24d: {  	vm2 =	vlt.s32 v34, v37;
	v28, _, _ =	vpop (xrf0)  }
0x24e: {  	v29 =	vsub.s32 $0x7FF, v27;
	vm1 =	veq.f32 v33, v35;
	v28 =	vshll.u32 v28, $0xB  }
0x24f: {  	vm3 =	vgt.f32 v33, v35;
	vm1 =	vmand vm1, vm2;
	v28 =	vor.u32 v29, v28  }
0x250: {  	vm1 =	vmor vm3, vm1;
	v28 =	vxor.u32 $0x80000000, v28  }
0x251: {  	(xrf1) =	vsort.ascd.msk.u32 $0xffff, v28, v27;
	v27 =	vsel vm1, v33, v35;
	v28 =	vsel vm1, v34, v37  }
0x252: {  	(xrf1) =	vsort.dscd.msk.f32 $0xffff, v27, v28;
	_ =	sdelay $0xc  }
0x253: {  	_, v27, _ =	vpop (xrf1)  }
0x254: {  	v28, v29, _ =	vpop (xrf1)  }
0x255: {  	v37 =	vperm.xlane v28, v1;
	_ =	sdelay $0x1  }
0x256: {  	vm1 =	vgt.f32 v37, v28  }
0x257: {  	vm1 =	vmand vm1, vm0  }
0x258: {  	v46 =	vsel vm1, $0x1, v2  }
0x259: {  	(xrf0) =	vadd.scan.msk.s32 $0xffff, v46;
	_ =	sdelay $0x5  }
0x25a: {  	v33, _, _ =	vpop (xrf0)  }
0x25b: {  	vm2 =	vlt.s32 v38, v41;
	vm1 =	veq.f32 v36, v39;
	v33 =	vshll.u32 v33, $0xB  }
0x25c: {  	vm3 =	vgt.f32 v36, v39;
	vm1 =	vmand vm1, vm2;
	v33 =	vor.u32 v29, v33  }
0x25d: {  	vm1 =	vmor vm3, vm1;
	v33 =	vxor.u32 $0x80000000, v33  }
0x25e: {  	v47 =	vsel vm1, v36, v39;
	v48 =	vsel vm1, v38, v41;
	(xrf1) =	vsort.ascd.msk.u32 $0xffff, v33, v29  }
0x25f: {  	(xrf1) =	vsort.ascd.msk.f32 $0xffff, v47, v48;
	_ =	sdelay $0xc  }
0x260: {  	_, v29, _ =	vpop (xrf1)  }
0x261: {  	v49, v34, _ =	vpop (xrf1)  }
0x262: {  	v50 =	vperm.xlane v49, v1;
	_ =	sdelay $0x1  }
0x263: {  	vm1 =	vlt.f32 v50, v49  }
0x264: {  	vm1 =	vmand vm1, vm0  }
0x265: {  	v51 =	vsel vm1, $0x1, v2  }
0x266: {  	(xrf0) =	vadd.scan.msk.s32 $0xffff, v51;
	_ =	sdelay $0x5  }
0x267: {  	vm2 =	vlt.s32 v42, v59;
	v35, _, _ =	vpop (xrf0)  }
0x268: {  	v52 =	vsub.s32 $0x7FF, v34;
	vm1 =	veq.f32 v40, v43;
	v35 =	vshll.u32 v35, $0xB  }
0x269: {  	vm3 =	vgt.f32 v40, v43;
	vm1 =	vmand vm1, vm2;
	v35 =	vor.u32 v52, v35  }
0x26a: {  	vm1 =	vmor vm3, vm1;
	v35 =	vxor.u32 $0x80000000, v35  }
0x26b: {  	v53 =	vsel vm1, v40, v43;
	v54 =	vsel vm1, v42, v59;
	(xrf1) =	vsort.ascd.msk.u32 $0xffff, v35, v34  }
0x26c: {  	(xrf1) =	vsort.dscd.msk.f32 $0xffff, v53, v54;
	_ =	sdelay $0xc  }
0x26d: {  	_, v34, _ =	vpop (xrf1)  }
0x26e: {  	v55, v36, _ =	vpop (xrf1)  }
0x26f: {  	v56 =	vperm.xlane v55, v1;
	_ =	sdelay $0x1  }
0x270: {  	vm1 =	vgt.f32 v56, v55  }
0x271: {  	vm1 =	vmand vm1, vm0  }
0x272: {  	v57 =	vsel vm1, $0x1, v2  }
0x273: {  	(xrf0) =	vadd.scan.msk.s32 $0xffff, v57;
	_ =	sdelay $0x5  }
0x274: {  	v37, _, _ =	vpop (xrf0)  }
0x275: {  	vm2 =	vlt.s32 v25, v27;
	vm1 =	veq.f32 v45, v26;
	v37 =	vshll.u32 v37, $0xB  }
0x276: {  	vm3 =	vgt.f32 v45, v26;
	vm1 =	vmand vm1, vm2;
	v37 =	vor.u32 v36, v37  }
0x277: {  	vm1 =	vmor vm3, vm1;
	v37 =	vxor.u32 $0x80000000, v37  }
0x278: {  	v26 =	vsel vm1, v45, v26;
	v25 =	vsel vm1, v25, v27;
	(xrf1) =	vsort.ascd.msk.u32 $0xffff, v37, v36  }
0x279: {  	(xrf1) =	vsort.ascd.msk.f32 $0xffff, v26, v25;
	_ =	sdelay $0xc  }
0x27a: {  	_, v25, _ =	vpop (xrf1)  }
0x27b: {  	v26, v27, _ =	vpop (xrf1)  }
0x27c: {  	v58 =	vperm.xlane v26, v1;
	_ =	sdelay $0x1  }
0x27d: {  	vm1 =	vlt.f32 v58, v26  }
0x27e: {  	vm1 =	vmand vm1, vm0  }
0x27f: {  	v59 =	vsel vm1, $0x1, v2  }
0x280: {  	(xrf0) =	vadd.scan.msk.s32 $0xffff, v59;
	_ =	sdelay $0x5  }
0x281: {  	vm2 =	vlt.s32 v29, v34;
	v36, _, _ =	vpop (xrf0)  }
0x282: {  	v60 =	vsub.s32 $0x7FF, v27;
	vm1 =	veq.f32 v28, v49;
	v36 =	vshll.u32 v36, $0xB  }
0x283: {  	vm3 =	vgt.f32 v28, v49;
	vm1 =	vmand vm1, vm2;
	v36 =	vor.u32 v60, v36  }
0x284: {  	vm1 =	vmor vm3, vm1;
	v36 =	vxor.u32 $0x80000000, v36  }
0x285: {  	(xrf1) =	vsort.ascd.msk.u32 $0xffff, v36, v27;
	v27 =	vsel vm1, v28, v49;
	v28 =	vsel vm1, v29, v34  }
0x286: {  	(xrf1) =	vsort.dscd.msk.f32 $0xffff, v27, v28;
	_ =	sdelay $0xc  }
0x287: {  	_, v27, _ =	vpop (xrf1)  }
0x288: {  	v28, v29, _ =	vpop (xrf1)  }
0x289: {  	v61 =	vperm.xlane v28, v1;
	_ =	sdelay $0x1  }
0x28a: {  	vm1 =	vgt.f32 v61, v28  }
0x28b: {  	vm1 =	vmand vm1, vm0  }
0x28c: {  	v62 =	vsel vm1, $0x1, v2  }
0x28d: {  	(xrf0) =	vadd.scan.msk.s32 $0xffff, v62;
	_ =	sdelay $0x5  }
0x28e: {  	v33, _, _ =	vpop (xrf0)  }
0x28f: {  	vm2 =	vlt.s32 v25, v27;
	vm1 =	veq.f32 v55, v26;
	v33 =	vshll.u32 v33, $0xB  }
0x290: {  	vm3 =	vgt.f32 v55, v26;
	vm1 =	vmand vm1, vm2;
	v33 =	vor.u32 v29, v33  }
0x291: {  	vm1 =	vmor vm3, vm1;
	v33 =	vxor.u32 $0x80000000, v33  }
0x292: {  	v26 =	vsel vm1, v55, v26;
	v25 =	vsel vm1, v25, v27;
	(xrf1) =	vsort.ascd.msk.u32 $0xffff, v33, v29  }
0x293: {  	(xrf1) =	vsort.ascd.msk.f32 $0xffff, v26, v25;
	_ =	sdelay $0xc  }
0x294: {  	_, v25, _ =	vpop (xrf1)  }
0x295: {  	v26, v27, _ =	vpop (xrf1)  }
0x296: {  	v29 =	vperm.xlane v26, v1;
	_ =	sdelay $0x1  }
0x297: {  	vm1 =	vlt.f32 v29, v26  }
0x298: {  	vm1 =	vmand vm1, vm0  }
0x299: {  	v29 =	vsel vm1, $0x1, v2  }
0x29a: {  	(xrf0) =	vadd.scan.msk.s32 $0xffff, v29;
	_ =	sdelay $0x5  }
0x29b: {  	v29, _, _ =	vpop (xrf0)  }
0x29c: {  	v63 =	vsub.s32 $0x7FF, v27;
	v29 =	vshll.u32 v29, $0xB  }
0x29d: {  	v29 =	vor.u32 v63, v29  }
0x29e: {  	v29 =	vxor.u32 $0x80000000, v29  }
0x29f: {  	(xrf1) =	vsort.ascd.msk.u32 $0xffff, v29, v27;
	_ =	sdelay $0xd  }
0x2a0: {  	_, v27, _ =	vpop (xrf1)  }
0x2a1: {  	vm1 =	veq.f32 v28, v26;
	vm2 =	vlt.s32 v25, v27  }
0x2a2: {  	vm3 =	vgt.f32 v28, v26;
	vm1 =	vmand vm1, vm2  }
0x2a3: {  	vm1 =	vmor vm3, vm1  }
0x2a4: {  	v26 =	vsel vm1, v28, v26;
	v25 =	vsel vm1, v25, v27  }
0x2a5: {  	(xrf1) =	vsort.dscd.msk.f32 $0xffff, v26, v25;
	_ =	sdelay $0xd  }
0x2a6: {  	v25, v26, _ =	vpop (xrf1)  }
0x2a7: {  	v27 =	vperm.xlane v25, v1;
	_ =	sdelay $0x1  }
0x2a8: {  	vm1 =	vgt.f32 v27, v25  }
0x2a9: {  	vm1 =	vmand vm1, vm0  }
0x2aa: {  	v27 =	vsel vm1, $0x1, v2  }
0x2ab: {  	(xrf0) =	vadd.scan.msk.s32 $0xffff, v27;
	_ =	sdelay $0x5  }
0x2ac: {  	v27, _, _ =	vpop (xrf0)  }
0x2ad: {  	v27 =	vshll.u32 v27, $0xB  }
0x2ae: {  	v27 =	vor.u32 v26, v27  }
0x2af: {  	v27 =	vxor.u32 $0x80000000, v27  }
0x2b0: {  	(xrf1) =	vsort.ascd.msk.u32 $0xffff, v27, v26;
	_ =	sdelay $0x9  }
0x2b1: {  	p0 =	sne.s32 s14, $0x100  }
.Ltmp1:
0x2b2: {  	_ = 	snop;
	(pc) =	sbr.rel @p0 .LBB2_3-.Ltmp1, $3  }
0x2b3: {  	_ =	sdelay $0x1  }
0x2b4: {  	_, v26, _ =	vpop (xrf1)  }
0x2b5: {  	s14 =	sadd.s32 $0x1, s14;
	v29 =	vperm.xlane v30, v8;
	v28 =	vperm.xlane v32, v8;
	v27 =	vmovc v32;
	[tilespmem:s13+$0x0] =	vst v26;
	s13 =	sadd.s32 $0x10, s13;
	v26 =	vmov v30  }
0x2b6: {  	s13 =	simm.s32 $0xFF0  }
0x2b7: {  	v26 =	vadd.s32 s13, v31;
	_ =	sdelay $0x4  }
0x2b8: {  	s14 =	simm.s32 $0xFF;
	v28 =	vld.idx.msk [tilespmem:v26+s8+$0x0], $0xffff  }
0x2b9: {  	v26 =	vmov s14;
	_ =	sdelay $0x3  }
0x2ba: {  	s15 =	simm.s32 $0xFE0;
	s13 =	simm.s32 $0xFE;
	s14 =	simm.s32 $0xFD;
	v27 =	vand.u32 $0x7F, v28;
	v28 =	vshra.s32 v28, $0x7  }
.LBB2_5:
0x2bb: {  	p0 =	sne.s32 s14, $0x1;
	v28 =	vadd.s32 s15, v28;
	[tilespmem:v26+s9+$0x0] =	vst.idx.msk $0x1, v27;
	_ =	sdelay $0x4  }
0x2bc: {  	v28 =	vld.idx.msk [tilespmem:v28+s8+$0x0], $0xffff;
	_ =	sdelay $0x1  }
.Ltmp2:
0x2bd: {  	v26 =	vmov s13;
	s13 =	smov.u32 s14;
	(pc) =	sbr.rel @p0 .LBB2_5-.Ltmp2, $2  }
0x2be: {  	_ =	sdelay $0x2  }
0x2bf: {  	s14 =	sadd.s32 $0xFFFFFFFF, s14;
	s15 =	sadd.s32 $0xFFFFFFF0, s15;
	v27 =	vand.u32 $0x7F, v28;
	v28 =	vshra.s32 v28, $0x7  }
0x2c0: {  	v28 =	vadd.s32 s15, v28;
	_ =	sdelay $0x3  }
0x2c1: {  	[tilespmem:v26+s9+$0x0] =	vst.idx.msk $0x1, v27  }
0x2c2: {  	v26 =	vld.idx.msk [tilespmem:v28+s8+$0x0], $0xffff;
	_ =	sdelay $0x3  }
0x2c3: {  	v27 =	vmov s13  }
0x2c4: {  	v28 =	vshra.s32 v26, $0x7;
	_ =	sdelay $0x2  }
0x2c5: {  	v26 =	vand.u32 $0x7F, v26  }
0x2c6: {  	[tilespmem:v27+s9+$0x0] =	vst.idx.msk $0x1, v26  }
0x2c7: {  	v26 =	vld.idx.msk [tilespmem:v28+s8+$0x0], $0xffff;
	_ =	sdelay $0x4  }
0x2c8: {  	v26 =	vand.u32 $0x7F, v26  }
0x2c9: {  	[tilespmem:v2+s9+$0x0] =	vst.idx.msk $0x1, v26  }
0x2ca: {  	[tilespmem:$0x9100] =	vst v24  }
0x2cb: {  	[tilespmem:$0x9110] =	vst v24  }
0x2cc: {  	[tilespmem:$0x9120] =	vst v24  }
0x2cd: {  	[tilespmem:$0x9130] =	vst v24  }
0x2ce: {  	[tilespmem:$0x9140] =	vst v24  }
0x2cf: {  	[tilespmem:$0x9150] =	vst v24  }
0x2d0: {  	[tilespmem:$0x9160] =	vst v24  }
0x2d1: {  	[tilespmem:$0x9170] =	vst v24  }
0x2d2: {  	[tilespmem:$0x9180] =	vst v24  }
0x2d3: {  	[tilespmem:$0x9190] =	vst v24  }
0x2d4: {  	[tilespmem:$0x91A0] =	vst v24  }
0x2d5: {  	[tilespmem:$0x91B0] =	vst v24  }
0x2d6: {  	[tilespmem:$0x91C0] =	vst v24  }
0x2d7: {  	[tilespmem:$0x91D0] =	vst v24  }
0x2d8: {  	[tilespmem:$0x91E0] =	vst v24  }
0x2d9: {  	[tilespmem:$0x91F0] =	vst v24  }
0x2da: {  	v26 =	vld.idx.msk [tilespmem:v1+s9+$0x0], $0xffff  }
0x2db: {  	v27 =	vld [tilespmem:$0x8000];
	_ =	sdelay $0x2  }
0x2dc: {  	vm1 =	veq.s32 v0, $0x0  }
0x2dd: {  	v26 =	vsel vm1, $0xFFFFFFFF, v26  }
0x2de: {  	vm2 =	vne.s32 v27, $0x5F;
	vm1 =	vne.s32 v27, v26  }
0x2df: {  	vm1 =	vmand vm2, vm1  }
0x2e0: {  	v26 =	vsel vm1, $0x1, v2  }
0x2e1: {  	(xrf0) =	vadd.scan.msk.s32 $0xffff, v26;
	_ =	sdelay $0x5  }
0x2e2: {  	v26, _, _ =	vpop (xrf0)  }
0x2e3: {  	v35 =	vadd.s32 $0xFFFFFFFF, v26;
	_ =	sdelay $0x1  }
0x2e4: {  	v29 =	vadd.s32 $0xF, v0;
	_ =	sdelay $0x2  }
0x2e5: {  	[tilespmem:v35+s10+$0x0] =	vst.idx.msk vm1, v27  }
0x2e6: {  	v27 =	vld [tilespmem:$0x8010]  }
0x2e7: {  	v29 =	vld.idx.msk [tilespmem:v29+s9+$0x0], $0xffff;
	_ =	sdelay $0x4  }
0x2e8: {  	vm1 =	vne.s32 v27, v29;
	vm2 =	vne.s32 v27, $0x5F  }
0x2e9: {  	vm1 =	vmand vm2, vm1  }
0x2ea: {  	v36 =	vsel vm1, $0x1, v2  }
0x2eb: {  	(xrf0) =	vadd.scan.msk.s32 $0xffff, v36;
	_ =	sdelay $0x4  }
0x2ec: {  	v28 =	vbroadcast v35, $0xF  }
0x2ed: {  	v29, _, _ =	vpop (xrf0)  }
0x2ee: {  	(v2sf) =	vpush v26, $0xF;
	v26 =	vadd.s32 v29, v28  }
0x2ef: {  	(v2sf) =	vpush v29, $0xF  }
0x2f0: {  	v37 =	vadd.s32 $0x1F, v0;
	_ =	sdelay $0x2  }
0x2f1: {  	[tilespmem:v26+s10+$0x0] =	vst.idx.msk vm1, v27  }
0x2f2: {  	v26 =	vld [tilespmem:$0x8020]  }
0x2f3: {  	v27 =	vld.idx.msk [tilespmem:v37+s9+$0x0], $0xffff;
	_ =	sdelay $0x4  }
0x2f4: {  	vm1 =	vne.s32 v26, v27;
	vm2 =	vne.s32 v26, $0x5F  }
0x2f5: {  	vm1 =	vmand vm2, vm1  }
0x2f6: {  	v27 =	vsel vm1, $0x1, v2  }
0x2f7: {  	s17 =	spop (v2sf);
	(xrf0) =	vadd.scan.msk.s32 $0xffff, v27  }
0x2f8: {  	s14 =	spop (v2sf)  }
0x2f9: {  	s13 =	sadd.s32 s17, s14  }
0x2fa: {  	v27 =	vmov s13  }
0x2fb: {  	v27 =	vadd.s32 $0xFFFFFFFF, v27  }
0x2fc: {  	v27 =	vbroadcast v27, $0x0  }
0x2fd: {  	v38, _, _ =	vpop (xrf0)  }
0x2fe: {  	v27 =	vadd.s32 v38, v27  }
0x2ff: {  	(v2sf) =	vpush v38, $0xF  }
0x300: {  	v39 =	vadd.s32 $0x2F, v0;
	_ =	sdelay $0x2  }
0x301: {  	[tilespmem:v27+s10+$0x0] =	vst.idx.msk vm1, v26  }
0x302: {  	v26 =	vld [tilespmem:$0x8030]  }
0x303: {  	v27 =	vld.idx.msk [tilespmem:v39+s9+$0x0], $0xffff;
	_ =	sdelay $0x4  }
0x304: {  	vm1 =	vne.s32 v26, v27;
	vm2 =	vne.s32 v26, $0x5F  }
0x305: {  	vm1 =	vmand vm2, vm1  }
0x306: {  	v27 =	vsel vm1, $0x1, v2  }
0x307: {  	(xrf0) =	vadd.scan.msk.s32 $0xffff, v27  }
0x308: {  	s18 =	spop (v2sf)  }
0x309: {  	s13 =	sadd.s32 s13, s18  }
0x30a: {  	v27 =	vmov s13  }
0x30b: {  	v27 =	vadd.s32 $0xFFFFFFFF, v27  }
0x30c: {  	v27 =	vbroadcast v27, $0x0  }
0x30d: {  	v40, _, _ =	vpop (xrf0)  }
0x30e: {  	v27 =	vadd.s32 v40, v27  }
0x30f: {  	(v2sf) =	vpush v40, $0xF  }
0x310: {  	v41 =	vadd.s32 $0x3F, v0;
	_ =	sdelay $0x2  }
0x311: {  	[tilespmem:v27+s10+$0x0] =	vst.idx.msk vm1, v26  }
0x312: {  	v26 =	vld [tilespmem:$0x8040]  }
0x313: {  	v27 =	vld.idx.msk [tilespmem:v41+s9+$0x0], $0xffff;
	_ =	sdelay $0x4  }
0x314: {  	vm1 =	vne.s32 v26, v27;
	vm2 =	vne.s32 v26, $0x5F  }
0x315: {  	vm1 =	vmand vm2, vm1  }
0x316: {  	v27 =	vsel vm1, $0x1, v2  }
0x317: {  	(xrf0) =	vadd.scan.msk.s32 $0xffff, v27  }
0x318: {  	s19 =	spop (v2sf)  }
0x319: {  	s13 =	sadd.s32 s13, s19  }
0x31a: {  	v27 =	vmov s13  }
0x31b: {  	v27 =	vadd.s32 $0xFFFFFFFF, v27  }
0x31c: {  	v27 =	vbroadcast v27, $0x0  }
0x31d: {  	v42, _, _ =	vpop (xrf0)  }
0x31e: {  	v27 =	vadd.s32 v42, v27  }
0x31f: {  	(v2sf) =	vpush v42, $0xF  }
0x320: {  	v43 =	vadd.s32 $0x4F, v0;
	_ =	sdelay $0x2  }
0x321: {  	[tilespmem:v27+s10+$0x0] =	vst.idx.msk vm1, v26  }
0x322: {  	v26 =	vld [tilespmem:$0x8050]  }
0x323: {  	v27 =	vld.idx.msk [tilespmem:v43+s9+$0x0], $0xffff;
	_ =	sdelay $0x4  }
0x324: {  	vm1 =	vne.s32 v26, v27;
	vm2 =	vne.s32 v26, $0x5F  }
0x325: {  	vm1 =	vmand vm2, vm1  }
0x326: {  	v27 =	vsel vm1, $0x1, v2  }
0x327: {  	(xrf0) =	vadd.scan.msk.s32 $0xffff, v27  }
0x328: {  	s20 =	spop (v2sf)  }
0x329: {  	s13 =	sadd.s32 s13, s20  }
0x32a: {  	v27 =	vmov s13  }
0x32b: {  	v27 =	vadd.s32 $0xFFFFFFFF, v27  }
0x32c: {  	v27 =	vbroadcast v27, $0x0  }
0x32d: {  	v44, _, _ =	vpop (xrf0)  }
0x32e: {  	v27 =	vadd.s32 v44, v27  }
0x32f: {  	(v2sf) =	vpush v44, $0xF  }
0x330: {  	v45 =	vadd.s32 $0x5F, v0;
	_ =	sdelay $0x2  }
0x331: {  	[tilespmem:v27+s10+$0x0] =	vst.idx.msk vm1, v26  }
0x332: {  	v26 =	vld [tilespmem:$0x8060]  }
0x333: {  	v27 =	vld.idx.msk [tilespmem:v45+s9+$0x0], $0xffff;
	_ =	sdelay $0x4  }
0x334: {  	vm1 =	vne.s32 v26, v27;
	vm2 =	vne.s32 v26, $0x5F  }
0x335: {  	vm1 =	vmand vm2, vm1  }
0x336: {  	v27 =	vsel vm1, $0x1, v2  }
0x337: {  	(xrf0) =	vadd.scan.msk.s32 $0xffff, v27  }
0x338: {  	s21 =	spop (v2sf)  }
0x339: {  	s13 =	sadd.s32 s13, s21  }
0x33a: {  	v27 =	vmov s13  }
0x33b: {  	v27 =	vadd.s32 $0xFFFFFFFF, v27  }
0x33c: {  	v27 =	vbroadcast v27, $0x0  }
0x33d: {  	v46, _, _ =	vpop (xrf0)  }
0x33e: {  	v27 =	vadd.s32 v46, v27  }
0x33f: {  	(v2sf) =	vpush v46, $0xF  }
0x340: {  	v47 =	vadd.s32 $0x6F, v0;
	_ =	sdelay $0x2  }
0x341: {  	[tilespmem:v27+s10+$0x0] =	vst.idx.msk vm1, v26  }
0x342: {  	v26 =	vld [tilespmem:$0x8070]  }
0x343: {  	v27 =	vld.idx.msk [tilespmem:v47+s9+$0x0], $0xffff;
	_ =	sdelay $0x4  }
0x344: {  	vm1 =	vne.s32 v26, v27;
	vm2 =	vne.s32 v26, $0x5F  }
0x345: {  	vm1 =	vmand vm2, vm1  }
0x346: {  	v27 =	vsel vm1, $0x1, v2  }
0x347: {  	(xrf0) =	vadd.scan.msk.s32 $0xffff, v27  }
0x348: {  	s22 =	spop (v2sf)  }
0x349: {  	s13 =	sadd.s32 s13, s22  }
0x34a: {  	v27 =	vmov s13  }
0x34b: {  	v27 =	vadd.s32 $0xFFFFFFFF, v27  }
0x34c: {  	v27 =	vbroadcast v27, $0x0  }
0x34d: {  	v48, _, _ =	vpop (xrf0)  }
0x34e: {  	v27 =	vadd.s32 v48, v27  }
0x34f: {  	(v2sf) =	vpush v48, $0xF  }
0x350: {  	v49 =	vadd.s32 $0x7F, v0;
	_ =	sdelay $0x2  }
0x351: {  	[tilespmem:v27+s10+$0x0] =	vst.idx.msk vm1, v26  }
0x352: {  	v26 =	vld [tilespmem:$0x8080]  }
0x353: {  	v27 =	vld.idx.msk [tilespmem:v49+s9+$0x0], $0xffff;
	_ =	sdelay $0x4  }
0x354: {  	vm1 =	vne.s32 v26, v27;
	vm2 =	vne.s32 v26, $0x5F  }
0x355: {  	vm1 =	vmand vm2, vm1  }
0x356: {  	v27 =	vsel vm1, $0x1, v2  }
0x357: {  	(xrf0) =	vadd.scan.msk.s32 $0xffff, v27  }
0x358: {  	s23 =	spop (v2sf)  }
0x359: {  	s13 =	sadd.s32 s13, s23  }
0x35a: {  	v27 =	vmov s13  }
0x35b: {  	v27 =	vadd.s32 $0xFFFFFFFF, v27  }
0x35c: {  	v27 =	vbroadcast v27, $0x0  }
0x35d: {  	v50, _, _ =	vpop (xrf0)  }
0x35e: {  	v27 =	vadd.s32 v50, v27  }
0x35f: {  	(v2sf) =	vpush v50, $0xF  }
0x360: {  	v51 =	vadd.s32 $0x8F, v0;
	_ =	sdelay $0x2  }
0x361: {  	[tilespmem:v27+s10+$0x0] =	vst.idx.msk vm1, v26  }
0x362: {  	v26 =	vld [tilespmem:$0x8090]  }
0x363: {  	v27 =	vld.idx.msk [tilespmem:v51+s9+$0x0], $0xffff;
	_ =	sdelay $0x4  }
0x364: {  	vm1 =	vne.s32 v26, v27;
	vm2 =	vne.s32 v26, $0x5F  }
0x365: {  	vm1 =	vmand vm2, vm1  }
0x366: {  	v27 =	vsel vm1, $0x1, v2  }
0x367: {  	(xrf0) =	vadd.scan.msk.s32 $0xffff, v27  }
0x368: {  	s24 =	spop (v2sf)  }
0x369: {  	s13 =	sadd.s32 s13, s24  }
0x36a: {  	v27 =	vmov s13  }
0x36b: {  	v27 =	vadd.s32 $0xFFFFFFFF, v27  }
0x36c: {  	v27 =	vbroadcast v27, $0x0  }
0x36d: {  	v52, _, _ =	vpop (xrf0)  }
0x36e: {  	v27 =	vadd.s32 v52, v27  }
0x36f: {  	(v2sf) =	vpush v52, $0xF  }
0x370: {  	v53 =	vadd.s32 $0x9F, v0;
	_ =	sdelay $0x2  }
0x371: {  	[tilespmem:v27+s10+$0x0] =	vst.idx.msk vm1, v26  }
0x372: {  	v26 =	vld [tilespmem:$0x80A0]  }
0x373: {  	v27 =	vld.idx.msk [tilespmem:v53+s9+$0x0], $0xffff;
	_ =	sdelay $0x4  }
0x374: {  	vm1 =	vne.s32 v26, v27;
	vm2 =	vne.s32 v26, $0x5F  }
0x375: {  	vm1 =	vmand vm2, vm1  }
0x376: {  	v27 =	vsel vm1, $0x1, v2  }
0x377: {  	(xrf0) =	vadd.scan.msk.s32 $0xffff, v27  }
0x378: {  	s25 =	spop (v2sf)  }
0x379: {  	s13 =	sadd.s32 s13, s25  }
0x37a: {  	v27 =	vmov s13  }
0x37b: {  	v27 =	vadd.s32 $0xFFFFFFFF, v27  }
0x37c: {  	v27 =	vbroadcast v27, $0x0  }
0x37d: {  	v54, _, _ =	vpop (xrf0)  }
0x37e: {  	v27 =	vadd.s32 v54, v27  }
0x37f: {  	(v2sf) =	vpush v54, $0xF  }
0x380: {  	v55 =	vadd.s32 $0xAF, v0;
	_ =	sdelay $0x2  }
0x381: {  	[tilespmem:v27+s10+$0x0] =	vst.idx.msk vm1, v26  }
0x382: {  	v26 =	vld [tilespmem:$0x80B0]  }
0x383: {  	v27 =	vld.idx.msk [tilespmem:v55+s9+$0x0], $0xffff;
	_ =	sdelay $0x4  }
0x384: {  	vm1 =	vne.s32 v26, v27;
	vm2 =	vne.s32 v26, $0x5F  }
0x385: {  	vm1 =	vmand vm2, vm1  }
0x386: {  	v27 =	vsel vm1, $0x1, v2  }
0x387: {  	(xrf0) =	vadd.scan.msk.s32 $0xffff, v27  }
0x388: {  	s26 =	spop (v2sf)  }
0x389: {  	s13 =	sadd.s32 s13, s26  }
0x38a: {  	v27 =	vmov s13  }
0x38b: {  	v27 =	vadd.s32 $0xFFFFFFFF, v27  }
0x38c: {  	v27 =	vbroadcast v27, $0x0  }
0x38d: {  	v56, _, _ =	vpop (xrf0)  }
0x38e: {  	v27 =	vadd.s32 v56, v27  }
0x38f: {  	(v2sf) =	vpush v56, $0xF  }
0x390: {  	v57 =	vadd.s32 $0xBF, v0;
	_ =	sdelay $0x2  }
0x391: {  	[tilespmem:v27+s10+$0x0] =	vst.idx.msk vm1, v26  }
0x392: {  	v26 =	vld [tilespmem:$0x80C0]  }
0x393: {  	v27 =	vld.idx.msk [tilespmem:v57+s9+$0x0], $0xffff;
	_ =	sdelay $0x4  }
0x394: {  	vm1 =	vne.s32 v26, v27;
	vm2 =	vne.s32 v26, $0x5F  }
0x395: {  	vm1 =	vmand vm2, vm1  }
0x396: {  	v27 =	vsel vm1, $0x1, v2  }
0x397: {  	(xrf0) =	vadd.scan.msk.s32 $0xffff, v27  }
0x398: {  	s28 =	spop (v2sf)  }
0x399: {  	s13 =	sadd.s32 s13, s28  }
0x39a: {  	v27 =	vmov s13  }
0x39b: {  	v27 =	vadd.s32 $0xFFFFFFFF, v27  }
0x39c: {  	v27 =	vbroadcast v27, $0x0  }
0x39d: {  	v58, _, _ =	vpop (xrf0)  }
0x39e: {  	v27 =	vadd.s32 v58, v27  }
0x39f: {  	(v2sf) =	vpush v58, $0xF  }
0x3a0: {  	v59 =	vadd.s32 $0xCF, v0;
	_ =	sdelay $0x2  }
0x3a1: {  	[tilespmem:v27+s10+$0x0] =	vst.idx.msk vm1, v26  }
0x3a2: {  	v26 =	vld [tilespmem:$0x80D0]  }
0x3a3: {  	v27 =	vld.idx.msk [tilespmem:v59+s9+$0x0], $0xffff;
	_ =	sdelay $0x4  }
0x3a4: {  	vm1 =	vne.s32 v26, v27;
	vm2 =	vne.s32 v26, $0x5F  }
0x3a5: {  	vm1 =	vmand vm2, vm1  }
0x3a6: {  	v27 =	vsel vm1, $0x1, v2  }
0x3a7: {  	(xrf0) =	vadd.scan.msk.s32 $0xffff, v27  }
0x3a8: {  	s29 =	spop (v2sf)  }
0x3a9: {  	s13 =	sadd.s32 s13, s29  }
0x3aa: {  	v27 =	vmov s13  }
0x3ab: {  	v27 =	vadd.s32 $0xFFFFFFFF, v27  }
0x3ac: {  	v27 =	vbroadcast v27, $0x0  }
0x3ad: {  	v60, _, _ =	vpop (xrf0)  }
0x3ae: {  	v27 =	vadd.s32 v60, v27  }
0x3af: {  	(v2sf) =	vpush v60, $0xF  }
0x3b0: {  	v61 =	vadd.s32 $0xDF, v0;
	_ =	sdelay $0x2  }
0x3b1: {  	[tilespmem:v27+s10+$0x0] =	vst.idx.msk vm1, v26  }
0x3b2: {  	v26 =	vld [tilespmem:$0x80E0]  }
0x3b3: {  	v27 =	vld.idx.msk [tilespmem:v61+s9+$0x0], $0xffff;
	_ =	sdelay $0x4  }
0x3b4: {  	vm1 =	vne.s32 v26, v27;
	vm2 =	vne.s32 v26, $0x5F  }
0x3b5: {  	vm1 =	vmand vm2, vm1  }
0x3b6: {  	v27 =	vsel vm1, $0x1, v2  }
0x3b7: {  	(xrf0) =	vadd.scan.msk.s32 $0xffff, v27  }
0x3b8: {  	s30 =	spop (v2sf)  }
0x3b9: {  	s13 =	sadd.s32 s13, s30  }
0x3ba: {  	v27 =	vmov s13  }
0x3bb: {  	v27 =	vadd.s32 $0xFFFFFFFF, v27  }
0x3bc: {  	v27 =	vbroadcast v27, $0x0  }
0x3bd: {  	v62, _, _ =	vpop (xrf0)  }
0x3be: {  	v27 =	vadd.s32 v62, v27  }
0x3bf: {  	(v2sf) =	vpush v62, $0xF  }
0x3c0: {  	v63 =	vadd.s32 $0xEF, v0;
	_ =	sdelay $0x2  }
0x3c1: {  	[tilespmem:v27+s10+$0x0] =	vst.idx.msk vm1, v26  }
0x3c2: {  	v26 =	vld [tilespmem:$0x80F0]  }
0x3c3: {  	v27 =	vld.idx.msk [tilespmem:v63+s9+$0x0], $0xffff;
	_ =	sdelay $0x4  }
0x3c4: {  	vm1 =	vne.s32 v26, v27;
	vm2 =	vne.s32 v26, $0x5F  }
0x3c5: {  	vm1 =	vmand vm2, vm1  }
0x3c6: {  	v27 =	vsel vm1, $0x1, v2  }
0x3c7: {  	(xrf0) =	vadd.scan.msk.s32 $0xffff, v27  }
0x3c8: {  	v25 =	vmul.f32 $1.442695020e+00, v25;
	s31 =	spop (v2sf)  }
0x3c9: {  	s13 =	sadd.s32 s13, s31  }
0x3ca: {  	(erf) = vpow2.f32 v25;
	v27 =	vmov s13  }
0x3cb: {  	v25 =	vadd.s32 $0xFFFFFFFF, v27  }
0x3cc: {  	v25 =	vbroadcast v25, $0x0  }
0x3cd: {  	v27, _, _ =	vpop (xrf0)  }
0x3ce: {  	v25 =	vadd.s32 v27, v25;
	_ =	sdelay $0x4  }
0x3cf: {  	[tilespmem:v25+s10+$0x0] =	vst.idx.msk vm1, v26;
	v25 =	vpop (erf)  }
0x3d0: {  	[tilespmem:$0x9200] =	vst v25  }
0x3d1: {  	[hbm4b:s3+s2] =	stream.linear.scatter [tilespmem:s10], [sflag:$0x1], $0x100, $0x38;
	[tilespmem:$0x9280] =	vst v63  }
0x3d2: {  	s12 =	sadd.s32 $0x1, s12;
	_ =	swait.ge [sflag:s7], $0x100  }
0x3d3: {  	p0 =	sne.s32 s12, s6;
	[sflag:s7] =	ssyncset.done $0x0  }
.Ltmp3:
0x3d4: {  	[sflag:s7] =	ssyncadd.s32 $0xFFFFFF00;
	(pc) =	sbr.rel @p0 .LBB2_2-.Ltmp3, $4  }
0x3d5: {  	[hbm4b:s4+s2] =	stream.linear.scatter [tilespmem:s11], [sflag:$0x1], $0x10, $0x38;
	[tilespmem:$0x9280] =	vst v63  }
0x3d6: {  	_ =	swait.ge [sflag:s7], $0x10  }
0x3d7: {  	[sflag:s7] =	ssyncset.done $0x0  }
0x3d8: {  	[sflag:s7] =	ssyncadd.s32 $0xFFFFFFF0  }
.LBB2_7:
0x3d9: {  	_ =	sfence.sel $0x180000  }
0x3da: {  	[bflag:$0x0] =	sbarrier.arrive $0xFFFF  }
0x3db: {  	p0 =	sne.s32 s1, $0x0;
	_ =	strace $0x90000047  }
0x3dc: {  	s0 =	sadd.s32 @!p0 $0x100000, s0;
	[bflag:$0x2] =	sbarrier.arrive $0xFFFF  }
0x3dd: {  	[sflag:s0] =	ssyncadd.tile.s32 @!p0 $0x1;
	_ =	shalt  }
.Lfunc_end2:
_tile_overlayer_lowered:
.L_overlay_start_2:
0x3de: {  	(tag) =	ssettag $0x2  }
0x3df: {  	s0 =	rddreg [dreg:$0x0];
	s2 =	stileid.u32  }
0x3e0: {  	s1 =	rddreg [dreg:$0x1];
	p0 =	sne.s32 s2, $0x0  }
0x3e1: {  	s3 =	rddreg [dreg:$0x2];
	[bflag:$0x3] =	sbarrier.arrive $0xFFFF;
	s2 =	simm.s32 @!p0 $0x1C01  }
0x3e2: {  	[timem:s3], [sflag:s2] =	dma.local @!p0 [hbm:s0], s1  }
0x3e3: {  	s0 =	simm.s32 @!p0 $0x1  }
0x3e4: {  	_ =	swait.ge @!p0 [sflag:s0], s1  }
0x3e5: {  	s1 =	ssub.s32 @!p0 $0x0, s1;
	[sflag:s0] =	ssyncset.done @!p0 $0x0  }
0x3e6: {  	[sflag:s0] =	ssyncadd.s32 @!p0 s1  }
0x3e7: {  	[bflag:$0x3] =	sbarrier.arrive $0xFFFF  }
0x3e8: {  	_ =	shalt  }

</sc_bundles>
